<compile_context>
chip_gen: v7x
topology: tpu7x:2x2x1
jax: 0.10.2.dev20260603
libtpu: 0.0.44.dev20260713+nightly
codegen_flags: <defaults>
</compile_context>

<pallas_src>
import functools

import jax
import jax.numpy as jnp
from jax import lax
from jax.experimental import pallas as pl
from jax.experimental.pallas import tpu as pltpu
from jax.experimental.pallas import tpu_sc as plsc

N = 10000
E = 160000
IN = 32
OUT = 32
R = 64

NC = 2
NS = 16
NW = NC * NS
LANES = 16

GW = 128
RPG = GW // OUT
RG = R // RPG
CHUNK = 256
TOT_CHUNKS = E // CHUNK
BIG_WORKERS = TOT_CHUNKS - NW * (TOT_CHUNKS // NW)
NCH_BIG = TOT_CHUNKS // NW + 1
NCH_SMALL = TOT_CHUNKS // NW
NCH_MAX = NCH_BIG
N_PAD = 10240
ROWS_PER_SUB = N_PAD // NS

_SC_MESH = plsc.VectorSubcoreMesh(core_axis_name="c", subcore_axis_name="s")


def _mm_body(f_ref, w_ref, o_ref):
    w2 = jnp.swapaxes(w_ref[...], 0, 1).reshape(IN, GW)
    o_ref[...] = jnp.dot(f_ref[...], w2,
                         preferred_element_type=jnp.float32)[None]


def _transform_all(feat, w):
    return pl.pallas_call(
        _mm_body,
        grid=(RG,),
        in_specs=[
            pl.BlockSpec((N, IN), lambda i: (0, 0)),
            pl.BlockSpec((RPG, IN, OUT), lambda i: (i, 0, 0)),
        ],
        out_specs=pl.BlockSpec((1, N, GW), lambda i: (i, 0, 0)),
        out_shape=jax.ShapeDtypeStruct((RG, N, GW), jnp.float32),
    )(feat, w)


def _sc_body(table, ei2, et2, part,
             src_v, et_v, dst_v, gidx_v, rows_a, rows_b, zb_v, acc,
             sem_a, sem_b):
    c = lax.axis_index("c")
    s = lax.axis_index("s")

    for k in range(LANES):
        zb_v[k, pl.ds(0, LANES)] = jnp.zeros((LANES,), jnp.float32)
        zb_v[k, pl.ds(LANES, LANES)] = jnp.zeros((LANES,), jnp.float32)

    def zbody(k, carry):
        pltpu.sync_copy(zb_v, acc.at[pl.ds(s * ROWS_PER_SUB + k * LANES, LANES)])
        return carry

    lax.fori_loop(0, ROWS_PER_SUB // LANES, zbody, 0)
    plsc.subcore_barrier()

    wid = c * NS + s

    def work(nch, base):
        pltpu.sync_copy(ei2.at[pl.ds(base, nch)], src_v.at[pl.ds(0, nch)])
        pltpu.sync_copy(ei2.at[pl.ds(TOT_CHUNKS + base, nch)],
                        dst_v.at[pl.ds(0, nch)])
        pltpu.sync_copy(et2.at[pl.ds(base, nch)], et_v.at[pl.ds(0, nch)])

        def ibody(j, carry):
            for k in range(CHUNK // LANES):
                sv = src_v[j, pl.ds(k * LANES, LANES)]
                ev = et_v[j, pl.ds(k * LANES, LANES)]
                gidx_v[j, pl.ds(k * LANES, LANES)] = (
                    (ev >> jnp.int32(2)) * jnp.int32(N * RPG)
                    + (sv << jnp.int32(2)) + (ev & jnp.int32(RPG - 1)))
            return carry

        lax.fori_loop(0, nch, ibody, 0)

        bufs = (rows_a, rows_b)
        sems = (sem_a, sem_b)
        pltpu.async_copy(table.at[gidx_v.at[0]], rows_a, sem_a)

        def cbody(j, carry):
            for p in range(2):
                cur = 2 * j + p
                nxt = cur + 1

                @pl.when(nxt < nch)
                def _():
                    pltpu.async_copy(table.at[gidx_v.at[nxt]],
                                     bufs[(p + 1) % 2], sems[(p + 1) % 2])

                pltpu.make_async_copy(table.at[gidx_v.at[cur]], bufs[p],
                                      sems[p]).wait()
                pltpu.sync_copy(bufs[p], acc.at[dst_v.at[cur]], add=True)
            return carry

        lax.fori_loop(0, nch // 2, cbody, 0)
        if nch % 2:
            q = (nch - 1) % 2
            pltpu.make_async_copy(table.at[gidx_v.at[nch - 1]], bufs[q],
                                  sems[q]).wait()
            pltpu.sync_copy(bufs[q], acc.at[dst_v.at[nch - 1]], add=True)

    lax.cond(wid < jnp.int32(BIG_WORKERS),
             lambda: work(NCH_BIG, wid * NCH_BIG),
             lambda: work(NCH_SMALL, wid * NCH_SMALL + BIG_WORKERS))
    plsc.subcore_barrier()

    pltpu.sync_copy(acc.at[pl.ds(s * ROWS_PER_SUB, ROWS_PER_SUB)],
                    part.at[c, pl.ds(s * ROWS_PER_SUB, ROWS_PER_SUB)])


_sc_call = functools.partial(
    pl.kernel,
    out_type=jax.ShapeDtypeStruct((NC, N_PAD, OUT), jnp.float32),
    mesh=_SC_MESH,
    scratch_types=[
        pltpu.VMEM((NCH_MAX, CHUNK), jnp.int32),
        pltpu.VMEM((NCH_MAX, CHUNK), jnp.int32),
        pltpu.VMEM((NCH_MAX, CHUNK), jnp.int32),
        pltpu.VMEM((NCH_MAX, CHUNK), jnp.int32),
        pltpu.VMEM((CHUNK, OUT), jnp.float32),
        pltpu.VMEM((CHUNK, OUT), jnp.float32),
        pltpu.VMEM((LANES, OUT), jnp.float32),
        pltpu.VMEM_SHARED((N_PAD, OUT), jnp.float32),
        pltpu.SemaphoreType.DMA,
        pltpu.SemaphoreType.DMA,
    ],
    compiler_params=pltpu.CompilerParams(use_tc_tiling_on_sc=False,
                                         needs_layout_passes=False),
)(_sc_body)


def _add_body(p_ref, o_ref):
    o_ref[...] = p_ref[0, :N * OUT // 128] + p_ref[1, :N * OUT // 128]


def _sum_partials(part):
    part4 = part.reshape(NC, N_PAD * OUT // 128, 128)
    out4 = pl.pallas_call(
        _add_body,
        out_shape=jax.ShapeDtypeStruct((N * OUT // 128, 128), jnp.float32),
    )(part4)
    return out4.reshape(N, OUT)


def kernel(feat, weight, edge_index, etypes):
    table = _transform_all(feat, weight).reshape(RG * N * RPG, OUT)

    ei2 = edge_index.reshape(2 * TOT_CHUNKS, CHUNK)
    et2 = etypes.reshape(TOT_CHUNKS, CHUNK)

    part = _sc_call(table, ei2, et2)
    return _sum_partials(part)

# --- scband reference (transcript-rebuilt; emitter-appended) ---
"""Pipeline reference for scband-rgcnhigh-mem-4475355922762 (READ-ONLY COPY).

The authoritative reference and input builder live on the scoring server;
editing this copy changes nothing except your own understanding.
"""

import jax, jax.numpy as jnp
import numpy as np

N = 10000   # n_nodes
E = 160000  # n_edges (avg_degree=16)
IN = 32     # in_feat
OUT = 32    # out_feat
R = 64      # num_rels


def setup_inputs(seed: int = 0) -> dict:
    key = jax.random.key(seed)
    k1, k2, k3, k4 = jax.random.split(key, 4)
    feat = jax.random.normal(k1, (N, IN), dtype=jnp.float32)
    # learned parameter: per-relation weight tensor [num_rels, in_feat, out_feat]
    weight = jax.random.normal(k2, (R, IN, OUT), dtype=jnp.float32)
    # graph as COO edge_index: row 0 = src node ids, row 1 = dst node ids
    edge_index = jax.random.randint(k3, (2, E), 0, N, dtype=jnp.int32)
    # per-edge relation type
    etypes = jax.random.randint(k4, (E,), 0, R, dtype=jnp.int32)
    return {"feat": feat, "weight": weight, "edge_index": edge_index, "etypes": etypes}


def reference(feat, weight, edge_index, etypes):
    src = edge_index[0]
    dst = edge_index[1]
    # message(): weight.index_select(0, etypes) -> [E, in, out]  (the high-mem gather)
    w_e = jnp.take(weight, etypes, axis=0)
    # edges.src['h'].unsqueeze(1) bmm weight -> squeeze(1): [E, out]
    h_src = jnp.take(feat, src, axis=0)
    msg = jnp.einsum('ei,eio->eo', h_src, w_e)
    # fn.sum('m', 'h'): scatter-add messages to destination nodes
    out = jax.ops.segment_sum(msg, dst, num_segments=N)
    return out

if __name__ == "__main__":
    import jax
    _d = setup_inputs()
    print(jax.jit(kernel)(*tuple(_d.values())))

</pallas_src>

<mosaic_0001>
#map = affine_map<(d0, d1) -> (0, 0)>
#map1 = affine_map<(d0, d1) -> (0, 0, 0)>
module attributes {stable_mosaic.version = 14 : i64} {
  func.func @_sc_body(%arg0: i32, %arg1: i32, %arg2: memref<640000x32xf32, #tpu.memory_space<hbm>>, %arg3: memref<1250x256xi32, #tpu.memory_space<hbm>>, %arg4: memref<625x256xi32, #tpu.memory_space<hbm>>, %arg5: memref<2x10240x32xf32, #tpu.memory_space<hbm>>, %arg6: memref<20x256xi32, #tpu.memory_space<vmem>>, %arg7: memref<20x256xi32, #tpu.memory_space<vmem>>, %arg8: memref<20x256xi32, #tpu.memory_space<vmem>>, %arg9: memref<20x256xi32, #tpu.memory_space<vmem>>, %arg10: memref<256x32xf32, #tpu.memory_space<vmem>>, %arg11: memref<256x32xf32, #tpu.memory_space<vmem>>, %arg12: memref<16x32xf32, #tpu.memory_space<vmem>>, %arg13: memref<10240x32xf32, #tpu.memory_space<vmem_shared>>, %arg14: memref<!tpu.dma_semaphore, #tpu.memory_space<semaphore_mem>>, %arg15: memref<!tpu.dma_semaphore, #tpu.memory_space<semaphore_mem>>) attributes {dimension_semantics = [#tpu.dimension_semantics<core_parallel>, #tpu.dimension_semantics<subcore_parallel>], iteration_bounds = array<i64: 2, 16>, scalar_prefetch = 0 : i64, scratch_operands = 10 : i64, tpu.core_type = #tpu.core_type<sc_vector_subcore>, window_params = [{transform_indices = #map}, {transform_indices = #map}, {transform_indices = #map}, {transform_indices = #map1}]} {
    %broadcast_in_dim3A = arith.constant 0.000000e+00 : f32
    %broadcast_in_dim3A_0 = vector.broadcast %broadcast_in_dim3A : f32 to vector<16xf32>
    %swap3A = arith.constant 0 : i32
    %swap3A_1 = arith.index_cast %swap3A : i32 to index
    %swap3A_2 = arith.constant 0 : index
    %swap3A_3 = tpu.vector_load %arg12[%swap3A_1, %swap3A_2] {strides = array<i32>} : memref<16x32xf32, #tpu.memory_space<vmem>>, vector<16xf32>,
    tpu.vector_store %arg12[%swap3A_1, %swap3A_2], %broadcast_in_dim3A_0 {strides = array<i32>} : memref<16x32xf32, #tpu.memory_space<vmem>>, vector<16xf32>,
    %broadcast_in_dim3A_4 = arith.constant 0.000000e+00 : f32
    %broadcast_in_dim3A_5 = vector.broadcast %broadcast_in_dim3A_4 : f32 to vector<16xf32>
    %swap3A_6 = arith.constant 0 : i32
    %swap3A_7 = arith.index_cast %swap3A_6 : i32 to index
    %swap3A_8 = arith.constant 16 : index
    %swap3A_9 = tpu.vector_load %arg12[%swap3A_7, %swap3A_8] {strides = array<i32>} : memref<16x32xf32, #tpu.memory_space<vmem>>, vector<16xf32>,
    tpu.vector_store %arg12[%swap3A_7, %swap3A_8], %broadcast_in_dim3A_5 {strides = array<i32>} : memref<16x32xf32, #tpu.memory_space<vmem>>, vector<16xf32>,
    %broadcast_in_dim3A_10 = arith.constant 0.000000e+00 : f32
    %broadcast_in_dim3A_11 = vector.broadcast %broadcast_in_dim3A_10 : f32 to vector<16xf32>
    %swap3A_12 = arith.constant 1 : i32
    %swap3A_13 = arith.index_cast %swap3A_12 : i32 to index
    %swap3A_14 = arith.constant 0 : index
    %swap3A_15 = tpu.vector_load %arg12[%swap3A_13, %swap3A_14] {strides = array<i32>} : memref<16x32xf32, #tpu.memory_space<vmem>>, vector<16xf32>,
    tpu.vector_store %arg12[%swap3A_13, %swap3A_14], %broadcast_in_dim3A_11 {strides = array<i32>} : memref<16x32xf32, #tpu.memory_space<vmem>>, vector<16xf32>,
    %broadcast_in_dim3A_16 = arith.constant 0.000000e+00 : f32
    %broadcast_in_dim3A_17 = vector.broadcast %broadcast_in_dim3A_16 : f32 to vector<16xf32>
    %swap3A_18 = arith.constant 1 : i32
    %swap3A_19 = arith.index_cast %swap3A_18 : i32 to index
    %swap3A_20 = arith.constant 16 : index
    %swap3A_21 = tpu.vector_load %arg12[%swap3A_19, %swap3A_20] {strides = array<i32>} : memref<16x32xf32, #tpu.memory_space<vmem>>, vector<16xf32>,
    tpu.vector_store %arg12[%swap3A_19, %swap3A_20], %broadcast_in_dim3A_17 {strides = array<i32>} : memref<16x32xf32, #tpu.memory_space<vmem>>, vector<16xf32>,
    %broadcast_in_dim3A_22 = arith.constant 0.000000e+00 : f32
    %broadcast_in_dim3A_23 = vector.broadcast %broadcast_in_dim3A_22 : f32 to vector<16xf32>
    %swap3A_24 = arith.constant 2 : i32
    %swap3A_25 = arith.index_cast %swap3A_24 : i32 to index
    %swap3A_26 = arith.constant 0 : index
    %swap3A_27 = tpu.vector_load %arg12[%swap3A_25, %swap3A_26] {strides = array<i32>} : memref<16x32xf32, #tpu.memory_space<vmem>>, vector<16xf32>,
    tpu.vector_store %arg12[%swap3A_25, %swap3A_26], %broadcast_in_dim3A_23 {strides = array<i32>} : memref<16x32xf32, #tpu.memory_space<vmem>>, vector<16xf32>,
    %broadcast_in_dim3A_28 = arith.constant 0.000000e+00 : f32
    %broadcast_in_dim3A_29 = vector.broadcast %broadcast_in_dim3A_28 : f32 to vector<16xf32>
    %swap3A_30 = arith.constant 2 : i32
    %swap3A_31 = arith.index_cast %swap3A_30 : i32 to index
    %swap3A_32 = arith.constant 16 : index
    %swap3A_33 = tpu.vector_load %arg12[%swap3A_31, %swap3A_32] {strides = array<i32>} : memref<16x32xf32, #tpu.memory_space<vmem>>, vector<16xf32>,
    tpu.vector_store %arg12[%swap3A_31, %swap3A_32], %broadcast_in_dim3A_29 {strides = array<i32>} : memref<16x32xf32, #tpu.memory_space<vmem>>, vector<16xf32>,
    %broadcast_in_dim3A_34 = arith.constant 0.000000e+00 : f32
    %broadcast_in_dim3A_35 = vector.broadcast %broadcast_in_dim3A_34 : f32 to vector<16xf32>
    %swap3A_36 = arith.constant 3 : i32
    %swap3A_37 = arith.index_cast %swap3A_36 : i32 to index
    %swap3A_38 = arith.constant 0 : index
    %swap3A_39 = tpu.vector_load %arg12[%swap3A_37, %swap3A_38] {strides = array<i32>} : memref<16x32xf32, #tpu.memory_space<vmem>>, vector<16xf32>,
    tpu.vector_store %arg12[%swap3A_37, %swap3A_38], %broadcast_in_dim3A_35 {strides = array<i32>} : memref<16x32xf32, #tpu.memory_space<vmem>>, vector<16xf32>,
    %broadcast_in_dim3A_40 = arith.constant 0.000000e+00 : f32
    %broadcast_in_dim3A_41 = vector.broadcast %broadcast_in_dim3A_40 : f32 to vector<16xf32>
    %swap3A_42 = arith.constant 3 : i32
    %swap3A_43 = arith.index_cast %swap3A_42 : i32 to index
    %swap3A_44 = arith.constant 16 : index
    %swap3A_45 = tpu.vector_load %arg12[%swap3A_43, %swap3A_44] {strides = array<i32>} : memref<16x32xf32, #tpu.memory_space<vmem>>, vector<16xf32>,
    tpu.vector_store %arg12[%swap3A_43, %swap3A_44], %broadcast_in_dim3A_41 {strides = array<i32>} : memref<16x32xf32, #tpu.memory_space<vmem>>, vector<16xf32>,
    %broadcast_in_dim3A_46 = arith.constant 0.000000e+00 : f32
    %broadcast_in_dim3A_47 = vector.broadcast %broadcast_in_dim3A_46 : f32 to vector<16xf32>
    %swap3A_48 = arith.constant 4 : i32
    %swap3A_49 = arith.index_cast %swap3A_48 : i32 to index
    %swap3A_50 = arith.constant 0 : index
    %swap3A_51 = tpu.vector_load %arg12[%swap3A_49, %swap3A_50] {strides = array<i32>} : memref<16x32xf32, #tpu.memory_space<vmem>>, vector<16xf32>,
    tpu.vector_store %arg12[%swap3A_49, %swap3A_50], %broadcast_in_dim3A_47 {strides = array<i32>} : memref<16x32xf32, #tpu.memory_space<vmem>>, vector<16xf32>,
    %broadcast_in_dim3A_52 = arith.constant 0.000000e+00 : f32
    %broadcast_in_dim3A_53 = vector.broadcast %broadcast_in_dim3A_52 : f32 to vector<16xf32>
    %swap3A_54 = arith.constant 4 : i32
    %swap3A_55 = arith.index_cast %swap3A_54 : i32 to index
    %swap3A_56 = arith.constant 16 : index
    %swap3A_57 = tpu.vector_load %arg12[%swap3A_55, %swap3A_56] {strides = array<i32>} : memref<16x32xf32, #tpu.memory_space<vmem>>, vector<16xf32>,
    tpu.vector_store %arg12[%swap3A_55, %swap3A_56], %broadcast_in_dim3A_53 {strides = array<i32>} : memref<16x32xf32, #tpu.memory_space<vmem>>, vector<16xf32>,
    %broadcast_in_dim3A_58 = arith.constant 0.000000e+00 : f32
    %broadcast_in_dim3A_59 = vector.broadcast %broadcast_in_dim3A_58 : f32 to vector<16xf32>
    %swap3A_60 = arith.constant 5 : i32
    %swap3A_61 = arith.index_cast %swap3A_60 : i32 to index
    %swap3A_62 = arith.constant 0 : index
    %swap3A_63 = tpu.vector_load %arg12[%swap3A_61, %swap3A_62] {strides = array<i32>} : memref<16x32xf32, #tpu.memory_space<vmem>>, vector<16xf32>,
    tpu.vector_store %arg12[%swap3A_61, %swap3A_62], %broadcast_in_dim3A_59 {strides = array<i32>} : memref<16x32xf32, #tpu.memory_space<vmem>>, vector<16xf32>,
    %broadcast_in_dim3A_64 = arith.constant 0.000000e+00 : f32
    %broadcast_in_dim3A_65 = vector.broadcast %broadcast_in_dim3A_64 : f32 to vector<16xf32>
    %swap3A_66 = arith.constant 5 : i32
    %swap3A_67 = arith.index_cast %swap3A_66 : i32 to index
    %swap3A_68 = arith.constant 16 : index
    %swap3A_69 = tpu.vector_load %arg12[%swap3A_67, %swap3A_68] {strides = array<i32>} : memref<16x32xf32, #tpu.memory_space<vmem>>, vector<16xf32>,
    tpu.vector_store %arg12[%swap3A_67, %swap3A_68], %broadcast_in_dim3A_65 {strides = array<i32>} : memref<16x32xf32, #tpu.memory_space<vmem>>, vector<16xf32>,
    %broadcast_in_dim3A_70 = arith.constant 0.000000e+00 : f32
    %broadcast_in_dim3A_71 = vector.broadcast %broadcast_in_dim3A_70 : f32 to vector<16xf32>
    %swap3A_72 = arith.constant 6 : i32
    %swap3A_73 = arith.index_cast %swap3A_72 : i32 to index
    %swap3A_74 = arith.constant 0 : index
    %swap3A_75 = tpu.vector_load %arg12[%swap3A_73, %swap3A_74] {strides = array<i32>} : memref<16x32xf32, #tpu.memory_space<vmem>>, vector<16xf32>,
    tpu.vector_store %arg12[%swap3A_73, %swap3A_74], %broadcast_in_dim3A_71 {strides = array<i32>} : memref<16x32xf32, #tpu.memory_space<vmem>>, vector<16xf32>,
    %broadcast_in_dim3A_76 = arith.constant 0.000000e+00 : f32
    %broadcast_in_dim3A_77 = vector.broadcast %broadcast_in_dim3A_76 : f32 to vector<16xf32>
    %swap3A_78 = arith.constant 6 : i32
    %swap3A_79 = arith.index_cast %swap3A_78 : i32 to index
    %swap3A_80 = arith.constant 16 : index
    %swap3A_81 = tpu.vector_load %arg12[%swap3A_79, %swap3A_80] {strides = array<i32>} : memref<16x32xf32, #tpu.memory_space<vmem>>, vector<16xf32>,
    tpu.vector_store %arg12[%swap3A_79, %swap3A_80], %broadcast_in_dim3A_77 {strides = array<i32>} : memref<16x32xf32, #tpu.memory_space<vmem>>, vector<16xf32>,
    %broadcast_in_dim3A_82 = arith.constant 0.000000e+00 : f32
    %broadcast_in_dim3A_83 = vector.broadcast %broadcast_in_dim3A_82 : f32 to vector<16xf32>
    %swap3A_84 = arith.constant 7 : i32
    %swap3A_85 = arith.index_cast %swap3A_84 : i32 to index
    %swap3A_86 = arith.constant 0 : index
    %swap3A_87 = tpu.vector_load %arg12[%swap3A_85, %swap3A_86] {strides = array<i32>} : memref<16x32xf32, #tpu.memory_space<vmem>>, vector<16xf32>,
    tpu.vector_store %arg12[%swap3A_85, %swap3A_86], %broadcast_in_dim3A_83 {strides = array<i32>} : memref<16x32xf32, #tpu.memory_space<vmem>>, vector<16xf32>,
    %broadcast_in_dim3A_88 = arith.constant 0.000000e+00 : f32
    %broadcast_in_dim3A_89 = vector.broadcast %broadcast_in_dim3A_88 : f32 to vector<16xf32>
    %swap3A_90 = arith.constant 7 : i32
    %swap3A_91 = arith.index_cast %swap3A_90 : i32 to index
    %swap3A_92 = arith.constant 16 : index
    %swap3A_93 = tpu.vector_load %arg12[%swap3A_91, %swap3A_92] {strides = array<i32>} : memref<16x32xf32, #tpu.memory_space<vmem>>, vector<16xf32>,
    tpu.vector_store %arg12[%swap3A_91, %swap3A_92], %broadcast_in_dim3A_89 {strides = array<i32>} : memref<16x32xf32, #tpu.memory_space<vmem>>, vector<16xf32>,
    %broadcast_in_dim3A_94 = arith.constant 0.000000e+00 : f32
    %broadcast_in_dim3A_95 = vector.broadcast %broadcast_in_dim3A_94 : f32 to vector<16xf32>
    %swap3A_96 = arith.constant 8 : i32
    %swap3A_97 = arith.index_cast %swap3A_96 : i32 to index
    %swap3A_98 = arith.constant 0 : index
    %swap3A_99 = tpu.vector_load %arg12[%swap3A_97, %swap3A_98] {strides = array<i32>} : memref<16x32xf32, #tpu.memory_space<vmem>>, vector<16xf32>,
    tpu.vector_store %arg12[%swap3A_97, %swap3A_98], %broadcast_in_dim3A_95 {strides = array<i32>} : memref<16x32xf32, #tpu.memory_space<vmem>>, vector<16xf32>,
    %broadcast_in_dim3A_100 = arith.constant 0.000000e+00 : f32
    %broadcast_in_dim3A_101 = vector.broadcast %broadcast_in_dim3A_100 : f32 to vector<16xf32>
    %swap3A_102 = arith.constant 8 : i32
    %swap3A_103 = arith.index_cast %swap3A_102 : i32 to index
    %swap3A_104 = arith.constant 16 : index
    %swap3A_105 = tpu.vector_load %arg12[%swap3A_103, %swap3A_104] {strides = array<i32>} : memref<16x32xf32, #tpu.memory_space<vmem>>, vector<16xf32>,
    tpu.vector_store %arg12[%swap3A_103, %swap3A_104], %broadcast_in_dim3A_101 {strides = array<i32>} : memref<16x32xf32, #tpu.memory_space<vmem>>, vector<16xf32>,
    %broadcast_in_dim3A_106 = arith.constant 0.000000e+00 : f32
    %broadcast_in_dim3A_107 = vector.broadcast %broadcast_in_dim3A_106 : f32 to vector<16xf32>
    %swap3A_108 = arith.constant 9 : i32
    %swap3A_109 = arith.index_cast %swap3A_108 : i32 to index
    %swap3A_110 = arith.constant 0 : index
    %swap3A_111 = tpu.vector_load %arg12[%swap3A_109, %swap3A_110] {strides = array<i32>} : memref<16x32xf32, #tpu.memory_space<vmem>>, vector<16xf32>,
    tpu.vector_store %arg12[%swap3A_109, %swap3A_110], %broadcast_in_dim3A_107 {strides = array<i32>} : memref<16x32xf32, #tpu.memory_space<vmem>>, vector<16xf32>,
    %broadcast_in_dim3A_112 = arith.constant 0.000000e+00 : f32
    %broadcast_in_dim3A_113 = vector.broadcast %broadcast_in_dim3A_112 : f32 to vector<16xf32>
    %swap3A_114 = arith.constant 9 : i32
    %swap3A_115 = arith.index_cast %swap3A_114 : i32 to index
    %swap3A_116 = arith.constant 16 : index
    %swap3A_117 = tpu.vector_load %arg12[%swap3A_115, %swap3A_116] {strides = array<i32>} : memref<16x32xf32, #tpu.memory_space<vmem>>, vector<16xf32>,
    tpu.vector_store %arg12[%swap3A_115, %swap3A_116], %broadcast_in_dim3A_113 {strides = array<i32>} : memref<16x32xf32, #tpu.memory_space<vmem>>, vector<16xf32>,
    %broadcast_in_dim3A_118 = arith.constant 0.000000e+00 : f32
    %broadcast_in_dim3A_119 = vector.broadcast %broadcast_in_dim3A_118 : f32 to vector<16xf32>
    %swap3A_120 = arith.constant 10 : i32
    %swap3A_121 = arith.index_cast %swap3A_120 : i32 to index
    %swap3A_122 = arith.constant 0 : index
    %swap3A_123 = tpu.vector_load %arg12[%swap3A_121, %swap3A_122] {strides = array<i32>} : memref<16x32xf32, #tpu.memory_space<vmem>>, vector<16xf32>,
    tpu.vector_store %arg12[%swap3A_121, %swap3A_122], %broadcast_in_dim3A_119 {strides = array<i32>} : memref<16x32xf32, #tpu.memory_space<vmem>>, vector<16xf32>,
    %broadcast_in_dim3A_124 = arith.constant 0.000000e+00 : f32
    %broadcast_in_dim3A_125 = vector.broadcast %broadcast_in_dim3A_124 : f32 to vector<16xf32>
    %swap3A_126 = arith.constant 10 : i32
    %swap3A_127 = arith.index_cast %swap3A_126 : i32 to index
    %swap3A_128 = arith.constant 16 : index
    %swap3A_129 = tpu.vector_load %arg12[%swap3A_127, %swap3A_128] {strides = array<i32>} : memref<16x32xf32, #tpu.memory_space<vmem>>, vector<16xf32>,
    tpu.vector_store %arg12[%swap3A_127, %swap3A_128], %broadcast_in_dim3A_125 {strides = array<i32>} : memref<16x32xf32, #tpu.memory_space<vmem>>, vector<16xf32>,
    %broadcast_in_dim3A_130 = arith.constant 0.000000e+00 : f32
    %broadcast_in_dim3A_131 = vector.broadcast %broadcast_in_dim3A_130 : f32 to vector<16xf32>
    %swap3A_132 = arith.constant 11 : i32
    %swap3A_133 = arith.index_cast %swap3A_132 : i32 to index
    %swap3A_134 = arith.constant 0 : index
    %swap3A_135 = tpu.vector_load %arg12[%swap3A_133, %swap3A_134] {strides = array<i32>} : memref<16x32xf32, #tpu.memory_space<vmem>>, vector<16xf32>,
    tpu.vector_store %arg12[%swap3A_133, %swap3A_134], %broadcast_in_dim3A_131 {strides = array<i32>} : memref<16x32xf32, #tpu.memory_space<vmem>>, vector<16xf32>,
    %broadcast_in_dim3A_136 = arith.constant 0.000000e+00 : f32
    %broadcast_in_dim3A_137 = vector.broadcast %broadcast_in_dim3A_136 : f32 to vector<16xf32>
    %swap3A_138 = arith.constant 11 : i32
    %swap3A_139 = arith.index_cast %swap3A_138 : i32 to index
    %swap3A_140 = arith.constant 16 : index
    %swap3A_141 = tpu.vector_load %arg12[%swap3A_139, %swap3A_140] {strides = array<i32>} : memref<16x32xf32, #tpu.memory_space<vmem>>, vector<16xf32>,
    tpu.vector_store %arg12[%swap3A_139, %swap3A_140], %broadcast_in_dim3A_137 {strides = array<i32>} : memref<16x32xf32, #tpu.memory_space<vmem>>, vector<16xf32>,
    %broadcast_in_dim3A_142 = arith.constant 0.000000e+00 : f32
    %broadcast_in_dim3A_143 = vector.broadcast %broadcast_in_dim3A_142 : f32 to vector<16xf32>
    %swap3A_144 = arith.constant 12 : i32
    %swap3A_145 = arith.index_cast %swap3A_144 : i32 to index
    %swap3A_146 = arith.constant 0 : index
    %swap3A_147 = tpu.vector_load %arg12[%swap3A_145, %swap3A_146] {strides = array<i32>} : memref<16x32xf32, #tpu.memory_space<vmem>>, vector<16xf32>,
    tpu.vector_store %arg12[%swap3A_145, %swap3A_146], %broadcast_in_dim3A_143 {strides = array<i32>} : memref<16x32xf32, #tpu.memory_space<vmem>>, vector<16xf32>,
    %broadcast_in_dim3A_148 = arith.constant 0.000000e+00 : f32
    %broadcast_in_dim3A_149 = vector.broadcast %broadcast_in_dim3A_148 : f32 to vector<16xf32>
    %swap3A_150 = arith.constant 12 : i32
    %swap3A_151 = arith.index_cast %swap3A_150 : i32 to index
    %swap3A_152 = arith.constant 16 : index
    %swap3A_153 = tpu.vector_load %arg12[%swap3A_151, %swap3A_152] {strides = array<i32>} : memref<16x32xf32, #tpu.memory_space<vmem>>, vector<16xf32>,
    tpu.vector_store %arg12[%swap3A_151, %swap3A_152], %broadcast_in_dim3A_149 {strides = array<i32>} : memref<16x32xf32, #tpu.memory_space<vmem>>, vector<16xf32>,
    %broadcast_in_dim3A_154 = arith.constant 0.000000e+00 : f32
    %broadcast_in_dim3A_155 = vector.broadcast %broadcast_in_dim3A_154 : f32 to vector<16xf32>
    %swap3A_156 = arith.constant 13 : i32
    %swap3A_157 = arith.index_cast %swap3A_156 : i32 to index
    %swap3A_158 = arith.constant 0 : index
    %swap3A_159 = tpu.vector_load %arg12[%swap3A_157, %swap3A_158] {strides = array<i32>} : memref<16x32xf32, #tpu.memory_space<vmem>>, vector<16xf32>,
    tpu.vector_store %arg12[%swap3A_157, %swap3A_158], %broadcast_in_dim3A_155 {strides = array<i32>} : memref<16x32xf32, #tpu.memory_space<vmem>>, vector<16xf32>,
    %broadcast_in_dim3A_160 = arith.constant 0.000000e+00 : f32
    %broadcast_in_dim3A_161 = vector.broadcast %broadcast_in_dim3A_160 : f32 to vector<16xf32>
    %swap3A_162 = arith.constant 13 : i32
    %swap3A_163 = arith.index_cast %swap3A_162 : i32 to index
    %swap3A_164 = arith.constant 16 : index
    %swap3A_165 = tpu.vector_load %arg12[%swap3A_163, %swap3A_164] {strides = array<i32>} : memref<16x32xf32, #tpu.memory_space<vmem>>, vector<16xf32>,
    tpu.vector_store %arg12[%swap3A_163, %swap3A_164], %broadcast_in_dim3A_161 {strides = array<i32>} : memref<16x32xf32, #tpu.memory_space<vmem>>, vector<16xf32>,
    %broadcast_in_dim3A_166 = arith.constant 0.000000e+00 : f32
    %broadcast_in_dim3A_167 = vector.broadcast %broadcast_in_dim3A_166 : f32 to vector<16xf32>
    %swap3A_168 = arith.constant 14 : i32
    %swap3A_169 = arith.index_cast %swap3A_168 : i32 to index
    %swap3A_170 = arith.constant 0 : index
    %swap3A_171 = tpu.vector_load %arg12[%swap3A_169, %swap3A_170] {strides = array<i32>} : memref<16x32xf32, #tpu.memory_space<vmem>>, vector<16xf32>,
    tpu.vector_store %arg12[%swap3A_169, %swap3A_170], %broadcast_in_dim3A_167 {strides = array<i32>} : memref<16x32xf32, #tpu.memory_space<vmem>>, vector<16xf32>,
    %broadcast_in_dim3A_172 = arith.constant 0.000000e+00 : f32
    %broadcast_in_dim3A_173 = vector.broadcast %broadcast_in_dim3A_172 : f32 to vector<16xf32>
    %swap3A_174 = arith.constant 14 : i32
    %swap3A_175 = arith.index_cast %swap3A_174 : i32 to index
    %swap3A_176 = arith.constant 16 : index
    %swap3A_177 = tpu.vector_load %arg12[%swap3A_175, %swap3A_176] {strides = array<i32>} : memref<16x32xf32, #tpu.memory_space<vmem>>, vector<16xf32>,
    tpu.vector_store %arg12[%swap3A_175, %swap3A_176], %broadcast_in_dim3A_173 {strides = array<i32>} : memref<16x32xf32, #tpu.memory_space<vmem>>, vector<16xf32>,
    %broadcast_in_dim3A_178 = arith.constant 0.000000e+00 : f32
    %broadcast_in_dim3A_179 = vector.broadcast %broadcast_in_dim3A_178 : f32 to vector<16xf32>
    %swap3A_180 = arith.constant 15 : i32
    %swap3A_181 = arith.index_cast %swap3A_180 : i32 to index
    %swap3A_182 = arith.constant 0 : index
    %swap3A_183 = tpu.vector_load %arg12[%swap3A_181, %swap3A_182] {strides = array<i32>} : memref<16x32xf32, #tpu.memory_space<vmem>>, vector<16xf32>,
    tpu.vector_store %arg12[%swap3A_181, %swap3A_182], %broadcast_in_dim3A_179 {strides = array<i32>} : memref<16x32xf32, #tpu.memory_space<vmem>>, vector<16xf32>,
    %broadcast_in_dim3A_184 = arith.constant 0.000000e+00 : f32
    %broadcast_in_dim3A_185 = vector.broadcast %broadcast_in_dim3A_184 : f32 to vector<16xf32>
    %swap3A_186 = arith.constant 15 : i32
    %swap3A_187 = arith.index_cast %swap3A_186 : i32 to index
    %swap3A_188 = arith.constant 16 : index
    %swap3A_189 = tpu.vector_load %arg12[%swap3A_187, %swap3A_188] {strides = array<i32>} : memref<16x32xf32, #tpu.memory_space<vmem>>, vector<16xf32>,
    tpu.vector_store %arg12[%swap3A_187, %swap3A_188], %broadcast_in_dim3A_185 {strides = array<i32>} : memref<16x32xf32, #tpu.memory_space<vmem>>, vector<16xf32>,
    %scan3A = arith.constant 0 : i32
    %scan3A_190 = arith.constant 0 : i32
    %scan3A_191 = arith.constant 40 : i32
    %scan3A_192 = arith.addi %scan3A_190, %scan3A_191 : i32
    %scan3A_193 = arith.constant 1 : i32
    scf.for %scan3A_203 = %scan3A_190 to %scan3A_192 step %scan3A_193  : i32 {
      %mul3A_204 = arith.constant 640 : i32
      %mul3A_205 = arith.muli %arg1, %mul3A_204 : i32
      %mul3A_206 = arith.constant 16 : i32
      %mul3A_207 = arith.muli %scan3A_203, %mul3A_206 : i32
      %add3A_208 = arith.addi %mul3A_205, %mul3A_207 : i32
      "tpu.region"() ({
        %run_scoped3A = tpu.sem_alloc : memref<!tpu.dma_semaphore, #tpu.memory_space<semaphore_mem>>
        %dma_start3A = arith.constant 0 : i32
        %dma_start3A_209 = tpu.memref_slice %arg13[%add3A_208, %dma_start3A] : memref<10240x32xf32, #tpu.memory_space<vmem_shared>> -> memref<16x32xf32, #tpu.memory_space<vmem_shared>>
        %dma_start3A_210 = arith.constant 0 : i32
        %dma_start3A_211 = tpu.memref_slice %arg13[%add3A_208, %dma_start3A_210] : memref<10240x32xf32, #tpu.memory_space<vmem_shared>> -> memref<16x32xf32, #tpu.memory_space<vmem_shared>>
        tpu.enqueue_dma source(%arg12 : memref<16x32xf32, #tpu.memory_space<vmem>>) target(%dma_start3A_211 : memref<16x32xf32, #tpu.memory_space<vmem_shared>>) target_semaphore(%run_scoped3A : memref<!tpu.dma_semaphore, #tpu.memory_space<semaphore_mem>>)
        %dma_wait3A = arith.constant 0 : i32
        %dma_wait3A_212 = tpu.memref_slice %arg13[%add3A_208, %dma_wait3A] : memref<10240x32xf32, #tpu.memory_space<vmem_shared>> -> memref<16x32xf32, #tpu.memory_space<vmem_shared>>
        %dma_wait3A_213 = arith.constant 0 : i32
        %dma_wait3A_214 = tpu.memref_slice %arg13[%add3A_208, %dma_wait3A_213] : memref<10240x32xf32, #tpu.memory_space<vmem_shared>> -> memref<16x32xf32, #tpu.memory_space<vmem_shared>>
        tpu.wait_dma2 semaphore(%run_scoped3A : memref<!tpu.dma_semaphore, #tpu.memory_space<semaphore_mem>>) src(%arg12 : memref<16x32xf32, #tpu.memory_space<vmem>>) dst(%dma_wait3A_214 : memref<16x32xf32, #tpu.memory_space<vmem_shared>>)
        tpu.yield
      }) : () -> ()
    }
    %scan3A_194 = arith.constant 40 : i32
    %barrier3A = arith.constant 0 : index
    tpu.barrier barrier_id(%barrier3A)
    %mul3A = arith.constant 16 : i32
    %mul3A_195 = arith.muli %arg0, %mul3A : i32
    %add3A = arith.addi %mul3A_195, %arg1 : i32
    %lt3A = arith.constant 17 : i32
    %lt3A_196 = arith.cmpi slt, %add3A, %lt3A : i32
    %convert_element_type3A = arith.extui %lt3A_196 : i1 to i32
    %cond3A = arith.constant 0 : i32
    %cond3A_197 = arith.cmpi ne, %convert_element_type3A, %cond3A : i32
    scf.if %cond3A_197 {
      %mul3A_203 = arith.constant 20 : i32
      %mul3A_204 = arith.muli %add3A, %mul3A_203 : i32
      "tpu.region"() ({
        %run_scoped3A = tpu.sem_alloc : memref<!tpu.dma_semaphore, #tpu.memory_space<semaphore_mem>>
        %dma_start3A_225 = arith.constant 0 : i32
        %dma_start3A_226 = arith.constant 0 : i32
        %dma_start3A_227 = tpu.memref_slice %arg6[%dma_start3A_225, %dma_start3A_226] : memref<20x256xi32, #tpu.memory_space<vmem>> -> memref<20x256xi32, #tpu.memory_space<vmem>>
        %dma_start3A_228 = arith.constant 0 : i32
        %dma_start3A_229 = tpu.memref_slice %arg3[%mul3A_204, %dma_start3A_228] : memref<1250x256xi32, #tpu.memory_space<hbm>> -> memref<20x256xi32, #tpu.memory_space<hbm>>
        %dma_start3A_230 = arith.constant 0 : i32
        %dma_start3A_231 = arith.constant 0 : i32
        %dma_start3A_232 = tpu.memref_slice %arg6[%dma_start3A_230, %dma_start3A_231] : memref<20x256xi32, #tpu.memory_space<vmem>> -> memref<20x256xi32, #tpu.memory_space<vmem>>
        %dma_start3A_233 = arith.constant 0 : i32
        %dma_start3A_234 = tpu.memref_slice %arg3[%mul3A_204, %dma_start3A_233] : memref<1250x256xi32, #tpu.memory_space<hbm>> -> memref<20x256xi32, #tpu.memory_space<hbm>>
        tpu.enqueue_dma source(%dma_start3A_234 : memref<20x256xi32, #tpu.memory_space<hbm>>) target(%dma_start3A_232 : memref<20x256xi32, #tpu.memory_space<vmem>>) target_semaphore(%run_scoped3A : memref<!tpu.dma_semaphore, #tpu.memory_space<semaphore_mem>>)
        %dma_wait3A = arith.constant 0 : i32
        %dma_wait3A_235 = arith.constant 0 : i32
        %dma_wait3A_236 = tpu.memref_slice %arg6[%dma_wait3A, %dma_wait3A_235] : memref<20x256xi32, #tpu.memory_space<vmem>> -> memref<20x256xi32, #tpu.memory_space<vmem>>
        %dma_wait3A_237 = arith.constant 0 : i32
        %dma_wait3A_238 = tpu.memref_slice %arg3[%mul3A_204, %dma_wait3A_237] : memref<1250x256xi32, #tpu.memory_space<hbm>> -> memref<20x256xi32, #tpu.memory_space<hbm>>
        %dma_wait3A_239 = arith.constant 0 : i32
        %dma_wait3A_240 = arith.constant 0 : i32
        %dma_wait3A_241 = tpu.memref_slice %arg6[%dma_wait3A_239, %dma_wait3A_240] : memref<20x256xi32, #tpu.memory_space<vmem>> -> memref<20x256xi32, #tpu.memory_space<vmem>>
        %dma_wait3A_242 = arith.constant 0 : i32
        %dma_wait3A_243 = tpu.memref_slice %arg3[%mul3A_204, %dma_wait3A_242] : memref<1250x256xi32, #tpu.memory_space<hbm>> -> memref<20x256xi32, #tpu.memory_space<hbm>>
        tpu.wait_dma2 semaphore(%run_scoped3A : memref<!tpu.dma_semaphore, #tpu.memory_space<semaphore_mem>>) src(%dma_wait3A_243 : memref<20x256xi32, #tpu.memory_space<hbm>>) dst(%dma_wait3A_241 : memref<20x256xi32, #tpu.memory_space<vmem>>)
        tpu.yield
      }) : () -> ()
      %add3A_205 = arith.constant 625 : i32
      %add3A_206 = arith.addi %add3A_205, %mul3A_204 : i32
      "tpu.region"() ({
        %run_scoped3A = tpu.sem_alloc : memref<!tpu.dma_semaphore, #tpu.memory_space<semaphore_mem>>
        %dma_start3A_225 = arith.constant 0 : i32
        %dma_start3A_226 = arith.constant 0 : i32
        %dma_start3A_227 = tpu.memref_slice %arg8[%dma_start3A_225, %dma_start3A_226] : memref<20x256xi32, #tpu.memory_space<vmem>> -> memref<20x256xi32, #tpu.memory_space<vmem>>
        %dma_start3A_228 = arith.constant 0 : i32
        %dma_start3A_229 = tpu.memref_slice %arg3[%add3A_206, %dma_start3A_228] : memref<1250x256xi32, #tpu.memory_space<hbm>> -> memref<20x256xi32, #tpu.memory_space<hbm>>
        %dma_start3A_230 = arith.constant 0 : i32
        %dma_start3A_231 = arith.constant 0 : i32
        %dma_start3A_232 = tpu.memref_slice %arg8[%dma_start3A_230, %dma_start3A_231] : memref<20x256xi32, #tpu.memory_space<vmem>> -> memref<20x256xi32, #tpu.memory_space<vmem>>
        %dma_start3A_233 = arith.constant 0 : i32
        %dma_start3A_234 = tpu.memref_slice %arg3[%add3A_206, %dma_start3A_233] : memref<1250x256xi32, #tpu.memory_space<hbm>> -> memref<20x256xi32, #tpu.memory_space<hbm>>
        tpu.enqueue_dma source(%dma_start3A_234 : memref<20x256xi32, #tpu.memory_space<hbm>>) target(%dma_start3A_232 : memref<20x256xi32, #tpu.memory_space<vmem>>) target_semaphore(%run_scoped3A : memref<!tpu.dma_semaphore, #tpu.memory_space<semaphore_mem>>)
        %dma_wait3A = arith.constant 0 : i32
        %dma_wait3A_235 = arith.constant 0 : i32
        %dma_wait3A_236 = tpu.memref_slice %arg8[%dma_wait3A, %dma_wait3A_235] : memref<20x256xi32, #tpu.memory_space<vmem>> -> memref<20x256xi32, #tpu.memory_space<vmem>>
        %dma_wait3A_237 = arith.constant 0 : i32
        %dma_wait3A_238 = tpu.memref_slice %arg3[%add3A_206, %dma_wait3A_237] : memref<1250x256xi32, #tpu.memory_space<hbm>> -> memref<20x256xi32, #tpu.memory_space<hbm>>
        %dma_wait3A_239 = arith.constant 0 : i32
        %dma_wait3A_240 = arith.constant 0 : i32
        %dma_wait3A_241 = tpu.memref_slice %arg8[%dma_wait3A_239, %dma_wait3A_240] : memref<20x256xi32, #tpu.memory_space<vmem>> -> memref<20x256xi32, #tpu.memory_space<vmem>>
        %dma_wait3A_242 = arith.constant 0 : i32
        %dma_wait3A_243 = tpu.memref_slice %arg3[%add3A_206, %dma_wait3A_242] : memref<1250x256xi32, #tpu.memory_space<hbm>> -> memref<20x256xi32, #tpu.memory_space<hbm>>
        tpu.wait_dma2 semaphore(%run_scoped3A : memref<!tpu.dma_semaphore, #tpu.memory_space<semaphore_mem>>) src(%dma_wait3A_243 : memref<20x256xi32, #tpu.memory_space<hbm>>) dst(%dma_wait3A_241 : memref<20x256xi32, #tpu.memory_space<vmem>>)
        tpu.yield
      }) : () -> ()
      "tpu.region"() ({
        %run_scoped3A = tpu.sem_alloc : memref<!tpu.dma_semaphore, #tpu.memory_space<semaphore_mem>>
        %dma_start3A_225 = arith.constant 0 : i32
        %dma_start3A_226 = arith.constant 0 : i32
        %dma_start3A_227 = tpu.memref_slice %arg7[%dma_start3A_225, %dma_start3A_226] : memref<20x256xi32, #tpu.memory_space<vmem>> -> memref<20x256xi32, #tpu.memory_space<vmem>>
        %dma_start3A_228 = arith.constant 0 : i32
        %dma_start3A_229 = tpu.memref_slice %arg4[%mul3A_204, %dma_start3A_228] : memref<625x256xi32, #tpu.memory_space<hbm>> -> memref<20x256xi32, #tpu.memory_space<hbm>>
        %dma_start3A_230 = arith.constant 0 : i32
        %dma_start3A_231 = arith.constant 0 : i32
        %dma_start3A_232 = tpu.memref_slice %arg7[%dma_start3A_230, %dma_start3A_231] : memref<20x256xi32, #tpu.memory_space<vmem>> -> memref<20x256xi32, #tpu.memory_space<vmem>>
        %dma_start3A_233 = arith.constant 0 : i32
        %dma_start3A_234 = tpu.memref_slice %arg4[%mul3A_204, %dma_start3A_233] : memref<625x256xi32, #tpu.memory_space<hbm>> -> memref<20x256xi32, #tpu.memory_space<hbm>>
        tpu.enqueue_dma source(%dma_start3A_234 : memref<20x256xi32, #tpu.memory_space<hbm>>) target(%dma_start3A_232 : memref<20x256xi32, #tpu.memory_space<vmem>>) target_semaphore(%run_scoped3A : memref<!tpu.dma_semaphore, #tpu.memory_space<semaphore_mem>>)
        %dma_wait3A = arith.constant 0 : i32
        %dma_wait3A_235 = arith.constant 0 : i32
        %dma_wait3A_236 = tpu.memref_slice %arg7[%dma_wait3A, %dma_wait3A_235] : memref<20x256xi32, #tpu.memory_space<vmem>> -> memref<20x256xi32, #tpu.memory_space<vmem>>
        %dma_wait3A_237 = arith.constant 0 : i32
        %dma_wait3A_238 = tpu.memref_slice %arg4[%mul3A_204, %dma_wait3A_237] : memref<625x256xi32, #tpu.memory_space<hbm>> -> memref<20x256xi32, #tpu.memory_space<hbm>>
        %dma_wait3A_239 = arith.constant 0 : i32
        %dma_wait3A_240 = arith.constant 0 : i32
        %dma_wait3A_241 = tpu.memref_slice %arg7[%dma_wait3A_239, %dma_wait3A_240] : memref<20x256xi32, #tpu.memory_space<vmem>> -> memref<20x256xi32, #tpu.memory_space<vmem>>
        %dma_wait3A_242 = arith.constant 0 : i32
        %dma_wait3A_243 = tpu.memref_slice %arg4[%mul3A_204, %dma_wait3A_242] : memref<625x256xi32, #tpu.memory_space<hbm>> -> memref<20x256xi32, #tpu.memory_space<hbm>>
        tpu.wait_dma2 semaphore(%run_scoped3A : memref<!tpu.dma_semaphore, #tpu.memory_space<semaphore_mem>>) src(%dma_wait3A_243 : memref<20x256xi32, #tpu.memory_space<hbm>>) dst(%dma_wait3A_241 : memref<20x256xi32, #tpu.memory_space<vmem>>)
        tpu.yield
      }) : () -> ()
      %scan3A_207 = arith.constant 0 : i32
      %scan3A_208 = arith.constant 0 : i32
      %scan3A_209 = arith.constant 20 : i32
      %scan3A_210 = arith.addi %scan3A_208, %scan3A_209 : i32
      %scan3A_211 = arith.constant 1 : i32
      scf.for %scan3A_225 = %scan3A_208 to %scan3A_210 step %scan3A_211  : i32 {
        %get3A = arith.index_cast %scan3A_225 : i32 to index
        %get3A_226 = arith.constant 0 : index
        %get3A_227 = tpu.vector_load %arg6[%get3A, %get3A_226] {strides = array<i32>} : memref<20x256xi32, #tpu.memory_space<vmem>>, vector<16xi32>,
        %get3A_228 = arith.index_cast %scan3A_225 : i32 to index
        %get3A_229 = arith.constant 0 : index
        %get3A_230 = tpu.vector_load %arg7[%get3A_228, %get3A_229] {strides = array<i32>} : memref<20x256xi32, #tpu.memory_space<vmem>>, vector<16xi32>,
        %shift_right_arithmetic3A = arith.constant 2 : i32
        %shift_right_arithmetic3A_231 = vector.broadcast %shift_right_arithmetic3A : i32 to vector<16xi32>
        %shift_right_arithmetic3A_232 = arith.shrsi %get3A_230, %shift_right_arithmetic3A_231 : vector<16xi32>
        %mul3A_233 = arith.constant 40000 : i32
        %mul3A_234 = vector.broadcast %mul3A_233 : i32 to vector<16xi32>
        %mul3A_235 = arith.muli %shift_right_arithmetic3A_232, %mul3A_234 : vector<16xi32>
        %shift_left3A = arith.constant 2 : i32
        %shift_left3A_236 = vector.broadcast %shift_left3A : i32 to vector<16xi32>
        %shift_left3A_237 = arith.shli %get3A_227, %shift_left3A_236 : vector<16xi32>
        %add3A_238 = arith.addi %mul3A_235, %shift_left3A_237 : vector<16xi32>
        %and3A = arith.constant 3 : i32
        %and3A_239 = vector.broadcast %and3A : i32 to vector<16xi32>
        %and3A_240 = arith.andi %get3A_230, %and3A_239 : vector<16xi32>
        %add3A_241 = arith.addi %add3A_238, %and3A_240 : vector<16xi32>
        %swap3A_242 = arith.index_cast %scan3A_225 : i32 to index
        %swap3A_243 = arith.constant 0 : index
        %swap3A_244 = tpu.vector_load %arg9[%swap3A_242, %swap3A_243] {strides = array<i32>} : memref<20x256xi32, #tpu.memory_space<vmem>>, vector<16xi32>,
        tpu.vector_store %arg9[%swap3A_242, %swap3A_243], %add3A_241 {strides = array<i32>} : memref<20x256xi32, #tpu.memory_space<vmem>>, vector<16xi32>,
        %get3A_245 = arith.index_cast %scan3A_225 : i32 to index
        %get3A_246 = arith.constant 16 : index
        %get3A_247 = tpu.vector_load %arg6[%get3A_245, %get3A_246] {strides = array<i32>} : memref<20x256xi32, #tpu.memory_space<vmem>>, vector<16xi32>,
        %get3A_248 = arith.index_cast %scan3A_225 : i32 to index
        %get3A_249 = arith.constant 16 : index
        %get3A_250 = tpu.vector_load %arg7[%get3A_248, %get3A_249] {strides = array<i32>} : memref<20x256xi32, #tpu.memory_space<vmem>>, vector<16xi32>,
        %shift_right_arithmetic3A_251 = arith.constant 2 : i32
        %shift_right_arithmetic3A_252 = vector.broadcast %shift_right_arithmetic3A_251 : i32 to vector<16xi32>
        %shift_right_arithmetic3A_253 = arith.shrsi %get3A_250, %shift_right_arithmetic3A_252 : vector<16xi32>
        %mul3A_254 = arith.constant 40000 : i32
        %mul3A_255 = vector.broadcast %mul3A_254 : i32 to vector<16xi32>
        %mul3A_256 = arith.muli %shift_right_arithmetic3A_253, %mul3A_255 : vector<16xi32>
        %shift_left3A_257 = arith.constant 2 : i32
        %shift_left3A_258 = vector.broadcast %shift_left3A_257 : i32 to vector<16xi32>
        %shift_left3A_259 = arith.shli %get3A_247, %shift_left3A_258 : vector<16xi32>
        %add3A_260 = arith.addi %mul3A_256, %shift_left3A_259 : vector<16xi32>
        %and3A_261 = arith.constant 3 : i32
        %and3A_262 = vector.broadcast %and3A_261 : i32 to vector<16xi32>
        %and3A_263 = arith.andi %get3A_250, %and3A_262 : vector<16xi32>
        %add3A_264 = arith.addi %add3A_260, %and3A_263 : vector<16xi32>
        %swap3A_265 = arith.index_cast %scan3A_225 : i32 to index
        %swap3A_266 = arith.constant 16 : index
        %swap3A_267 = tpu.vector_load %arg9[%swap3A_265, %swap3A_266] {strides = array<i32>} : memref<20x256xi32, #tpu.memory_space<vmem>>, vector<16xi32>,
        tpu.vector_store %arg9[%swap3A_265, %swap3A_266], %add3A_264 {strides = array<i32>} : memref<20x256xi32, #tpu.memory_space<vmem>>, vector<16xi32>,
        %get3A_268 = arith.index_cast %scan3A_225 : i32 to index
        %get3A_269 = arith.constant 32 : index
        %get3A_270 = tpu.vector_load %arg6[%get3A_268, %get3A_269] {strides = array<i32>} : memref<20x256xi32, #tpu.memory_space<vmem>>, vector<16xi32>,
        %get3A_271 = arith.index_cast %scan3A_225 : i32 to index
        %get3A_272 = arith.constant 32 : index
        %get3A_273 = tpu.vector_load %arg7[%get3A_271, %get3A_272] {strides = array<i32>} : memref<20x256xi32, #tpu.memory_space<vmem>>, vector<16xi32>,
        %shift_right_arithmetic3A_274 = arith.constant 2 : i32
        %shift_right_arithmetic3A_275 = vector.broadcast %shift_right_arithmetic3A_274 : i32 to vector<16xi32>
        %shift_right_arithmetic3A_276 = arith.shrsi %get3A_273, %shift_right_arithmetic3A_275 : vector<16xi32>
        %mul3A_277 = arith.constant 40000 : i32
        %mul3A_278 = vector.broadcast %mul3A_277 : i32 to vector<16xi32>
        %mul3A_279 = arith.muli %shift_right_arithmetic3A_276, %mul3A_278 : vector<16xi32>
        %shift_left3A_280 = arith.constant 2 : i32
        %shift_left3A_281 = vector.broadcast %shift_left3A_280 : i32 to vector<16xi32>
        %shift_left3A_282 = arith.shli %get3A_270, %shift_left3A_281 : vector<16xi32>
        %add3A_283 = arith.addi %mul3A_279, %shift_left3A_282 : vector<16xi32>
        %and3A_284 = arith.constant 3 : i32
        %and3A_285 = vector.broadcast %and3A_284 : i32 to vector<16xi32>
        %and3A_286 = arith.andi %get3A_273, %and3A_285 : vector<16xi32>
        %add3A_287 = arith.addi %add3A_283, %and3A_286 : vector<16xi32>
        %swap3A_288 = arith.index_cast %scan3A_225 : i32 to index
        %swap3A_289 = arith.constant 32 : index
        %swap3A_290 = tpu.vector_load %arg9[%swap3A_288, %swap3A_289] {strides = array<i32>} : memref<20x256xi32, #tpu.memory_space<vmem>>, vector<16xi32>,
        tpu.vector_store %arg9[%swap3A_288, %swap3A_289], %add3A_287 {strides = array<i32>} : memref<20x256xi32, #tpu.memory_space<vmem>>, vector<16xi32>,
        %get3A_291 = arith.index_cast %scan3A_225 : i32 to index
        %get3A_292 = arith.constant 48 : index
        %get3A_293 = tpu.vector_load %arg6[%get3A_291, %get3A_292] {strides = array<i32>} : memref<20x256xi32, #tpu.memory_space<vmem>>, vector<16xi32>,
        %get3A_294 = arith.index_cast %scan3A_225 : i32 to index
        %get3A_295 = arith.constant 48 : index
        %get3A_296 = tpu.vector_load %arg7[%get3A_294, %get3A_295] {strides = array<i32>} : memref<20x256xi32, #tpu.memory_space<vmem>>, vector<16xi32>,
        %shift_right_arithmetic3A_297 = arith.constant 2 : i32
        %shift_right_arithmetic3A_298 = vector.broadcast %shift_right_arithmetic3A_297 : i32 to vector<16xi32>
        %shift_right_arithmetic3A_299 = arith.shrsi %get3A_296, %shift_right_arithmetic3A_298 : vector<16xi32>
        %mul3A_300 = arith.constant 40000 : i32
        %mul3A_301 = vector.broadcast %mul3A_300 : i32 to vector<16xi32>
        %mul3A_302 = arith.muli %shift_right_arithmetic3A_299, %mul3A_301 : vector<16xi32>
        %shift_left3A_303 = arith.constant 2 : i32
        %shift_left3A_304 = vector.broadcast %shift_left3A_303 : i32 to vector<16xi32>
        %shift_left3A_305 = arith.shli %get3A_293, %shift_left3A_304 : vector<16xi32>
        %add3A_306 = arith.addi %mul3A_302, %shift_left3A_305 : vector<16xi32>
        %and3A_307 = arith.constant 3 : i32
        %and3A_308 = vector.broadcast %and3A_307 : i32 to vector<16xi32>
        %and3A_309 = arith.andi %get3A_296, %and3A_308 : vector<16xi32>
        %add3A_310 = arith.addi %add3A_306, %and3A_309 : vector<16xi32>
        %swap3A_311 = arith.index_cast %scan3A_225 : i32 to index
        %swap3A_312 = arith.constant 48 : index
        %swap3A_313 = tpu.vector_load %arg9[%swap3A_311, %swap3A_312] {strides = array<i32>} : memref<20x256xi32, #tpu.memory_space<vmem>>, vector<16xi32>,
        tpu.vector_store %arg9[%swap3A_311, %swap3A_312], %add3A_310 {strides = array<i32>} : memref<20x256xi32, #tpu.memory_space<vmem>>, vector<16xi32>,
        %get3A_314 = arith.index_cast %scan3A_225 : i32 to index
        %get3A_315 = arith.constant 64 : index
        %get3A_316 = tpu.vector_load %arg6[%get3A_314, %get3A_315] {strides = array<i32>} : memref<20x256xi32, #tpu.memory_space<vmem>>, vector<16xi32>,
        %get3A_317 = arith.index_cast %scan3A_225 : i32 to index
        %get3A_318 = arith.constant 64 : index
        %get3A_319 = tpu.vector_load %arg7[%get3A_317, %get3A_318] {strides = array<i32>} : memref<20x256xi32, #tpu.memory_space<vmem>>, vector<16xi32>,
        %shift_right_arithmetic3A_320 = arith.constant 2 : i32
        %shift_right_arithmetic3A_321 = vector.broadcast %shift_right_arithmetic3A_320 : i32 to vector<16xi32>
        %shift_right_arithmetic3A_322 = arith.shrsi %get3A_319, %shift_right_arithmetic3A_321 : vector<16xi32>
        %mul3A_323 = arith.constant 40000 : i32
        %mul3A_324 = vector.broadcast %mul3A_323 : i32 to vector<16xi32>
        %mul3A_325 = arith.muli %shift_right_arithmetic3A_322, %mul3A_324 : vector<16xi32>
        %shift_left3A_326 = arith.constant 2 : i32
        %shift_left3A_327 = vector.broadcast %shift_left3A_326 : i32 to vector<16xi32>
        %shift_left3A_328 = arith.shli %get3A_316, %shift_left3A_327 : vector<16xi32>
        %add3A_329 = arith.addi %mul3A_325, %shift_left3A_328 : vector<16xi32>
        %and3A_330 = arith.constant 3 : i32
        %and3A_331 = vector.broadcast %and3A_330 : i32 to vector<16xi32>
        %and3A_332 = arith.andi %get3A_319, %and3A_331 : vector<16xi32>
        %add3A_333 = arith.addi %add3A_329, %and3A_332 : vector<16xi32>
        %swap3A_334 = arith.index_cast %scan3A_225 : i32 to index
        %swap3A_335 = arith.constant 64 : index
        %swap3A_336 = tpu.vector_load %arg9[%swap3A_334, %swap3A_335] {strides = array<i32>} : memref<20x256xi32, #tpu.memory_space<vmem>>, vector<16xi32>,
        tpu.vector_store %arg9[%swap3A_334, %swap3A_335], %add3A_333 {strides = array<i32>} : memref<20x256xi32, #tpu.memory_space<vmem>>, vector<16xi32>,
        %get3A_337 = arith.index_cast %scan3A_225 : i32 to index
        %get3A_338 = arith.constant 80 : index
        %get3A_339 = tpu.vector_load %arg6[%get3A_337, %get3A_338] {strides = array<i32>} : memref<20x256xi32, #tpu.memory_space<vmem>>, vector<16xi32>,
        %get3A_340 = arith.index_cast %scan3A_225 : i32 to index
        %get3A_341 = arith.constant 80 : index
        %get3A_342 = tpu.vector_load %arg7[%get3A_340, %get3A_341] {strides = array<i32>} : memref<20x256xi32, #tpu.memory_space<vmem>>, vector<16xi32>,
        %shift_right_arithmetic3A_343 = arith.constant 2 : i32
        %shift_right_arithmetic3A_344 = vector.broadcast %shift_right_arithmetic3A_343 : i32 to vector<16xi32>
        %shift_right_arithmetic3A_345 = arith.shrsi %get3A_342, %shift_right_arithmetic3A_344 : vector<16xi32>
        %mul3A_346 = arith.constant 40000 : i32
        %mul3A_347 = vector.broadcast %mul3A_346 : i32 to vector<16xi32>
        %mul3A_348 = arith.muli %shift_right_arithmetic3A_345, %mul3A_347 : vector<16xi32>
        %shift_left3A_349 = arith.constant 2 : i32
        %shift_left3A_350 = vector.broadcast %shift_left3A_349 : i32 to vector<16xi32>
        %shift_left3A_351 = arith.shli %get3A_339, %shift_left3A_350 : vector<16xi32>
        %add3A_352 = arith.addi %mul3A_348, %shift_left3A_351 : vector<16xi32>
        %and3A_353 = arith.constant 3 : i32
        %and3A_354 = vector.broadcast %and3A_353 : i32 to vector<16xi32>
        %and3A_355 = arith.andi %get3A_342, %and3A_354 : vector<16xi32>
        %add3A_356 = arith.addi %add3A_352, %and3A_355 : vector<16xi32>
        %swap3A_357 = arith.index_cast %scan3A_225 : i32 to index
        %swap3A_358 = arith.constant 80 : index
        %swap3A_359 = tpu.vector_load %arg9[%swap3A_357, %swap3A_358] {strides = array<i32>} : memref<20x256xi32, #tpu.memory_space<vmem>>, vector<16xi32>,
        tpu.vector_store %arg9[%swap3A_357, %swap3A_358], %add3A_356 {strides = array<i32>} : memref<20x256xi32, #tpu.memory_space<vmem>>, vector<16xi32>,
        %get3A_360 = arith.index_cast %scan3A_225 : i32 to index
        %get3A_361 = arith.constant 96 : index
        %get3A_362 = tpu.vector_load %arg6[%get3A_360, %get3A_361] {strides = array<i32>} : memref<20x256xi32, #tpu.memory_space<vmem>>, vector<16xi32>,
        %get3A_363 = arith.index_cast %scan3A_225 : i32 to index
        %get3A_364 = arith.constant 96 : index
        %get3A_365 = tpu.vector_load %arg7[%get3A_363, %get3A_364] {strides = array<i32>} : memref<20x256xi32, #tpu.memory_space<vmem>>, vector<16xi32>,
        %shift_right_arithmetic3A_366 = arith.constant 2 : i32
        %shift_right_arithmetic3A_367 = vector.broadcast %shift_right_arithmetic3A_366 : i32 to vector<16xi32>
        %shift_right_arithmetic3A_368 = arith.shrsi %get3A_365, %shift_right_arithmetic3A_367 : vector<16xi32>
        %mul3A_369 = arith.constant 40000 : i32
        %mul3A_370 = vector.broadcast %mul3A_369 : i32 to vector<16xi32>
        %mul3A_371 = arith.muli %shift_right_arithmetic3A_368, %mul3A_370 : vector<16xi32>
        %shift_left3A_372 = arith.constant 2 : i32
        %shift_left3A_373 = vector.broadcast %shift_left3A_372 : i32 to vector<16xi32>
        %shift_left3A_374 = arith.shli %get3A_362, %shift_left3A_373 : vector<16xi32>
        %add3A_375 = arith.addi %mul3A_371, %shift_left3A_374 : vector<16xi32>
        %and3A_376 = arith.constant 3 : i32
        %and3A_377 = vector.broadcast %and3A_376 : i32 to vector<16xi32>
        %and3A_378 = arith.andi %get3A_365, %and3A_377 : vector<16xi32>
        %add3A_379 = arith.addi %add3A_375, %and3A_378 : vector<16xi32>
        %swap3A_380 = arith.index_cast %scan3A_225 : i32 to index
        %swap3A_381 = arith.constant 96 : index
        %swap3A_382 = tpu.vector_load %arg9[%swap3A_380, %swap3A_381] {strides = array<i32>} : memref<20x256xi32, #tpu.memory_space<vmem>>, vector<16xi32>,
        tpu.vector_store %arg9[%swap3A_380, %swap3A_381], %add3A_379 {strides = array<i32>} : memref<20x256xi32, #tpu.memory_space<vmem>>, vector<16xi32>,
        %get3A_383 = arith.index_cast %scan3A_225 : i32 to index
        %get3A_384 = arith.constant 112 : index
        %get3A_385 = tpu.vector_load %arg6[%get3A_383, %get3A_384] {strides = array<i32>} : memref<20x256xi32, #tpu.memory_space<vmem>>, vector<16xi32>,
        %get3A_386 = arith.index_cast %scan3A_225 : i32 to index
        %get3A_387 = arith.constant 112 : index
        %get3A_388 = tpu.vector_load %arg7[%get3A_386, %get3A_387] {strides = array<i32>} : memref<20x256xi32, #tpu.memory_space<vmem>>, vector<16xi32>,
        %shift_right_arithmetic3A_389 = arith.constant 2 : i32
        %shift_right_arithmetic3A_390 = vector.broadcast %shift_right_arithmetic3A_389 : i32 to vector<16xi32>
        %shift_right_arithmetic3A_391 = arith.shrsi %get3A_388, %shift_right_arithmetic3A_390 : vector<16xi32>
        %mul3A_392 = arith.constant 40000 : i32
        %mul3A_393 = vector.broadcast %mul3A_392 : i32 to vector<16xi32>
        %mul3A_394 = arith.muli %shift_right_arithmetic3A_391, %mul3A_393 : vector<16xi32>
        %shift_left3A_395 = arith.constant 2 : i32
        %shift_left3A_396 = vector.broadcast %shift_left3A_395 : i32 to vector<16xi32>
        %shift_left3A_397 = arith.shli %get3A_385, %shift_left3A_396 : vector<16xi32>
        %add3A_398 = arith.addi %mul3A_394, %shift_left3A_397 : vector<16xi32>
        %and3A_399 = arith.constant 3 : i32
        %and3A_400 = vector.broadcast %and3A_399 : i32 to vector<16xi32>
        %and3A_401 = arith.andi %get3A_388, %and3A_400 : vector<16xi32>
        %add3A_402 = arith.addi %add3A_398, %and3A_401 : vector<16xi32>
        %swap3A_403 = arith.index_cast %scan3A_225 : i32 to index
        %swap3A_404 = arith.constant 112 : index
        %swap3A_405 = tpu.vector_load %arg9[%swap3A_403, %swap3A_404] {strides = array<i32>} : memref<20x256xi32, #tpu.memory_space<vmem>>, vector<16xi32>,
        tpu.vector_store %arg9[%swap3A_403, %swap3A_404], %add3A_402 {strides = array<i32>} : memref<20x256xi32, #tpu.memory_space<vmem>>, vector<16xi32>,
        %get3A_406 = arith.index_cast %scan3A_225 : i32 to index
        %get3A_407 = arith.constant 128 : index
        %get3A_408 = tpu.vector_load %arg6[%get3A_406, %get3A_407] {strides = array<i32>} : memref<20x256xi32, #tpu.memory_space<vmem>>, vector<16xi32>,
        %get3A_409 = arith.index_cast %scan3A_225 : i32 to index
        %get3A_410 = arith.constant 128 : index
        %get3A_411 = tpu.vector_load %arg7[%get3A_409, %get3A_410] {strides = array<i32>} : memref<20x256xi32, #tpu.memory_space<vmem>>, vector<16xi32>,
        %shift_right_arithmetic3A_412 = arith.constant 2 : i32
        %shift_right_arithmetic3A_413 = vector.broadcast %shift_right_arithmetic3A_412 : i32 to vector<16xi32>
        %shift_right_arithmetic3A_414 = arith.shrsi %get3A_411, %shift_right_arithmetic3A_413 : vector<16xi32>
        %mul3A_415 = arith.constant 40000 : i32
        %mul3A_416 = vector.broadcast %mul3A_415 : i32 to vector<16xi32>
        %mul3A_417 = arith.muli %shift_right_arithmetic3A_414, %mul3A_416 : vector<16xi32>
        %shift_left3A_418 = arith.constant 2 : i32
        %shift_left3A_419 = vector.broadcast %shift_left3A_418 : i32 to vector<16xi32>
        %shift_left3A_420 = arith.shli %get3A_408, %shift_left3A_419 : vector<16xi32>
        %add3A_421 = arith.addi %mul3A_417, %shift_left3A_420 : vector<16xi32>
        %and3A_422 = arith.constant 3 : i32
        %and3A_423 = vector.broadcast %and3A_422 : i32 to vector<16xi32>
        %and3A_424 = arith.andi %get3A_411, %and3A_423 : vector<16xi32>
        %add3A_425 = arith.addi %add3A_421, %and3A_424 : vector<16xi32>
        %swap3A_426 = arith.index_cast %scan3A_225 : i32 to index
        %swap3A_427 = arith.constant 128 : index
        %swap3A_428 = tpu.vector_load %arg9[%swap3A_426, %swap3A_427] {strides = array<i32>} : memref<20x256xi32, #tpu.memory_space<vmem>>, vector<16xi32>,
        tpu.vector_store %arg9[%swap3A_426, %swap3A_427], %add3A_425 {strides = array<i32>} : memref<20x256xi32, #tpu.memory_space<vmem>>, vector<16xi32>,
        %get3A_429 = arith.index_cast %scan3A_225 : i32 to index
        %get3A_430 = arith.constant 144 : index
        %get3A_431 = tpu.vector_load %arg6[%get3A_429, %get3A_430] {strides = array<i32>} : memref<20x256xi32, #tpu.memory_space<vmem>>, vector<16xi32>,
        %get3A_432 = arith.index_cast %scan3A_225 : i32 to index
        %get3A_433 = arith.constant 144 : index
        %get3A_434 = tpu.vector_load %arg7[%get3A_432, %get3A_433] {strides = array<i32>} : memref<20x256xi32, #tpu.memory_space<vmem>>, vector<16xi32>,
        %shift_right_arithmetic3A_435 = arith.constant 2 : i32
        %shift_right_arithmetic3A_436 = vector.broadcast %shift_right_arithmetic3A_435 : i32 to vector<16xi32>
        %shift_right_arithmetic3A_437 = arith.shrsi %get3A_434, %shift_right_arithmetic3A_436 : vector<16xi32>
        %mul3A_438 = arith.constant 40000 : i32
        %mul3A_439 = vector.broadcast %mul3A_438 : i32 to vector<16xi32>
        %mul3A_440 = arith.muli %shift_right_arithmetic3A_437, %mul3A_439 : vector<16xi32>
        %shift_left3A_441 = arith.constant 2 : i32
        %shift_left3A_442 = vector.broadcast %shift_left3A_441 : i32 to vector<16xi32>
        %shift_left3A_443 = arith.shli %get3A_431, %shift_left3A_442 : vector<16xi32>
        %add3A_444 = arith.addi %mul3A_440, %shift_left3A_443 : vector<16xi32>
        %and3A_445 = arith.constant 3 : i32
        %and3A_446 = vector.broadcast %and3A_445 : i32 to vector<16xi32>
        %and3A_447 = arith.andi %get3A_434, %and3A_446 : vector<16xi32>
        %add3A_448 = arith.addi %add3A_444, %and3A_447 : vector<16xi32>
        %swap3A_449 = arith.index_cast %scan3A_225 : i32 to index
        %swap3A_450 = arith.constant 144 : index
        %swap3A_451 = tpu.vector_load %arg9[%swap3A_449, %swap3A_450] {strides = array<i32>} : memref<20x256xi32, #tpu.memory_space<vmem>>, vector<16xi32>,
        tpu.vector_store %arg9[%swap3A_449, %swap3A_450], %add3A_448 {strides = array<i32>} : memref<20x256xi32, #tpu.memory_space<vmem>>, vector<16xi32>,
        %get3A_452 = arith.index_cast %scan3A_225 : i32 to index
        %get3A_453 = arith.constant 160 : index
        %get3A_454 = tpu.vector_load %arg6[%get3A_452, %get3A_453] {strides = array<i32>} : memref<20x256xi32, #tpu.memory_space<vmem>>, vector<16xi32>,
        %get3A_455 = arith.index_cast %scan3A_225 : i32 to index
        %get3A_456 = arith.constant 160 : index
        %get3A_457 = tpu.vector_load %arg7[%get3A_455, %get3A_456] {strides = array<i32>} : memref<20x256xi32, #tpu.memory_space<vmem>>, vector<16xi32>,
        %shift_right_arithmetic3A_458 = arith.constant 2 : i32
        %shift_right_arithmetic3A_459 = vector.broadcast %shift_right_arithmetic3A_458 : i32 to vector<16xi32>
        %shift_right_arithmetic3A_460 = arith.shrsi %get3A_457, %shift_right_arithmetic3A_459 : vector<16xi32>
        %mul3A_461 = arith.constant 40000 : i32
        %mul3A_462 = vector.broadcast %mul3A_461 : i32 to vector<16xi32>
        %mul3A_463 = arith.muli %shift_right_arithmetic3A_460, %mul3A_462 : vector<16xi32>
        %shift_left3A_464 = arith.constant 2 : i32
        %shift_left3A_465 = vector.broadcast %shift_left3A_464 : i32 to vector<16xi32>
        %shift_left3A_466 = arith.shli %get3A_454, %shift_left3A_465 : vector<16xi32>
        %add3A_467 = arith.addi %mul3A_463, %shift_left3A_466 : vector<16xi32>
        %and3A_468 = arith.constant 3 : i32
        %and3A_469 = vector.broadcast %and3A_468 : i32 to vector<16xi32>
        %and3A_470 = arith.andi %get3A_457, %and3A_469 : vector<16xi32>
        %add3A_471 = arith.addi %add3A_467, %and3A_470 : vector<16xi32>
        %swap3A_472 = arith.index_cast %scan3A_225 : i32 to index
        %swap3A_473 = arith.constant 160 : index
        %swap3A_474 = tpu.vector_load %arg9[%swap3A_472, %swap3A_473] {strides = array<i32>} : memref<20x256xi32, #tpu.memory_space<vmem>>, vector<16xi32>,
        tpu.vector_store %arg9[%swap3A_472, %swap3A_473], %add3A_471 {strides = array<i32>} : memref<20x256xi32, #tpu.memory_space<vmem>>, vector<16xi32>,
        %get3A_475 = arith.index_cast %scan3A_225 : i32 to index
        %get3A_476 = arith.constant 176 : index
        %get3A_477 = tpu.vector_load %arg6[%get3A_475, %get3A_476] {strides = array<i32>} : memref<20x256xi32, #tpu.memory_space<vmem>>, vector<16xi32>,
        %get3A_478 = arith.index_cast %scan3A_225 : i32 to index
        %get3A_479 = arith.constant 176 : index
        %get3A_480 = tpu.vector_load %arg7[%get3A_478, %get3A_479] {strides = array<i32>} : memref<20x256xi32, #tpu.memory_space<vmem>>, vector<16xi32>,
        %shift_right_arithmetic3A_481 = arith.constant 2 : i32
        %shift_right_arithmetic3A_482 = vector.broadcast %shift_right_arithmetic3A_481 : i32 to vector<16xi32>
        %shift_right_arithmetic3A_483 = arith.shrsi %get3A_480, %shift_right_arithmetic3A_482 : vector<16xi32>
        %mul3A_484 = arith.constant 40000 : i32
        %mul3A_485 = vector.broadcast %mul3A_484 : i32 to vector<16xi32>
        %mul3A_486 = arith.muli %shift_right_arithmetic3A_483, %mul3A_485 : vector<16xi32>
        %shift_left3A_487 = arith.constant 2 : i32
        %shift_left3A_488 = vector.broadcast %shift_left3A_487 : i32 to vector<16xi32>
        %shift_left3A_489 = arith.shli %get3A_477, %shift_left3A_488 : vector<16xi32>
        %add3A_490 = arith.addi %mul3A_486, %shift_left3A_489 : vector<16xi32>
        %and3A_491 = arith.constant 3 : i32
        %and3A_492 = vector.broadcast %and3A_491 : i32 to vector<16xi32>
        %and3A_493 = arith.andi %get3A_480, %and3A_492 : vector<16xi32>
        %add3A_494 = arith.addi %add3A_490, %and3A_493 : vector<16xi32>
        %swap3A_495 = arith.index_cast %scan3A_225 : i32 to index
        %swap3A_496 = arith.constant 176 : index
        %swap3A_497 = tpu.vector_load %arg9[%swap3A_495, %swap3A_496] {strides = array<i32>} : memref<20x256xi32, #tpu.memory_space<vmem>>, vector<16xi32>,
        tpu.vector_store %arg9[%swap3A_495, %swap3A_496], %add3A_494 {strides = array<i32>} : memref<20x256xi32, #tpu.memory_space<vmem>>, vector<16xi32>,
        %get3A_498 = arith.index_cast %scan3A_225 : i32 to index
        %get3A_499 = arith.constant 192 : index
        %get3A_500 = tpu.vector_load %arg6[%get3A_498, %get3A_499] {strides = array<i32>} : memref<20x256xi32, #tpu.memory_space<vmem>>, vector<16xi32>,
        %get3A_501 = arith.index_cast %scan3A_225 : i32 to index
        %get3A_502 = arith.constant 192 : index
        %get3A_503 = tpu.vector_load %arg7[%get3A_501, %get3A_502] {strides = array<i32>} : memref<20x256xi32, #tpu.memory_space<vmem>>, vector<16xi32>,
        %shift_right_arithmetic3A_504 = arith.constant 2 : i32
        %shift_right_arithmetic3A_505 = vector.broadcast %shift_right_arithmetic3A_504 : i32 to vector<16xi32>
        %shift_right_arithmetic3A_506 = arith.shrsi %get3A_503, %shift_right_arithmetic3A_505 : vector<16xi32>
        %mul3A_507 = arith.constant 40000 : i32
        %mul3A_508 = vector.broadcast %mul3A_507 : i32 to vector<16xi32>
        %mul3A_509 = arith.muli %shift_right_arithmetic3A_506, %mul3A_508 : vector<16xi32>
        %shift_left3A_510 = arith.constant 2 : i32
        %shift_left3A_511 = vector.broadcast %shift_left3A_510 : i32 to vector<16xi32>
        %shift_left3A_512 = arith.shli %get3A_500, %shift_left3A_511 : vector<16xi32>
        %add3A_513 = arith.addi %mul3A_509, %shift_left3A_512 : vector<16xi32>
        %and3A_514 = arith.constant 3 : i32
        %and3A_515 = vector.broadcast %and3A_514 : i32 to vector<16xi32>
        %and3A_516 = arith.andi %get3A_503, %and3A_515 : vector<16xi32>
        %add3A_517 = arith.addi %add3A_513, %and3A_516 : vector<16xi32>
        %swap3A_518 = arith.index_cast %scan3A_225 : i32 to index
        %swap3A_519 = arith.constant 192 : index
        %swap3A_520 = tpu.vector_load %arg9[%swap3A_518, %swap3A_519] {strides = array<i32>} : memref<20x256xi32, #tpu.memory_space<vmem>>, vector<16xi32>,
        tpu.vector_store %arg9[%swap3A_518, %swap3A_519], %add3A_517 {strides = array<i32>} : memref<20x256xi32, #tpu.memory_space<vmem>>, vector<16xi32>,
        %get3A_521 = arith.index_cast %scan3A_225 : i32 to index
        %get3A_522 = arith.constant 208 : index
        %get3A_523 = tpu.vector_load %arg6[%get3A_521, %get3A_522] {strides = array<i32>} : memref<20x256xi32, #tpu.memory_space<vmem>>, vector<16xi32>,
        %get3A_524 = arith.index_cast %scan3A_225 : i32 to index
        %get3A_525 = arith.constant 208 : index
        %get3A_526 = tpu.vector_load %arg7[%get3A_524, %get3A_525] {strides = array<i32>} : memref<20x256xi32, #tpu.memory_space<vmem>>, vector<16xi32>,
        %shift_right_arithmetic3A_527 = arith.constant 2 : i32
        %shift_right_arithmetic3A_528 = vector.broadcast %shift_right_arithmetic3A_527 : i32 to vector<16xi32>
        %shift_right_arithmetic3A_529 = arith.shrsi %get3A_526, %shift_right_arithmetic3A_528 : vector<16xi32>
        %mul3A_530 = arith.constant 40000 : i32
        %mul3A_531 = vector.broadcast %mul3A_530 : i32 to vector<16xi32>
        %mul3A_532 = arith.muli %shift_right_arithmetic3A_529, %mul3A_531 : vector<16xi32>
        %shift_left3A_533 = arith.constant 2 : i32
        %shift_left3A_534 = vector.broadcast %shift_left3A_533 : i32 to vector<16xi32>
        %shift_left3A_535 = arith.shli %get3A_523, %shift_left3A_534 : vector<16xi32>
        %add3A_536 = arith.addi %mul3A_532, %shift_left3A_535 : vector<16xi32>
        %and3A_537 = arith.constant 3 : i32
        %and3A_538 = vector.broadcast %and3A_537 : i32 to vector<16xi32>
        %and3A_539 = arith.andi %get3A_526, %and3A_538 : vector<16xi32>
        %add3A_540 = arith.addi %add3A_536, %and3A_539 : vector<16xi32>
        %swap3A_541 = arith.index_cast %scan3A_225 : i32 to index
        %swap3A_542 = arith.constant 208 : index
        %swap3A_543 = tpu.vector_load %arg9[%swap3A_541, %swap3A_542] {strides = array<i32>} : memref<20x256xi32, #tpu.memory_space<vmem>>, vector<16xi32>,
        tpu.vector_store %arg9[%swap3A_541, %swap3A_542], %add3A_540 {strides = array<i32>} : memref<20x256xi32, #tpu.memory_space<vmem>>, vector<16xi32>,
        %get3A_544 = arith.index_cast %scan3A_225 : i32 to index
        %get3A_545 = arith.constant 224 : index
        %get3A_546 = tpu.vector_load %arg6[%get3A_544, %get3A_545] {strides = array<i32>} : memref<20x256xi32, #tpu.memory_space<vmem>>, vector<16xi32>,
        %get3A_547 = arith.index_cast %scan3A_225 : i32 to index
        %get3A_548 = arith.constant 224 : index
        %get3A_549 = tpu.vector_load %arg7[%get3A_547, %get3A_548] {strides = array<i32>} : memref<20x256xi32, #tpu.memory_space<vmem>>, vector<16xi32>,
        %shift_right_arithmetic3A_550 = arith.constant 2 : i32
        %shift_right_arithmetic3A_551 = vector.broadcast %shift_right_arithmetic3A_550 : i32 to vector<16xi32>
        %shift_right_arithmetic3A_552 = arith.shrsi %get3A_549, %shift_right_arithmetic3A_551 : vector<16xi32>
        %mul3A_553 = arith.constant 40000 : i32
        %mul3A_554 = vector.broadcast %mul3A_553 : i32 to vector<16xi32>
        %mul3A_555 = arith.muli %shift_right_arithmetic3A_552, %mul3A_554 : vector<16xi32>
        %shift_left3A_556 = arith.constant 2 : i32
        %shift_left3A_557 = vector.broadcast %shift_left3A_556 : i32 to vector<16xi32>
        %shift_left3A_558 = arith.shli %get3A_546, %shift_left3A_557 : vector<16xi32>
        %add3A_559 = arith.addi %mul3A_555, %shift_left3A_558 : vector<16xi32>
        %and3A_560 = arith.constant 3 : i32
        %and3A_561 = vector.broadcast %and3A_560 : i32 to vector<16xi32>
        %and3A_562 = arith.andi %get3A_549, %and3A_561 : vector<16xi32>
        %add3A_563 = arith.addi %add3A_559, %and3A_562 : vector<16xi32>
        %swap3A_564 = arith.index_cast %scan3A_225 : i32 to index
        %swap3A_565 = arith.constant 224 : index
        %swap3A_566 = tpu.vector_load %arg9[%swap3A_564, %swap3A_565] {strides = array<i32>} : memref<20x256xi32, #tpu.memory_space<vmem>>, vector<16xi32>,
        tpu.vector_store %arg9[%swap3A_564, %swap3A_565], %add3A_563 {strides = array<i32>} : memref<20x256xi32, #tpu.memory_space<vmem>>, vector<16xi32>,
        %get3A_567 = arith.index_cast %scan3A_225 : i32 to index
        %get3A_568 = arith.constant 240 : index
        %get3A_569 = tpu.vector_load %arg6[%get3A_567, %get3A_568] {strides = array<i32>} : memref<20x256xi32, #tpu.memory_space<vmem>>, vector<16xi32>,
        %get3A_570 = arith.index_cast %scan3A_225 : i32 to index
        %get3A_571 = arith.constant 240 : index
        %get3A_572 = tpu.vector_load %arg7[%get3A_570, %get3A_571] {strides = array<i32>} : memref<20x256xi32, #tpu.memory_space<vmem>>, vector<16xi32>,
        %shift_right_arithmetic3A_573 = arith.constant 2 : i32
        %shift_right_arithmetic3A_574 = vector.broadcast %shift_right_arithmetic3A_573 : i32 to vector<16xi32>
        %shift_right_arithmetic3A_575 = arith.shrsi %get3A_572, %shift_right_arithmetic3A_574 : vector<16xi32>
        %mul3A_576 = arith.constant 40000 : i32
        %mul3A_577 = vector.broadcast %mul3A_576 : i32 to vector<16xi32>
        %mul3A_578 = arith.muli %shift_right_arithmetic3A_575, %mul3A_577 : vector<16xi32>
        %shift_left3A_579 = arith.constant 2 : i32
        %shift_left3A_580 = vector.broadcast %shift_left3A_579 : i32 to vector<16xi32>
        %shift_left3A_581 = arith.shli %get3A_569, %shift_left3A_580 : vector<16xi32>
        %add3A_582 = arith.addi %mul3A_578, %shift_left3A_581 : vector<16xi32>
        %and3A_583 = arith.constant 3 : i32
        %and3A_584 = vector.broadcast %and3A_583 : i32 to vector<16xi32>
        %and3A_585 = arith.andi %get3A_572, %and3A_584 : vector<16xi32>
        %add3A_586 = arith.addi %add3A_582, %and3A_585 : vector<16xi32>
        %swap3A_587 = arith.index_cast %scan3A_225 : i32 to index
        %swap3A_588 = arith.constant 240 : index
        %swap3A_589 = tpu.vector_load %arg9[%swap3A_587, %swap3A_588] {strides = array<i32>} : memref<20x256xi32, #tpu.memory_space<vmem>>, vector<16xi32>,
        tpu.vector_store %arg9[%swap3A_587, %swap3A_588], %add3A_586 {strides = array<i32>} : memref<20x256xi32, #tpu.memory_space<vmem>>, vector<16xi32>,
      }
      %scan3A_212 = arith.constant 20 : i32
      %dma_start3A = arith.constant 0 : i32
      %dma_start3A_213 = arith.constant 0 : i32
      %dma_start3A_214 = tpu.memref_slice %arg9[%dma_start3A, %dma_start3A_213] : memref<20x256xi32, #tpu.memory_space<vmem>> -> memref<1x256xi32, #tpu.memory_space<vmem>>
      %dma_start3A_215 = tpu.memref_squeeze %dma_start3A_214 : memref<1x256xi32, #tpu.memory_space<vmem>> -> memref<256xi32, #tpu.memory_space<vmem>>
      %dma_start3A_216 = arith.constant 0 : i32
      %dma_start3A_217 = arith.constant 0 : i32
      %dma_start3A_218 = tpu.memref_slice %arg2[%dma_start3A_216, %dma_start3A_217] : memref<640000x32xf32, #tpu.memory_space<hbm>> -> memref<640000x32xf32, #tpu.memory_space<hbm>>
      tpu.enqueue_indirect_dma source(%dma_start3A_218 : memref<640000x32xf32, #tpu.memory_space<hbm>>) target(%arg10 : memref<256x32xf32, #tpu.memory_space<vmem>>) offsets(%dma_start3A_215 : memref<256xi32, #tpu.memory_space<vmem>>) semaphore(%arg14 : memref<!tpu.dma_semaphore, #tpu.memory_space<semaphore_mem>>)
      %scan3A_219 = arith.constant 0 : i32
      %scan3A_220 = arith.constant 0 : i32
      %scan3A_221 = arith.constant 10 : i32
      %scan3A_222 = arith.addi %scan3A_220, %scan3A_221 : i32
      %scan3A_223 = arith.constant 1 : i32
      scf.for %scan3A_225 = %scan3A_220 to %scan3A_222 step %scan3A_223  : i32 {
        %mul3A_226 = arith.constant 2 : i32
        %mul3A_227 = arith.muli %mul3A_226, %scan3A_225 : i32
        %add3A_228 = arith.constant 0 : i32
        %add3A_229 = arith.addi %mul3A_227, %add3A_228 : i32
        %add3A_230 = arith.constant 1 : i32
        %add3A_231 = arith.addi %add3A_229, %add3A_230 : i32
        %lt3A_232 = arith.constant 20 : i32
        %lt3A_233 = arith.cmpi slt, %add3A_231, %lt3A_232 : i32
        %convert_element_type3A_234 = arith.extui %lt3A_233 : i1 to i32
        %cond3A_235 = arith.constant 0 : i32
        %cond3A_236 = arith.cmpi ne, %convert_element_type3A_234, %cond3A_235 : i32
        scf.if %cond3A_236 {
          %dma_start3A_259 = arith.constant 0 : i32
          %dma_start3A_260 = tpu.memref_slice %arg9[%add3A_231, %dma_start3A_259] : memref<20x256xi32, #tpu.memory_space<vmem>> -> memref<1x256xi32, #tpu.memory_space<vmem>>
          %dma_start3A_261 = tpu.memref_squeeze %dma_start3A_260 : memref<1x256xi32, #tpu.memory_space<vmem>> -> memref<256xi32, #tpu.memory_space<vmem>>
          %dma_start3A_262 = arith.constant 0 : i32
          %dma_start3A_263 = arith.constant 0 : i32
          %dma_start3A_264 = tpu.memref_slice %arg2[%dma_start3A_262, %dma_start3A_263] : memref<640000x32xf32, #tpu.memory_space<hbm>> -> memref<640000x32xf32, #tpu.memory_space<hbm>>
          tpu.enqueue_indirect_dma source(%dma_start3A_264 : memref<640000x32xf32, #tpu.memory_space<hbm>>) target(%arg11 : memref<256x32xf32, #tpu.memory_space<vmem>>) offsets(%dma_start3A_261 : memref<256xi32, #tpu.memory_space<vmem>>) semaphore(%arg15 : memref<!tpu.dma_semaphore, #tpu.memory_space<semaphore_mem>>)
        } else {
        }
        %dma_wait3A = arith.constant 0 : i32
        %dma_wait3A_237 = tpu.memref_slice %arg9[%add3A_229, %dma_wait3A] : memref<20x256xi32, #tpu.memory_space<vmem>> -> memref<1x256xi32, #tpu.memory_space<vmem>>
        %dma_wait3A_238 = tpu.memref_squeeze %dma_wait3A_237 : memref<1x256xi32, #tpu.memory_space<vmem>> -> memref<256xi32, #tpu.memory_space<vmem>>
        %dma_wait3A_239 = arith.constant 0 : i32
        %dma_wait3A_240 = arith.constant 0 : i32
        %dma_wait3A_241 = tpu.memref_slice %arg2[%dma_wait3A_239, %dma_wait3A_240] : memref<640000x32xf32, #tpu.memory_space<hbm>> -> memref<640000x32xf32, #tpu.memory_space<hbm>>
        tpu.wait_indirect_dma semaphore(%arg14 : memref<!tpu.dma_semaphore, #tpu.memory_space<semaphore_mem>>) src(%dma_wait3A_241 : memref<640000x32xf32, #tpu.memory_space<hbm>>) dst(%arg10 : memref<256x32xf32, #tpu.memory_space<vmem>>)
        "tpu.region"() ({
          %run_scoped3A = tpu.sem_alloc : memref<!tpu.dma_semaphore, #tpu.memory_space<semaphore_mem>>
          %dma_start3A_259 = arith.constant 0 : i32
          %dma_start3A_260 = tpu.memref_slice %arg8[%add3A_229, %dma_start3A_259] : memref<20x256xi32, #tpu.memory_space<vmem>> -> memref<1x256xi32, #tpu.memory_space<vmem>>
          %dma_start3A_261 = tpu.memref_squeeze %dma_start3A_260 : memref<1x256xi32, #tpu.memory_space<vmem>> -> memref<256xi32, #tpu.memory_space<vmem>>
          %dma_start3A_262 = arith.constant 0 : i32
          %dma_start3A_263 = arith.constant 0 : i32
          %dma_start3A_264 = tpu.memref_slice %arg13[%dma_start3A_262, %dma_start3A_263] : memref<10240x32xf32, #tpu.memory_space<vmem_shared>> -> memref<10240x32xf32, #tpu.memory_space<vmem_shared>>
          tpu.enqueue_indirect_dma source(%arg10 : memref<256x32xf32, #tpu.memory_space<vmem>>) target(%dma_start3A_264 : memref<10240x32xf32, #tpu.memory_space<vmem_shared>>) offsets(%dma_start3A_261 : memref<256xi32, #tpu.memory_space<vmem>>) semaphore(%run_scoped3A : memref<!tpu.dma_semaphore, #tpu.memory_space<semaphore_mem>>) {add = true}
          %dma_wait3A_265 = arith.constant 0 : i32
          %dma_wait3A_266 = tpu.memref_slice %arg8[%add3A_229, %dma_wait3A_265] : memref<20x256xi32, #tpu.memory_space<vmem>> -> memref<1x256xi32, #tpu.memory_space<vmem>>
          %dma_wait3A_267 = tpu.memref_squeeze %dma_wait3A_266 : memref<1x256xi32, #tpu.memory_space<vmem>> -> memref<256xi32, #tpu.memory_space<vmem>>
          %dma_wait3A_268 = arith.constant 0 : i32
          %dma_wait3A_269 = arith.constant 0 : i32
          %dma_wait3A_270 = tpu.memref_slice %arg13[%dma_wait3A_268, %dma_wait3A_269] : memref<10240x32xf32, #tpu.memory_space<vmem_shared>> -> memref<10240x32xf32, #tpu.memory_space<vmem_shared>>
          tpu.wait_indirect_dma semaphore(%run_scoped3A : memref<!tpu.dma_semaphore, #tpu.memory_space<semaphore_mem>>) src(%arg10 : memref<256x32xf32, #tpu.memory_space<vmem>>) dst(%dma_wait3A_270 : memref<10240x32xf32, #tpu.memory_space<vmem_shared>>)
          tpu.yield
        }) : () -> ()
        %mul3A_242 = arith.constant 2 : i32
        %mul3A_243 = arith.muli %mul3A_242, %scan3A_225 : i32
        %add3A_244 = arith.constant 1 : i32
        %add3A_245 = arith.addi %mul3A_243, %add3A_244 : i32
        %add3A_246 = arith.constant 1 : i32
        %add3A_247 = arith.addi %add3A_245, %add3A_246 : i32
        %lt3A_248 = arith.constant 20 : i32
        %lt3A_249 = arith.cmpi slt, %add3A_247, %lt3A_248 : i32
        %convert_element_type3A_250 = arith.extui %lt3A_249 : i1 to i32
        %cond3A_251 = arith.constant 0 : i32
        %cond3A_252 = arith.cmpi ne, %convert_element_type3A_250, %cond3A_251 : i32
        scf.if %cond3A_252 {
          %dma_start3A_259 = arith.constant 0 : i32
          %dma_start3A_260 = tpu.memref_slice %arg9[%add3A_247, %dma_start3A_259] : memref<20x256xi32, #tpu.memory_space<vmem>> -> memref<1x256xi32, #tpu.memory_space<vmem>>
          %dma_start3A_261 = tpu.memref_squeeze %dma_start3A_260 : memref<1x256xi32, #tpu.memory_space<vmem>> -> memref<256xi32, #tpu.memory_space<vmem>>
          %dma_start3A_262 = arith.constant 0 : i32
          %dma_start3A_263 = arith.constant 0 : i32
          %dma_start3A_264 = tpu.memref_slice %arg2[%dma_start3A_262, %dma_start3A_263] : memref<640000x32xf32, #tpu.memory_space<hbm>> -> memref<640000x32xf32, #tpu.memory_space<hbm>>
          tpu.enqueue_indirect_dma source(%dma_start3A_264 : memref<640000x32xf32, #tpu.memory_space<hbm>>) target(%arg10 : memref<256x32xf32, #tpu.memory_space<vmem>>) offsets(%dma_start3A_261 : memref<256xi32, #tpu.memory_space<vmem>>) semaphore(%arg14 : memref<!tpu.dma_semaphore, #tpu.memory_space<semaphore_mem>>)
        } else {
        }
        %dma_wait3A_253 = arith.constant 0 : i32
        %dma_wait3A_254 = tpu.memref_slice %arg9[%add3A_245, %dma_wait3A_253] : memref<20x256xi32, #tpu.memory_space<vmem>> -> memref<1x256xi32, #tpu.memory_space<vmem>>
        %dma_wait3A_255 = tpu.memref_squeeze %dma_wait3A_254 : memref<1x256xi32, #tpu.memory_space<vmem>> -> memref<256xi32, #tpu.memory_space<vmem>>
        %dma_wait3A_256 = arith.constant 0 : i32
        %dma_wait3A_257 = arith.constant 0 : i32
        %dma_wait3A_258 = tpu.memref_slice %arg2[%dma_wait3A_256, %dma_wait3A_257] : memref<640000x32xf32, #tpu.memory_space<hbm>> -> memref<640000x32xf32, #tpu.memory_space<hbm>>
        tpu.wait_indirect_dma semaphore(%arg15 : memref<!tpu.dma_semaphore, #tpu.memory_space<semaphore_mem>>) src(%dma_wait3A_258 : memref<640000x32xf32, #tpu.memory_space<hbm>>) dst(%arg11 : memref<256x32xf32, #tpu.memory_space<vmem>>)
        "tpu.region"() ({
          %run_scoped3A = tpu.sem_alloc : memref<!tpu.dma_semaphore, #tpu.memory_space<semaphore_mem>>
          %dma_start3A_259 = arith.constant 0 : i32
          %dma_start3A_260 = tpu.memref_slice %arg8[%add3A_245, %dma_start3A_259] : memref<20x256xi32, #tpu.memory_space<vmem>> -> memref<1x256xi32, #tpu.memory_space<vmem>>
          %dma_start3A_261 = tpu.memref_squeeze %dma_start3A_260 : memref<1x256xi32, #tpu.memory_space<vmem>> -> memref<256xi32, #tpu.memory_space<vmem>>
          %dma_start3A_262 = arith.constant 0 : i32
          %dma_start3A_263 = arith.constant 0 : i32
          %dma_start3A_264 = tpu.memref_slice %arg13[%dma_start3A_262, %dma_start3A_263] : memref<10240x32xf32, #tpu.memory_space<vmem_shared>> -> memref<10240x32xf32, #tpu.memory_space<vmem_shared>>
          tpu.enqueue_indirect_dma source(%arg11 : memref<256x32xf32, #tpu.memory_space<vmem>>) target(%dma_start3A_264 : memref<10240x32xf32, #tpu.memory_space<vmem_shared>>) offsets(%dma_start3A_261 : memref<256xi32, #tpu.memory_space<vmem>>) semaphore(%run_scoped3A : memref<!tpu.dma_semaphore, #tpu.memory_space<semaphore_mem>>) {add = true}
          %dma_wait3A_265 = arith.constant 0 : i32
          %dma_wait3A_266 = tpu.memref_slice %arg8[%add3A_245, %dma_wait3A_265] : memref<20x256xi32, #tpu.memory_space<vmem>> -> memref<1x256xi32, #tpu.memory_space<vmem>>
          %dma_wait3A_267 = tpu.memref_squeeze %dma_wait3A_266 : memref<1x256xi32, #tpu.memory_space<vmem>> -> memref<256xi32, #tpu.memory_space<vmem>>
          %dma_wait3A_268 = arith.constant 0 : i32
          %dma_wait3A_269 = arith.constant 0 : i32
          %dma_wait3A_270 = tpu.memref_slice %arg13[%dma_wait3A_268, %dma_wait3A_269] : memref<10240x32xf32, #tpu.memory_space<vmem_shared>> -> memref<10240x32xf32, #tpu.memory_space<vmem_shared>>
          tpu.wait_indirect_dma semaphore(%run_scoped3A : memref<!tpu.dma_semaphore, #tpu.memory_space<semaphore_mem>>) src(%arg11 : memref<256x32xf32, #tpu.memory_space<vmem>>) dst(%dma_wait3A_270 : memref<10240x32xf32, #tpu.memory_space<vmem_shared>>)
          tpu.yield
        }) : () -> ()
      }
      %scan3A_224 = arith.constant 10 : i32
    } else {
      %mul3A_203 = arith.constant 19 : i32
      %mul3A_204 = arith.muli %add3A, %mul3A_203 : i32
      %add3A_205 = arith.constant 17 : i32
      %add3A_206 = arith.addi %mul3A_204, %add3A_205 : i32
      "tpu.region"() ({
        %run_scoped3A_233 = tpu.sem_alloc : memref<!tpu.dma_semaphore, #tpu.memory_space<semaphore_mem>>
        %dma_start3A_234 = arith.constant 0 : i32
        %dma_start3A_235 = arith.constant 0 : i32
        %dma_start3A_236 = tpu.memref_slice %arg6[%dma_start3A_234, %dma_start3A_235] : memref<20x256xi32, #tpu.memory_space<vmem>> -> memref<19x256xi32, #tpu.memory_space<vmem>>
        %dma_start3A_237 = arith.constant 0 : i32
        %dma_start3A_238 = tpu.memref_slice %arg3[%add3A_206, %dma_start3A_237] : memref<1250x256xi32, #tpu.memory_space<hbm>> -> memref<19x256xi32, #tpu.memory_space<hbm>>
        %dma_start3A_239 = arith.constant 0 : i32
        %dma_start3A_240 = arith.constant 0 : i32
        %dma_start3A_241 = tpu.memref_slice %arg6[%dma_start3A_239, %dma_start3A_240] : memref<20x256xi32, #tpu.memory_space<vmem>> -> memref<19x256xi32, #tpu.memory_space<vmem>>
        %dma_start3A_242 = arith.constant 0 : i32
        %dma_start3A_243 = tpu.memref_slice %arg3[%add3A_206, %dma_start3A_242] : memref<1250x256xi32, #tpu.memory_space<hbm>> -> memref<19x256xi32, #tpu.memory_space<hbm>>
        tpu.enqueue_dma source(%dma_start3A_243 : memref<19x256xi32, #tpu.memory_space<hbm>>) target(%dma_start3A_241 : memref<19x256xi32, #tpu.memory_space<vmem>>) target_semaphore(%run_scoped3A_233 : memref<!tpu.dma_semaphore, #tpu.memory_space<semaphore_mem>>)
        %dma_wait3A_244 = arith.constant 0 : i32
        %dma_wait3A_245 = arith.constant 0 : i32
        %dma_wait3A_246 = tpu.memref_slice %arg6[%dma_wait3A_244, %dma_wait3A_245] : memref<20x256xi32, #tpu.memory_space<vmem>> -> memref<19x256xi32, #tpu.memory_space<vmem>>
        %dma_wait3A_247 = arith.constant 0 : i32
        %dma_wait3A_248 = tpu.memref_slice %arg3[%add3A_206, %dma_wait3A_247] : memref<1250x256xi32, #tpu.memory_space<hbm>> -> memref<19x256xi32, #tpu.memory_space<hbm>>
        %dma_wait3A_249 = arith.constant 0 : i32
        %dma_wait3A_250 = arith.constant 0 : i32
        %dma_wait3A_251 = tpu.memref_slice %arg6[%dma_wait3A_249, %dma_wait3A_250] : memref<20x256xi32, #tpu.memory_space<vmem>> -> memref<19x256xi32, #tpu.memory_space<vmem>>
        %dma_wait3A_252 = arith.constant 0 : i32
        %dma_wait3A_253 = tpu.memref_slice %arg3[%add3A_206, %dma_wait3A_252] : memref<1250x256xi32, #tpu.memory_space<hbm>> -> memref<19x256xi32, #tpu.memory_space<hbm>>
        tpu.wait_dma2 semaphore(%run_scoped3A_233 : memref<!tpu.dma_semaphore, #tpu.memory_space<semaphore_mem>>) src(%dma_wait3A_253 : memref<19x256xi32, #tpu.memory_space<hbm>>) dst(%dma_wait3A_251 : memref<19x256xi32, #tpu.memory_space<vmem>>)
        tpu.yield
      }) : () -> ()
      %add3A_207 = arith.constant 625 : i32
      %add3A_208 = arith.addi %add3A_207, %add3A_206 : i32
      "tpu.region"() ({
        %run_scoped3A_233 = tpu.sem_alloc : memref<!tpu.dma_semaphore, #tpu.memory_space<semaphore_mem>>
        %dma_start3A_234 = arith.constant 0 : i32
        %dma_start3A_235 = arith.constant 0 : i32
        %dma_start3A_236 = tpu.memref_slice %arg8[%dma_start3A_234, %dma_start3A_235] : memref<20x256xi32, #tpu.memory_space<vmem>> -> memref<19x256xi32, #tpu.memory_space<vmem>>
        %dma_start3A_237 = arith.constant 0 : i32
        %dma_start3A_238 = tpu.memref_slice %arg3[%add3A_208, %dma_start3A_237] : memref<1250x256xi32, #tpu.memory_space<hbm>> -> memref<19x256xi32, #tpu.memory_space<hbm>>
        %dma_start3A_239 = arith.constant 0 : i32
        %dma_start3A_240 = arith.constant 0 : i32
        %dma_start3A_241 = tpu.memref_slice %arg8[%dma_start3A_239, %dma_start3A_240] : memref<20x256xi32, #tpu.memory_space<vmem>> -> memref<19x256xi32, #tpu.memory_space<vmem>>
        %dma_start3A_242 = arith.constant 0 : i32
        %dma_start3A_243 = tpu.memref_slice %arg3[%add3A_208, %dma_start3A_242] : memref<1250x256xi32, #tpu.memory_space<hbm>> -> memref<19x256xi32, #tpu.memory_space<hbm>>
        tpu.enqueue_dma source(%dma_start3A_243 : memref<19x256xi32, #tpu.memory_space<hbm>>) target(%dma_start3A_241 : memref<19x256xi32, #tpu.memory_space<vmem>>) target_semaphore(%run_scoped3A_233 : memref<!tpu.dma_semaphore, #tpu.memory_space<semaphore_mem>>)
        %dma_wait3A_244 = arith.constant 0 : i32
        %dma_wait3A_245 = arith.constant 0 : i32
        %dma_wait3A_246 = tpu.memref_slice %arg8[%dma_wait3A_244, %dma_wait3A_245] : memref<20x256xi32, #tpu.memory_space<vmem>> -> memref<19x256xi32, #tpu.memory_space<vmem>>
        %dma_wait3A_247 = arith.constant 0 : i32
        %dma_wait3A_248 = tpu.memref_slice %arg3[%add3A_208, %dma_wait3A_247] : memref<1250x256xi32, #tpu.memory_space<hbm>> -> memref<19x256xi32, #tpu.memory_space<hbm>>
        %dma_wait3A_249 = arith.constant 0 : i32
        %dma_wait3A_250 = arith.constant 0 : i32
        %dma_wait3A_251 = tpu.memref_slice %arg8[%dma_wait3A_249, %dma_wait3A_250] : memref<20x256xi32, #tpu.memory_space<vmem>> -> memref<19x256xi32, #tpu.memory_space<vmem>>
        %dma_wait3A_252 = arith.constant 0 : i32
        %dma_wait3A_253 = tpu.memref_slice %arg3[%add3A_208, %dma_wait3A_252] : memref<1250x256xi32, #tpu.memory_space<hbm>> -> memref<19x256xi32, #tpu.memory_space<hbm>>
        tpu.wait_dma2 semaphore(%run_scoped3A_233 : memref<!tpu.dma_semaphore, #tpu.memory_space<semaphore_mem>>) src(%dma_wait3A_253 : memref<19x256xi32, #tpu.memory_space<hbm>>) dst(%dma_wait3A_251 : memref<19x256xi32, #tpu.memory_space<vmem>>)
        tpu.yield
      }) : () -> ()
      "tpu.region"() ({
        %run_scoped3A_233 = tpu.sem_alloc : memref<!tpu.dma_semaphore, #tpu.memory_space<semaphore_mem>>
        %dma_start3A_234 = arith.constant 0 : i32
        %dma_start3A_235 = arith.constant 0 : i32
        %dma_start3A_236 = tpu.memref_slice %arg7[%dma_start3A_234, %dma_start3A_235] : memref<20x256xi32, #tpu.memory_space<vmem>> -> memref<19x256xi32, #tpu.memory_space<vmem>>
        %dma_start3A_237 = arith.constant 0 : i32
        %dma_start3A_238 = tpu.memref_slice %arg4[%add3A_206, %dma_start3A_237] : memref<625x256xi32, #tpu.memory_space<hbm>> -> memref<19x256xi32, #tpu.memory_space<hbm>>
        %dma_start3A_239 = arith.constant 0 : i32
        %dma_start3A_240 = arith.constant 0 : i32
        %dma_start3A_241 = tpu.memref_slice %arg7[%dma_start3A_239, %dma_start3A_240] : memref<20x256xi32, #tpu.memory_space<vmem>> -> memref<19x256xi32, #tpu.memory_space<vmem>>
        %dma_start3A_242 = arith.constant 0 : i32
        %dma_start3A_243 = tpu.memref_slice %arg4[%add3A_206, %dma_start3A_242] : memref<625x256xi32, #tpu.memory_space<hbm>> -> memref<19x256xi32, #tpu.memory_space<hbm>>
        tpu.enqueue_dma source(%dma_start3A_243 : memref<19x256xi32, #tpu.memory_space<hbm>>) target(%dma_start3A_241 : memref<19x256xi32, #tpu.memory_space<vmem>>) target_semaphore(%run_scoped3A_233 : memref<!tpu.dma_semaphore, #tpu.memory_space<semaphore_mem>>)
        %dma_wait3A_244 = arith.constant 0 : i32
        %dma_wait3A_245 = arith.constant 0 : i32
        %dma_wait3A_246 = tpu.memref_slice %arg7[%dma_wait3A_244, %dma_wait3A_245] : memref<20x256xi32, #tpu.memory_space<vmem>> -> memref<19x256xi32, #tpu.memory_space<vmem>>
        %dma_wait3A_247 = arith.constant 0 : i32
        %dma_wait3A_248 = tpu.memref_slice %arg4[%add3A_206, %dma_wait3A_247] : memref<625x256xi32, #tpu.memory_space<hbm>> -> memref<19x256xi32, #tpu.memory_space<hbm>>
        %dma_wait3A_249 = arith.constant 0 : i32
        %dma_wait3A_250 = arith.constant 0 : i32
        %dma_wait3A_251 = tpu.memref_slice %arg7[%dma_wait3A_249, %dma_wait3A_250] : memref<20x256xi32, #tpu.memory_space<vmem>> -> memref<19x256xi32, #tpu.memory_space<vmem>>
        %dma_wait3A_252 = arith.constant 0 : i32
        %dma_wait3A_253 = tpu.memref_slice %arg4[%add3A_206, %dma_wait3A_252] : memref<625x256xi32, #tpu.memory_space<hbm>> -> memref<19x256xi32, #tpu.memory_space<hbm>>
        tpu.wait_dma2 semaphore(%run_scoped3A_233 : memref<!tpu.dma_semaphore, #tpu.memory_space<semaphore_mem>>) src(%dma_wait3A_253 : memref<19x256xi32, #tpu.memory_space<hbm>>) dst(%dma_wait3A_251 : memref<19x256xi32, #tpu.memory_space<vmem>>)
        tpu.yield
      }) : () -> ()
      %scan3A_209 = arith.constant 0 : i32
      %scan3A_210 = arith.constant 0 : i32
      %scan3A_211 = arith.constant 19 : i32
      %scan3A_212 = arith.addi %scan3A_210, %scan3A_211 : i32
      %scan3A_213 = arith.constant 1 : i32
      scf.for %scan3A_233 = %scan3A_210 to %scan3A_212 step %scan3A_213  : i32 {
        %get3A = arith.index_cast %scan3A_233 : i32 to index
        %get3A_234 = arith.constant 0 : index
        %get3A_235 = tpu.vector_load %arg6[%get3A, %get3A_234] {strides = array<i32>} : memref<20x256xi32, #tpu.memory_space<vmem>>, vector<16xi32>,
        %get3A_236 = arith.index_cast %scan3A_233 : i32 to index
        %get3A_237 = arith.constant 0 : index
        %get3A_238 = tpu.vector_load %arg7[%get3A_236, %get3A_237] {strides = array<i32>} : memref<20x256xi32, #tpu.memory_space<vmem>>, vector<16xi32>,
        %shift_right_arithmetic3A = arith.constant 2 : i32
        %shift_right_arithmetic3A_239 = vector.broadcast %shift_right_arithmetic3A : i32 to vector<16xi32>
        %shift_right_arithmetic3A_240 = arith.shrsi %get3A_238, %shift_right_arithmetic3A_239 : vector<16xi32>
        %mul3A_241 = arith.constant 40000 : i32
        %mul3A_242 = vector.broadcast %mul3A_241 : i32 to vector<16xi32>
        %mul3A_243 = arith.muli %shift_right_arithmetic3A_240, %mul3A_242 : vector<16xi32>
        %shift_left3A = arith.constant 2 : i32
        %shift_left3A_244 = vector.broadcast %shift_left3A : i32 to vector<16xi32>
        %shift_left3A_245 = arith.shli %get3A_235, %shift_left3A_244 : vector<16xi32>
        %add3A_246 = arith.addi %mul3A_243, %shift_left3A_245 : vector<16xi32>
        %and3A = arith.constant 3 : i32
        %and3A_247 = vector.broadcast %and3A : i32 to vector<16xi32>
        %and3A_248 = arith.andi %get3A_238, %and3A_247 : vector<16xi32>
        %add3A_249 = arith.addi %add3A_246, %and3A_248 : vector<16xi32>
        %swap3A_250 = arith.index_cast %scan3A_233 : i32 to index
        %swap3A_251 = arith.constant 0 : index
        %swap3A_252 = tpu.vector_load %arg9[%swap3A_250, %swap3A_251] {strides = array<i32>} : memref<20x256xi32, #tpu.memory_space<vmem>>, vector<16xi32>,
        tpu.vector_store %arg9[%swap3A_250, %swap3A_251], %add3A_249 {strides = array<i32>} : memref<20x256xi32, #tpu.memory_space<vmem>>, vector<16xi32>,
        %get3A_253 = arith.index_cast %scan3A_233 : i32 to index
        %get3A_254 = arith.constant 16 : index
        %get3A_255 = tpu.vector_load %arg6[%get3A_253, %get3A_254] {strides = array<i32>} : memref<20x256xi32, #tpu.memory_space<vmem>>, vector<16xi32>,
        %get3A_256 = arith.index_cast %scan3A_233 : i32 to index
        %get3A_257 = arith.constant 16 : index
        %get3A_258 = tpu.vector_load %arg7[%get3A_256, %get3A_257] {strides = array<i32>} : memref<20x256xi32, #tpu.memory_space<vmem>>, vector<16xi32>,
        %shift_right_arithmetic3A_259 = arith.constant 2 : i32
        %shift_right_arithmetic3A_260 = vector.broadcast %shift_right_arithmetic3A_259 : i32 to vector<16xi32>
        %shift_right_arithmetic3A_261 = arith.shrsi %get3A_258, %shift_right_arithmetic3A_260 : vector<16xi32>
        %mul3A_262 = arith.constant 40000 : i32
        %mul3A_263 = vector.broadcast %mul3A_262 : i32 to vector<16xi32>
        %mul3A_264 = arith.muli %shift_right_arithmetic3A_261, %mul3A_263 : vector<16xi32>
        %shift_left3A_265 = arith.constant 2 : i32
        %shift_left3A_266 = vector.broadcast %shift_left3A_265 : i32 to vector<16xi32>
        %shift_left3A_267 = arith.shli %get3A_255, %shift_left3A_266 : vector<16xi32>
        %add3A_268 = arith.addi %mul3A_264, %shift_left3A_267 : vector<16xi32>
        %and3A_269 = arith.constant 3 : i32
        %and3A_270 = vector.broadcast %and3A_269 : i32 to vector<16xi32>
        %and3A_271 = arith.andi %get3A_258, %and3A_270 : vector<16xi32>
        %add3A_272 = arith.addi %add3A_268, %and3A_271 : vector<16xi32>
        %swap3A_273 = arith.index_cast %scan3A_233 : i32 to index
        %swap3A_274 = arith.constant 16 : index
        %swap3A_275 = tpu.vector_load %arg9[%swap3A_273, %swap3A_274] {strides = array<i32>} : memref<20x256xi32, #tpu.memory_space<vmem>>, vector<16xi32>,
        tpu.vector_store %arg9[%swap3A_273, %swap3A_274], %add3A_272 {strides = array<i32>} : memref<20x256xi32, #tpu.memory_space<vmem>>, vector<16xi32>,
        %get3A_276 = arith.index_cast %scan3A_233 : i32 to index
        %get3A_277 = arith.constant 32 : index
        %get3A_278 = tpu.vector_load %arg6[%get3A_276, %get3A_277] {strides = array<i32>} : memref<20x256xi32, #tpu.memory_space<vmem>>, vector<16xi32>,
        %get3A_279 = arith.index_cast %scan3A_233 : i32 to index
        %get3A_280 = arith.constant 32 : index
        %get3A_281 = tpu.vector_load %arg7[%get3A_279, %get3A_280] {strides = array<i32>} : memref<20x256xi32, #tpu.memory_space<vmem>>, vector<16xi32>,
        %shift_right_arithmetic3A_282 = arith.constant 2 : i32
        %shift_right_arithmetic3A_283 = vector.broadcast %shift_right_arithmetic3A_282 : i32 to vector<16xi32>
        %shift_right_arithmetic3A_284 = arith.shrsi %get3A_281, %shift_right_arithmetic3A_283 : vector<16xi32>
        %mul3A_285 = arith.constant 40000 : i32
        %mul3A_286 = vector.broadcast %mul3A_285 : i32 to vector<16xi32>
        %mul3A_287 = arith.muli %shift_right_arithmetic3A_284, %mul3A_286 : vector<16xi32>
        %shift_left3A_288 = arith.constant 2 : i32
        %shift_left3A_289 = vector.broadcast %shift_left3A_288 : i32 to vector<16xi32>
        %shift_left3A_290 = arith.shli %get3A_278, %shift_left3A_289 : vector<16xi32>
        %add3A_291 = arith.addi %mul3A_287, %shift_left3A_290 : vector<16xi32>
        %and3A_292 = arith.constant 3 : i32
        %and3A_293 = vector.broadcast %and3A_292 : i32 to vector<16xi32>
        %and3A_294 = arith.andi %get3A_281, %and3A_293 : vector<16xi32>
        %add3A_295 = arith.addi %add3A_291, %and3A_294 : vector<16xi32>
        %swap3A_296 = arith.index_cast %scan3A_233 : i32 to index
        %swap3A_297 = arith.constant 32 : index
        %swap3A_298 = tpu.vector_load %arg9[%swap3A_296, %swap3A_297] {strides = array<i32>} : memref<20x256xi32, #tpu.memory_space<vmem>>, vector<16xi32>,
        tpu.vector_store %arg9[%swap3A_296, %swap3A_297], %add3A_295 {strides = array<i32>} : memref<20x256xi32, #tpu.memory_space<vmem>>, vector<16xi32>,
        %get3A_299 = arith.index_cast %scan3A_233 : i32 to index
        %get3A_300 = arith.constant 48 : index
        %get3A_301 = tpu.vector_load %arg6[%get3A_299, %get3A_300] {strides = array<i32>} : memref<20x256xi32, #tpu.memory_space<vmem>>, vector<16xi32>,
        %get3A_302 = arith.index_cast %scan3A_233 : i32 to index
        %get3A_303 = arith.constant 48 : index
        %get3A_304 = tpu.vector_load %arg7[%get3A_302, %get3A_303] {strides = array<i32>} : memref<20x256xi32, #tpu.memory_space<vmem>>, vector<16xi32>,
        %shift_right_arithmetic3A_305 = arith.constant 2 : i32
        %shift_right_arithmetic3A_306 = vector.broadcast %shift_right_arithmetic3A_305 : i32 to vector<16xi32>
        %shift_right_arithmetic3A_307 = arith.shrsi %get3A_304, %shift_right_arithmetic3A_306 : vector<16xi32>
        %mul3A_308 = arith.constant 40000 : i32
        %mul3A_309 = vector.broadcast %mul3A_308 : i32 to vector<16xi32>
        %mul3A_310 = arith.muli %shift_right_arithmetic3A_307, %mul3A_309 : vector<16xi32>
        %shift_left3A_311 = arith.constant 2 : i32
        %shift_left3A_312 = vector.broadcast %shift_left3A_311 : i32 to vector<16xi32>
        %shift_left3A_313 = arith.shli %get3A_301, %shift_left3A_312 : vector<16xi32>
        %add3A_314 = arith.addi %mul3A_310, %shift_left3A_313 : vector<16xi32>
        %and3A_315 = arith.constant 3 : i32
        %and3A_316 = vector.broadcast %and3A_315 : i32 to vector<16xi32>
        %and3A_317 = arith.andi %get3A_304, %and3A_316 : vector<16xi32>
        %add3A_318 = arith.addi %add3A_314, %and3A_317 : vector<16xi32>
        %swap3A_319 = arith.index_cast %scan3A_233 : i32 to index
        %swap3A_320 = arith.constant 48 : index
        %swap3A_321 = tpu.vector_load %arg9[%swap3A_319, %swap3A_320] {strides = array<i32>} : memref<20x256xi32, #tpu.memory_space<vmem>>, vector<16xi32>,
        tpu.vector_store %arg9[%swap3A_319, %swap3A_320], %add3A_318 {strides = array<i32>} : memref<20x256xi32, #tpu.memory_space<vmem>>, vector<16xi32>,
        %get3A_322 = arith.index_cast %scan3A_233 : i32 to index
        %get3A_323 = arith.constant 64 : index
        %get3A_324 = tpu.vector_load %arg6[%get3A_322, %get3A_323] {strides = array<i32>} : memref<20x256xi32, #tpu.memory_space<vmem>>, vector<16xi32>,
        %get3A_325 = arith.index_cast %scan3A_233 : i32 to index
        %get3A_326 = arith.constant 64 : index
        %get3A_327 = tpu.vector_load %arg7[%get3A_325, %get3A_326] {strides = array<i32>} : memref<20x256xi32, #tpu.memory_space<vmem>>, vector<16xi32>,
        %shift_right_arithmetic3A_328 = arith.constant 2 : i32
        %shift_right_arithmetic3A_329 = vector.broadcast %shift_right_arithmetic3A_328 : i32 to vector<16xi32>
        %shift_right_arithmetic3A_330 = arith.shrsi %get3A_327, %shift_right_arithmetic3A_329 : vector<16xi32>
        %mul3A_331 = arith.constant 40000 : i32
        %mul3A_332 = vector.broadcast %mul3A_331 : i32 to vector<16xi32>
        %mul3A_333 = arith.muli %shift_right_arithmetic3A_330, %mul3A_332 : vector<16xi32>
        %shift_left3A_334 = arith.constant 2 : i32
        %shift_left3A_335 = vector.broadcast %shift_left3A_334 : i32 to vector<16xi32>
        %shift_left3A_336 = arith.shli %get3A_324, %shift_left3A_335 : vector<16xi32>
        %add3A_337 = arith.addi %mul3A_333, %shift_left3A_336 : vector<16xi32>
        %and3A_338 = arith.constant 3 : i32
        %and3A_339 = vector.broadcast %and3A_338 : i32 to vector<16xi32>
        %and3A_340 = arith.andi %get3A_327, %and3A_339 : vector<16xi32>
        %add3A_341 = arith.addi %add3A_337, %and3A_340 : vector<16xi32>
        %swap3A_342 = arith.index_cast %scan3A_233 : i32 to index
        %swap3A_343 = arith.constant 64 : index
        %swap3A_344 = tpu.vector_load %arg9[%swap3A_342, %swap3A_343] {strides = array<i32>} : memref<20x256xi32, #tpu.memory_space<vmem>>, vector<16xi32>,
        tpu.vector_store %arg9[%swap3A_342, %swap3A_343], %add3A_341 {strides = array<i32>} : memref<20x256xi32, #tpu.memory_space<vmem>>, vector<16xi32>,
        %get3A_345 = arith.index_cast %scan3A_233 : i32 to index
        %get3A_346 = arith.constant 80 : index
        %get3A_347 = tpu.vector_load %arg6[%get3A_345, %get3A_346] {strides = array<i32>} : memref<20x256xi32, #tpu.memory_space<vmem>>, vector<16xi32>,
        %get3A_348 = arith.index_cast %scan3A_233 : i32 to index
        %get3A_349 = arith.constant 80 : index
        %get3A_350 = tpu.vector_load %arg7[%get3A_348, %get3A_349] {strides = array<i32>} : memref<20x256xi32, #tpu.memory_space<vmem>>, vector<16xi32>,
        %shift_right_arithmetic3A_351 = arith.constant 2 : i32
        %shift_right_arithmetic3A_352 = vector.broadcast %shift_right_arithmetic3A_351 : i32 to vector<16xi32>
        %shift_right_arithmetic3A_353 = arith.shrsi %get3A_350, %shift_right_arithmetic3A_352 : vector<16xi32>
        %mul3A_354 = arith.constant 40000 : i32
        %mul3A_355 = vector.broadcast %mul3A_354 : i32 to vector<16xi32>
        %mul3A_356 = arith.muli %shift_right_arithmetic3A_353, %mul3A_355 : vector<16xi32>
        %shift_left3A_357 = arith.constant 2 : i32
        %shift_left3A_358 = vector.broadcast %shift_left3A_357 : i32 to vector<16xi32>
        %shift_left3A_359 = arith.shli %get3A_347, %shift_left3A_358 : vector<16xi32>
        %add3A_360 = arith.addi %mul3A_356, %shift_left3A_359 : vector<16xi32>
        %and3A_361 = arith.constant 3 : i32
        %and3A_362 = vector.broadcast %and3A_361 : i32 to vector<16xi32>
        %and3A_363 = arith.andi %get3A_350, %and3A_362 : vector<16xi32>
        %add3A_364 = arith.addi %add3A_360, %and3A_363 : vector<16xi32>
        %swap3A_365 = arith.index_cast %scan3A_233 : i32 to index
        %swap3A_366 = arith.constant 80 : index
        %swap3A_367 = tpu.vector_load %arg9[%swap3A_365, %swap3A_366] {strides = array<i32>} : memref<20x256xi32, #tpu.memory_space<vmem>>, vector<16xi32>,
        tpu.vector_store %arg9[%swap3A_365, %swap3A_366], %add3A_364 {strides = array<i32>} : memref<20x256xi32, #tpu.memory_space<vmem>>, vector<16xi32>,
        %get3A_368 = arith.index_cast %scan3A_233 : i32 to index
        %get3A_369 = arith.constant 96 : index
        %get3A_370 = tpu.vector_load %arg6[%get3A_368, %get3A_369] {strides = array<i32>} : memref<20x256xi32, #tpu.memory_space<vmem>>, vector<16xi32>,
        %get3A_371 = arith.index_cast %scan3A_233 : i32 to index
        %get3A_372 = arith.constant 96 : index
        %get3A_373 = tpu.vector_load %arg7[%get3A_371, %get3A_372] {strides = array<i32>} : memref<20x256xi32, #tpu.memory_space<vmem>>, vector<16xi32>,
        %shift_right_arithmetic3A_374 = arith.constant 2 : i32
        %shift_right_arithmetic3A_375 = vector.broadcast %shift_right_arithmetic3A_374 : i32 to vector<16xi32>
        %shift_right_arithmetic3A_376 = arith.shrsi %get3A_373, %shift_right_arithmetic3A_375 : vector<16xi32>
        %mul3A_377 = arith.constant 40000 : i32
        %mul3A_378 = vector.broadcast %mul3A_377 : i32 to vector<16xi32>
        %mul3A_379 = arith.muli %shift_right_arithmetic3A_376, %mul3A_378 : vector<16xi32>
        %shift_left3A_380 = arith.constant 2 : i32
        %shift_left3A_381 = vector.broadcast %shift_left3A_380 : i32 to vector<16xi32>
        %shift_left3A_382 = arith.shli %get3A_370, %shift_left3A_381 : vector<16xi32>
        %add3A_383 = arith.addi %mul3A_379, %shift_left3A_382 : vector<16xi32>
        %and3A_384 = arith.constant 3 : i32
        %and3A_385 = vector.broadcast %and3A_384 : i32 to vector<16xi32>
        %and3A_386 = arith.andi %get3A_373, %and3A_385 : vector<16xi32>
        %add3A_387 = arith.addi %add3A_383, %and3A_386 : vector<16xi32>
        %swap3A_388 = arith.index_cast %scan3A_233 : i32 to index
        %swap3A_389 = arith.constant 96 : index
        %swap3A_390 = tpu.vector_load %arg9[%swap3A_388, %swap3A_389] {strides = array<i32>} : memref<20x256xi32, #tpu.memory_space<vmem>>, vector<16xi32>,
        tpu.vector_store %arg9[%swap3A_388, %swap3A_389], %add3A_387 {strides = array<i32>} : memref<20x256xi32, #tpu.memory_space<vmem>>, vector<16xi32>,
        %get3A_391 = arith.index_cast %scan3A_233 : i32 to index
        %get3A_392 = arith.constant 112 : index
        %get3A_393 = tpu.vector_load %arg6[%get3A_391, %get3A_392] {strides = array<i32>} : memref<20x256xi32, #tpu.memory_space<vmem>>, vector<16xi32>,
        %get3A_394 = arith.index_cast %scan3A_233 : i32 to index
        %get3A_395 = arith.constant 112 : index
        %get3A_396 = tpu.vector_load %arg7[%get3A_394, %get3A_395] {strides = array<i32>} : memref<20x256xi32, #tpu.memory_space<vmem>>, vector<16xi32>,
        %shift_right_arithmetic3A_397 = arith.constant 2 : i32
        %shift_right_arithmetic3A_398 = vector.broadcast %shift_right_arithmetic3A_397 : i32 to vector<16xi32>
        %shift_right_arithmetic3A_399 = arith.shrsi %get3A_396, %shift_right_arithmetic3A_398 : vector<16xi32>
        %mul3A_400 = arith.constant 40000 : i32
        %mul3A_401 = vector.broadcast %mul3A_400 : i32 to vector<16xi32>
        %mul3A_402 = arith.muli %shift_right_arithmetic3A_399, %mul3A_401 : vector<16xi32>
        %shift_left3A_403 = arith.constant 2 : i32
        %shift_left3A_404 = vector.broadcast %shift_left3A_403 : i32 to vector<16xi32>
        %shift_left3A_405 = arith.shli %get3A_393, %shift_left3A_404 : vector<16xi32>
        %add3A_406 = arith.addi %mul3A_402, %shift_left3A_405 : vector<16xi32>
        %and3A_407 = arith.constant 3 : i32
        %and3A_408 = vector.broadcast %and3A_407 : i32 to vector<16xi32>
        %and3A_409 = arith.andi %get3A_396, %and3A_408 : vector<16xi32>
        %add3A_410 = arith.addi %add3A_406, %and3A_409 : vector<16xi32>
        %swap3A_411 = arith.index_cast %scan3A_233 : i32 to index
        %swap3A_412 = arith.constant 112 : index
        %swap3A_413 = tpu.vector_load %arg9[%swap3A_411, %swap3A_412] {strides = array<i32>} : memref<20x256xi32, #tpu.memory_space<vmem>>, vector<16xi32>,
        tpu.vector_store %arg9[%swap3A_411, %swap3A_412], %add3A_410 {strides = array<i32>} : memref<20x256xi32, #tpu.memory_space<vmem>>, vector<16xi32>,
        %get3A_414 = arith.index_cast %scan3A_233 : i32 to index
        %get3A_415 = arith.constant 128 : index
        %get3A_416 = tpu.vector_load %arg6[%get3A_414, %get3A_415] {strides = array<i32>} : memref<20x256xi32, #tpu.memory_space<vmem>>, vector<16xi32>,
        %get3A_417 = arith.index_cast %scan3A_233 : i32 to index
        %get3A_418 = arith.constant 128 : index
        %get3A_419 = tpu.vector_load %arg7[%get3A_417, %get3A_418] {strides = array<i32>} : memref<20x256xi32, #tpu.memory_space<vmem>>, vector<16xi32>,
        %shift_right_arithmetic3A_420 = arith.constant 2 : i32
        %shift_right_arithmetic3A_421 = vector.broadcast %shift_right_arithmetic3A_420 : i32 to vector<16xi32>
        %shift_right_arithmetic3A_422 = arith.shrsi %get3A_419, %shift_right_arithmetic3A_421 : vector<16xi32>
        %mul3A_423 = arith.constant 40000 : i32
        %mul3A_424 = vector.broadcast %mul3A_423 : i32 to vector<16xi32>
        %mul3A_425 = arith.muli %shift_right_arithmetic3A_422, %mul3A_424 : vector<16xi32>
        %shift_left3A_426 = arith.constant 2 : i32
        %shift_left3A_427 = vector.broadcast %shift_left3A_426 : i32 to vector<16xi32>
        %shift_left3A_428 = arith.shli %get3A_416, %shift_left3A_427 : vector<16xi32>
        %add3A_429 = arith.addi %mul3A_425, %shift_left3A_428 : vector<16xi32>
        %and3A_430 = arith.constant 3 : i32
        %and3A_431 = vector.broadcast %and3A_430 : i32 to vector<16xi32>
        %and3A_432 = arith.andi %get3A_419, %and3A_431 : vector<16xi32>
        %add3A_433 = arith.addi %add3A_429, %and3A_432 : vector<16xi32>
        %swap3A_434 = arith.index_cast %scan3A_233 : i32 to index
        %swap3A_435 = arith.constant 128 : index
        %swap3A_436 = tpu.vector_load %arg9[%swap3A_434, %swap3A_435] {strides = array<i32>} : memref<20x256xi32, #tpu.memory_space<vmem>>, vector<16xi32>,
        tpu.vector_store %arg9[%swap3A_434, %swap3A_435], %add3A_433 {strides = array<i32>} : memref<20x256xi32, #tpu.memory_space<vmem>>, vector<16xi32>,
        %get3A_437 = arith.index_cast %scan3A_233 : i32 to index
        %get3A_438 = arith.constant 144 : index
        %get3A_439 = tpu.vector_load %arg6[%get3A_437, %get3A_438] {strides = array<i32>} : memref<20x256xi32, #tpu.memory_space<vmem>>, vector<16xi32>,
        %get3A_440 = arith.index_cast %scan3A_233 : i32 to index
        %get3A_441 = arith.constant 144 : index
        %get3A_442 = tpu.vector_load %arg7[%get3A_440, %get3A_441] {strides = array<i32>} : memref<20x256xi32, #tpu.memory_space<vmem>>, vector<16xi32>,
        %shift_right_arithmetic3A_443 = arith.constant 2 : i32
        %shift_right_arithmetic3A_444 = vector.broadcast %shift_right_arithmetic3A_443 : i32 to vector<16xi32>
        %shift_right_arithmetic3A_445 = arith.shrsi %get3A_442, %shift_right_arithmetic3A_444 : vector<16xi32>
        %mul3A_446 = arith.constant 40000 : i32
        %mul3A_447 = vector.broadcast %mul3A_446 : i32 to vector<16xi32>
        %mul3A_448 = arith.muli %shift_right_arithmetic3A_445, %mul3A_447 : vector<16xi32>
        %shift_left3A_449 = arith.constant 2 : i32
        %shift_left3A_450 = vector.broadcast %shift_left3A_449 : i32 to vector<16xi32>
        %shift_left3A_451 = arith.shli %get3A_439, %shift_left3A_450 : vector<16xi32>
        %add3A_452 = arith.addi %mul3A_448, %shift_left3A_451 : vector<16xi32>
        %and3A_453 = arith.constant 3 : i32
        %and3A_454 = vector.broadcast %and3A_453 : i32 to vector<16xi32>
        %and3A_455 = arith.andi %get3A_442, %and3A_454 : vector<16xi32>
        %add3A_456 = arith.addi %add3A_452, %and3A_455 : vector<16xi32>
        %swap3A_457 = arith.index_cast %scan3A_233 : i32 to index
        %swap3A_458 = arith.constant 144 : index
        %swap3A_459 = tpu.vector_load %arg9[%swap3A_457, %swap3A_458] {strides = array<i32>} : memref<20x256xi32, #tpu.memory_space<vmem>>, vector<16xi32>,
        tpu.vector_store %arg9[%swap3A_457, %swap3A_458], %add3A_456 {strides = array<i32>} : memref<20x256xi32, #tpu.memory_space<vmem>>, vector<16xi32>,
        %get3A_460 = arith.index_cast %scan3A_233 : i32 to index
        %get3A_461 = arith.constant 160 : index
        %get3A_462 = tpu.vector_load %arg6[%get3A_460, %get3A_461] {strides = array<i32>} : memref<20x256xi32, #tpu.memory_space<vmem>>, vector<16xi32>,
        %get3A_463 = arith.index_cast %scan3A_233 : i32 to index
        %get3A_464 = arith.constant 160 : index
        %get3A_465 = tpu.vector_load %arg7[%get3A_463, %get3A_464] {strides = array<i32>} : memref<20x256xi32, #tpu.memory_space<vmem>>, vector<16xi32>,
        %shift_right_arithmetic3A_466 = arith.constant 2 : i32
        %shift_right_arithmetic3A_467 = vector.broadcast %shift_right_arithmetic3A_466 : i32 to vector<16xi32>
        %shift_right_arithmetic3A_468 = arith.shrsi %get3A_465, %shift_right_arithmetic3A_467 : vector<16xi32>
        %mul3A_469 = arith.constant 40000 : i32
        %mul3A_470 = vector.broadcast %mul3A_469 : i32 to vector<16xi32>
        %mul3A_471 = arith.muli %shift_right_arithmetic3A_468, %mul3A_470 : vector<16xi32>
        %shift_left3A_472 = arith.constant 2 : i32
        %shift_left3A_473 = vector.broadcast %shift_left3A_472 : i32 to vector<16xi32>
        %shift_left3A_474 = arith.shli %get3A_462, %shift_left3A_473 : vector<16xi32>
        %add3A_475 = arith.addi %mul3A_471, %shift_left3A_474 : vector<16xi32>
        %and3A_476 = arith.constant 3 : i32
        %and3A_477 = vector.broadcast %and3A_476 : i32 to vector<16xi32>
        %and3A_478 = arith.andi %get3A_465, %and3A_477 : vector<16xi32>
        %add3A_479 = arith.addi %add3A_475, %and3A_478 : vector<16xi32>
        %swap3A_480 = arith.index_cast %scan3A_233 : i32 to index
        %swap3A_481 = arith.constant 160 : index
        %swap3A_482 = tpu.vector_load %arg9[%swap3A_480, %swap3A_481] {strides = array<i32>} : memref<20x256xi32, #tpu.memory_space<vmem>>, vector<16xi32>,
        tpu.vector_store %arg9[%swap3A_480, %swap3A_481], %add3A_479 {strides = array<i32>} : memref<20x256xi32, #tpu.memory_space<vmem>>, vector<16xi32>,
        %get3A_483 = arith.index_cast %scan3A_233 : i32 to index
        %get3A_484 = arith.constant 176 : index
        %get3A_485 = tpu.vector_load %arg6[%get3A_483, %get3A_484] {strides = array<i32>} : memref<20x256xi32, #tpu.memory_space<vmem>>, vector<16xi32>,
        %get3A_486 = arith.index_cast %scan3A_233 : i32 to index
        %get3A_487 = arith.constant 176 : index
        %get3A_488 = tpu.vector_load %arg7[%get3A_486, %get3A_487] {strides = array<i32>} : memref<20x256xi32, #tpu.memory_space<vmem>>, vector<16xi32>,
        %shift_right_arithmetic3A_489 = arith.constant 2 : i32
        %shift_right_arithmetic3A_490 = vector.broadcast %shift_right_arithmetic3A_489 : i32 to vector<16xi32>
        %shift_right_arithmetic3A_491 = arith.shrsi %get3A_488, %shift_right_arithmetic3A_490 : vector<16xi32>
        %mul3A_492 = arith.constant 40000 : i32
        %mul3A_493 = vector.broadcast %mul3A_492 : i32 to vector<16xi32>
        %mul3A_494 = arith.muli %shift_right_arithmetic3A_491, %mul3A_493 : vector<16xi32>
        %shift_left3A_495 = arith.constant 2 : i32
        %shift_left3A_496 = vector.broadcast %shift_left3A_495 : i32 to vector<16xi32>
        %shift_left3A_497 = arith.shli %get3A_485, %shift_left3A_496 : vector<16xi32>
        %add3A_498 = arith.addi %mul3A_494, %shift_left3A_497 : vector<16xi32>
        %and3A_499 = arith.constant 3 : i32
        %and3A_500 = vector.broadcast %and3A_499 : i32 to vector<16xi32>
        %and3A_501 = arith.andi %get3A_488, %and3A_500 : vector<16xi32>
        %add3A_502 = arith.addi %add3A_498, %and3A_501 : vector<16xi32>
        %swap3A_503 = arith.index_cast %scan3A_233 : i32 to index
        %swap3A_504 = arith.constant 176 : index
        %swap3A_505 = tpu.vector_load %arg9[%swap3A_503, %swap3A_504] {strides = array<i32>} : memref<20x256xi32, #tpu.memory_space<vmem>>, vector<16xi32>,
        tpu.vector_store %arg9[%swap3A_503, %swap3A_504], %add3A_502 {strides = array<i32>} : memref<20x256xi32, #tpu.memory_space<vmem>>, vector<16xi32>,
        %get3A_506 = arith.index_cast %scan3A_233 : i32 to index
        %get3A_507 = arith.constant 192 : index
        %get3A_508 = tpu.vector_load %arg6[%get3A_506, %get3A_507] {strides = array<i32>} : memref<20x256xi32, #tpu.memory_space<vmem>>, vector<16xi32>,
        %get3A_509 = arith.index_cast %scan3A_233 : i32 to index
        %get3A_510 = arith.constant 192 : index
        %get3A_511 = tpu.vector_load %arg7[%get3A_509, %get3A_510] {strides = array<i32>} : memref<20x256xi32, #tpu.memory_space<vmem>>, vector<16xi32>,
        %shift_right_arithmetic3A_512 = arith.constant 2 : i32
        %shift_right_arithmetic3A_513 = vector.broadcast %shift_right_arithmetic3A_512 : i32 to vector<16xi32>
        %shift_right_arithmetic3A_514 = arith.shrsi %get3A_511, %shift_right_arithmetic3A_513 : vector<16xi32>
        %mul3A_515 = arith.constant 40000 : i32
        %mul3A_516 = vector.broadcast %mul3A_515 : i32 to vector<16xi32>
        %mul3A_517 = arith.muli %shift_right_arithmetic3A_514, %mul3A_516 : vector<16xi32>
        %shift_left3A_518 = arith.constant 2 : i32
        %shift_left3A_519 = vector.broadcast %shift_left3A_518 : i32 to vector<16xi32>
        %shift_left3A_520 = arith.shli %get3A_508, %shift_left3A_519 : vector<16xi32>
        %add3A_521 = arith.addi %mul3A_517, %shift_left3A_520 : vector<16xi32>
        %and3A_522 = arith.constant 3 : i32
        %and3A_523 = vector.broadcast %and3A_522 : i32 to vector<16xi32>
        %and3A_524 = arith.andi %get3A_511, %and3A_523 : vector<16xi32>
        %add3A_525 = arith.addi %add3A_521, %and3A_524 : vector<16xi32>
        %swap3A_526 = arith.index_cast %scan3A_233 : i32 to index
        %swap3A_527 = arith.constant 192 : index
        %swap3A_528 = tpu.vector_load %arg9[%swap3A_526, %swap3A_527] {strides = array<i32>} : memref<20x256xi32, #tpu.memory_space<vmem>>, vector<16xi32>,
        tpu.vector_store %arg9[%swap3A_526, %swap3A_527], %add3A_525 {strides = array<i32>} : memref<20x256xi32, #tpu.memory_space<vmem>>, vector<16xi32>,
        %get3A_529 = arith.index_cast %scan3A_233 : i32 to index
        %get3A_530 = arith.constant 208 : index
        %get3A_531 = tpu.vector_load %arg6[%get3A_529, %get3A_530] {strides = array<i32>} : memref<20x256xi32, #tpu.memory_space<vmem>>, vector<16xi32>,
        %get3A_532 = arith.index_cast %scan3A_233 : i32 to index
        %get3A_533 = arith.constant 208 : index
        %get3A_534 = tpu.vector_load %arg7[%get3A_532, %get3A_533] {strides = array<i32>} : memref<20x256xi32, #tpu.memory_space<vmem>>, vector<16xi32>,
        %shift_right_arithmetic3A_535 = arith.constant 2 : i32
        %shift_right_arithmetic3A_536 = vector.broadcast %shift_right_arithmetic3A_535 : i32 to vector<16xi32>
        %shift_right_arithmetic3A_537 = arith.shrsi %get3A_534, %shift_right_arithmetic3A_536 : vector<16xi32>
        %mul3A_538 = arith.constant 40000 : i32
        %mul3A_539 = vector.broadcast %mul3A_538 : i32 to vector<16xi32>
        %mul3A_540 = arith.muli %shift_right_arithmetic3A_537, %mul3A_539 : vector<16xi32>
        %shift_left3A_541 = arith.constant 2 : i32
        %shift_left3A_542 = vector.broadcast %shift_left3A_541 : i32 to vector<16xi32>
        %shift_left3A_543 = arith.shli %get3A_531, %shift_left3A_542 : vector<16xi32>
        %add3A_544 = arith.addi %mul3A_540, %shift_left3A_543 : vector<16xi32>
        %and3A_545 = arith.constant 3 : i32
        %and3A_546 = vector.broadcast %and3A_545 : i32 to vector<16xi32>
        %and3A_547 = arith.andi %get3A_534, %and3A_546 : vector<16xi32>
        %add3A_548 = arith.addi %add3A_544, %and3A_547 : vector<16xi32>
        %swap3A_549 = arith.index_cast %scan3A_233 : i32 to index
        %swap3A_550 = arith.constant 208 : index
        %swap3A_551 = tpu.vector_load %arg9[%swap3A_549, %swap3A_550] {strides = array<i32>} : memref<20x256xi32, #tpu.memory_space<vmem>>, vector<16xi32>,
        tpu.vector_store %arg9[%swap3A_549, %swap3A_550], %add3A_548 {strides = array<i32>} : memref<20x256xi32, #tpu.memory_space<vmem>>, vector<16xi32>,
        %get3A_552 = arith.index_cast %scan3A_233 : i32 to index
        %get3A_553 = arith.constant 224 : index
        %get3A_554 = tpu.vector_load %arg6[%get3A_552, %get3A_553] {strides = array<i32>} : memref<20x256xi32, #tpu.memory_space<vmem>>, vector<16xi32>,
        %get3A_555 = arith.index_cast %scan3A_233 : i32 to index
        %get3A_556 = arith.constant 224 : index
        %get3A_557 = tpu.vector_load %arg7[%get3A_555, %get3A_556] {strides = array<i32>} : memref<20x256xi32, #tpu.memory_space<vmem>>, vector<16xi32>,
        %shift_right_arithmetic3A_558 = arith.constant 2 : i32
        %shift_right_arithmetic3A_559 = vector.broadcast %shift_right_arithmetic3A_558 : i32 to vector<16xi32>
        %shift_right_arithmetic3A_560 = arith.shrsi %get3A_557, %shift_right_arithmetic3A_559 : vector<16xi32>
        %mul3A_561 = arith.constant 40000 : i32
        %mul3A_562 = vector.broadcast %mul3A_561 : i32 to vector<16xi32>
        %mul3A_563 = arith.muli %shift_right_arithmetic3A_560, %mul3A_562 : vector<16xi32>
        %shift_left3A_564 = arith.constant 2 : i32
        %shift_left3A_565 = vector.broadcast %shift_left3A_564 : i32 to vector<16xi32>
        %shift_left3A_566 = arith.shli %get3A_554, %shift_left3A_565 : vector<16xi32>
        %add3A_567 = arith.addi %mul3A_563, %shift_left3A_566 : vector<16xi32>
        %and3A_568 = arith.constant 3 : i32
        %and3A_569 = vector.broadcast %and3A_568 : i32 to vector<16xi32>
        %and3A_570 = arith.andi %get3A_557, %and3A_569 : vector<16xi32>
        %add3A_571 = arith.addi %add3A_567, %and3A_570 : vector<16xi32>
        %swap3A_572 = arith.index_cast %scan3A_233 : i32 to index
        %swap3A_573 = arith.constant 224 : index
        %swap3A_574 = tpu.vector_load %arg9[%swap3A_572, %swap3A_573] {strides = array<i32>} : memref<20x256xi32, #tpu.memory_space<vmem>>, vector<16xi32>,
        tpu.vector_store %arg9[%swap3A_572, %swap3A_573], %add3A_571 {strides = array<i32>} : memref<20x256xi32, #tpu.memory_space<vmem>>, vector<16xi32>,
        %get3A_575 = arith.index_cast %scan3A_233 : i32 to index
        %get3A_576 = arith.constant 240 : index
        %get3A_577 = tpu.vector_load %arg6[%get3A_575, %get3A_576] {strides = array<i32>} : memref<20x256xi32, #tpu.memory_space<vmem>>, vector<16xi32>,
        %get3A_578 = arith.index_cast %scan3A_233 : i32 to index
        %get3A_579 = arith.constant 240 : index
        %get3A_580 = tpu.vector_load %arg7[%get3A_578, %get3A_579] {strides = array<i32>} : memref<20x256xi32, #tpu.memory_space<vmem>>, vector<16xi32>,
        %shift_right_arithmetic3A_581 = arith.constant 2 : i32
        %shift_right_arithmetic3A_582 = vector.broadcast %shift_right_arithmetic3A_581 : i32 to vector<16xi32>
        %shift_right_arithmetic3A_583 = arith.shrsi %get3A_580, %shift_right_arithmetic3A_582 : vector<16xi32>
        %mul3A_584 = arith.constant 40000 : i32
        %mul3A_585 = vector.broadcast %mul3A_584 : i32 to vector<16xi32>
        %mul3A_586 = arith.muli %shift_right_arithmetic3A_583, %mul3A_585 : vector<16xi32>
        %shift_left3A_587 = arith.constant 2 : i32
        %shift_left3A_588 = vector.broadcast %shift_left3A_587 : i32 to vector<16xi32>
        %shift_left3A_589 = arith.shli %get3A_577, %shift_left3A_588 : vector<16xi32>
        %add3A_590 = arith.addi %mul3A_586, %shift_left3A_589 : vector<16xi32>
        %and3A_591 = arith.constant 3 : i32
        %and3A_592 = vector.broadcast %and3A_591 : i32 to vector<16xi32>
        %and3A_593 = arith.andi %get3A_580, %and3A_592 : vector<16xi32>
        %add3A_594 = arith.addi %add3A_590, %and3A_593 : vector<16xi32>
        %swap3A_595 = arith.index_cast %scan3A_233 : i32 to index
        %swap3A_596 = arith.constant 240 : index
        %swap3A_597 = tpu.vector_load %arg9[%swap3A_595, %swap3A_596] {strides = array<i32>} : memref<20x256xi32, #tpu.memory_space<vmem>>, vector<16xi32>,
        tpu.vector_store %arg9[%swap3A_595, %swap3A_596], %add3A_594 {strides = array<i32>} : memref<20x256xi32, #tpu.memory_space<vmem>>, vector<16xi32>,
      }
      %scan3A_214 = arith.constant 19 : i32
      %dma_start3A = arith.constant 0 : i32
      %dma_start3A_215 = arith.constant 0 : i32
      %dma_start3A_216 = tpu.memref_slice %arg9[%dma_start3A, %dma_start3A_215] : memref<20x256xi32, #tpu.memory_space<vmem>> -> memref<1x256xi32, #tpu.memory_space<vmem>>
      %dma_start3A_217 = tpu.memref_squeeze %dma_start3A_216 : memref<1x256xi32, #tpu.memory_space<vmem>> -> memref<256xi32, #tpu.memory_space<vmem>>
      %dma_start3A_218 = arith.constant 0 : i32
      %dma_start3A_219 = arith.constant 0 : i32
      %dma_start3A_220 = tpu.memref_slice %arg2[%dma_start3A_218, %dma_start3A_219] : memref<640000x32xf32, #tpu.memory_space<hbm>> -> memref<640000x32xf32, #tpu.memory_space<hbm>>
      tpu.enqueue_indirect_dma source(%dma_start3A_220 : memref<640000x32xf32, #tpu.memory_space<hbm>>) target(%arg10 : memref<256x32xf32, #tpu.memory_space<vmem>>) offsets(%dma_start3A_217 : memref<256xi32, #tpu.memory_space<vmem>>) semaphore(%arg14 : memref<!tpu.dma_semaphore, #tpu.memory_space<semaphore_mem>>)
      %scan3A_221 = arith.constant 0 : i32
      %scan3A_222 = arith.constant 0 : i32
      %scan3A_223 = arith.constant 9 : i32
      %scan3A_224 = arith.addi %scan3A_222, %scan3A_223 : i32
      %scan3A_225 = arith.constant 1 : i32
      scf.for %scan3A_233 = %scan3A_222 to %scan3A_224 step %scan3A_225  : i32 {
        %mul3A_234 = arith.constant 2 : i32
        %mul3A_235 = arith.muli %mul3A_234, %scan3A_233 : i32
        %add3A_236 = arith.constant 0 : i32
        %add3A_237 = arith.addi %mul3A_235, %add3A_236 : i32
        %add3A_238 = arith.constant 1 : i32
        %add3A_239 = arith.addi %add3A_237, %add3A_238 : i32
        %lt3A_240 = arith.constant 19 : i32
        %lt3A_241 = arith.cmpi slt, %add3A_239, %lt3A_240 : i32
        %convert_element_type3A_242 = arith.extui %lt3A_241 : i1 to i32
        %cond3A_243 = arith.constant 0 : i32
        %cond3A_244 = arith.cmpi ne, %convert_element_type3A_242, %cond3A_243 : i32
        scf.if %cond3A_244 {
          %dma_start3A_268 = arith.constant 0 : i32
          %dma_start3A_269 = tpu.memref_slice %arg9[%add3A_239, %dma_start3A_268] : memref<20x256xi32, #tpu.memory_space<vmem>> -> memref<1x256xi32, #tpu.memory_space<vmem>>
          %dma_start3A_270 = tpu.memref_squeeze %dma_start3A_269 : memref<1x256xi32, #tpu.memory_space<vmem>> -> memref<256xi32, #tpu.memory_space<vmem>>
          %dma_start3A_271 = arith.constant 0 : i32
          %dma_start3A_272 = arith.constant 0 : i32
          %dma_start3A_273 = tpu.memref_slice %arg2[%dma_start3A_271, %dma_start3A_272] : memref<640000x32xf32, #tpu.memory_space<hbm>> -> memref<640000x32xf32, #tpu.memory_space<hbm>>
          tpu.enqueue_indirect_dma source(%dma_start3A_273 : memref<640000x32xf32, #tpu.memory_space<hbm>>) target(%arg11 : memref<256x32xf32, #tpu.memory_space<vmem>>) offsets(%dma_start3A_270 : memref<256xi32, #tpu.memory_space<vmem>>) semaphore(%arg15 : memref<!tpu.dma_semaphore, #tpu.memory_space<semaphore_mem>>)
        } else {
        }
        %dma_wait3A_245 = arith.constant 0 : i32
        %dma_wait3A_246 = tpu.memref_slice %arg9[%add3A_237, %dma_wait3A_245] : memref<20x256xi32, #tpu.memory_space<vmem>> -> memref<1x256xi32, #tpu.memory_space<vmem>>
        %dma_wait3A_247 = tpu.memref_squeeze %dma_wait3A_246 : memref<1x256xi32, #tpu.memory_space<vmem>> -> memref<256xi32, #tpu.memory_space<vmem>>
        %dma_wait3A_248 = arith.constant 0 : i32
        %dma_wait3A_249 = arith.constant 0 : i32
        %dma_wait3A_250 = tpu.memref_slice %arg2[%dma_wait3A_248, %dma_wait3A_249] : memref<640000x32xf32, #tpu.memory_space<hbm>> -> memref<640000x32xf32, #tpu.memory_space<hbm>>
        tpu.wait_indirect_dma semaphore(%arg14 : memref<!tpu.dma_semaphore, #tpu.memory_space<semaphore_mem>>) src(%dma_wait3A_250 : memref<640000x32xf32, #tpu.memory_space<hbm>>) dst(%arg10 : memref<256x32xf32, #tpu.memory_space<vmem>>)
        "tpu.region"() ({
          %run_scoped3A_268 = tpu.sem_alloc : memref<!tpu.dma_semaphore, #tpu.memory_space<semaphore_mem>>
          %dma_start3A_269 = arith.constant 0 : i32
          %dma_start3A_270 = tpu.memref_slice %arg8[%add3A_237, %dma_start3A_269] : memref<20x256xi32, #tpu.memory_space<vmem>> -> memref<1x256xi32, #tpu.memory_space<vmem>>
          %dma_start3A_271 = tpu.memref_squeeze %dma_start3A_270 : memref<1x256xi32, #tpu.memory_space<vmem>> -> memref<256xi32, #tpu.memory_space<vmem>>
          %dma_start3A_272 = arith.constant 0 : i32
          %dma_start3A_273 = arith.constant 0 : i32
          %dma_start3A_274 = tpu.memref_slice %arg13[%dma_start3A_272, %dma_start3A_273] : memref<10240x32xf32, #tpu.memory_space<vmem_shared>> -> memref<10240x32xf32, #tpu.memory_space<vmem_shared>>
          tpu.enqueue_indirect_dma source(%arg10 : memref<256x32xf32, #tpu.memory_space<vmem>>) target(%dma_start3A_274 : memref<10240x32xf32, #tpu.memory_space<vmem_shared>>) offsets(%dma_start3A_271 : memref<256xi32, #tpu.memory_space<vmem>>) semaphore(%run_scoped3A_268 : memref<!tpu.dma_semaphore, #tpu.memory_space<semaphore_mem>>) {add = true}
          %dma_wait3A_275 = arith.constant 0 : i32
          %dma_wait3A_276 = tpu.memref_slice %arg8[%add3A_237, %dma_wait3A_275] : memref<20x256xi32, #tpu.memory_space<vmem>> -> memref<1x256xi32, #tpu.memory_space<vmem>>
          %dma_wait3A_277 = tpu.memref_squeeze %dma_wait3A_276 : memref<1x256xi32, #tpu.memory_space<vmem>> -> memref<256xi32, #tpu.memory_space<vmem>>
          %dma_wait3A_278 = arith.constant 0 : i32
          %dma_wait3A_279 = arith.constant 0 : i32
          %dma_wait3A_280 = tpu.memref_slice %arg13[%dma_wait3A_278, %dma_wait3A_279] : memref<10240x32xf32, #tpu.memory_space<vmem_shared>> -> memref<10240x32xf32, #tpu.memory_space<vmem_shared>>
          tpu.wait_indirect_dma semaphore(%run_scoped3A_268 : memref<!tpu.dma_semaphore, #tpu.memory_space<semaphore_mem>>) src(%arg10 : memref<256x32xf32, #tpu.memory_space<vmem>>) dst(%dma_wait3A_280 : memref<10240x32xf32, #tpu.memory_space<vmem_shared>>)
          tpu.yield
        }) : () -> ()
        %mul3A_251 = arith.constant 2 : i32
        %mul3A_252 = arith.muli %mul3A_251, %scan3A_233 : i32
        %add3A_253 = arith.constant 1 : i32
        %add3A_254 = arith.addi %mul3A_252, %add3A_253 : i32
        %add3A_255 = arith.constant 1 : i32
        %add3A_256 = arith.addi %add3A_254, %add3A_255 : i32
        %lt3A_257 = arith.constant 19 : i32
        %lt3A_258 = arith.cmpi slt, %add3A_256, %lt3A_257 : i32
        %convert_element_type3A_259 = arith.extui %lt3A_258 : i1 to i32
        %cond3A_260 = arith.constant 0 : i32
        %cond3A_261 = arith.cmpi ne, %convert_element_type3A_259, %cond3A_260 : i32
        scf.if %cond3A_261 {
          %dma_start3A_268 = arith.constant 0 : i32
          %dma_start3A_269 = tpu.memref_slice %arg9[%add3A_256, %dma_start3A_268] : memref<20x256xi32, #tpu.memory_space<vmem>> -> memref<1x256xi32, #tpu.memory_space<vmem>>
          %dma_start3A_270 = tpu.memref_squeeze %dma_start3A_269 : memref<1x256xi32, #tpu.memory_space<vmem>> -> memref<256xi32, #tpu.memory_space<vmem>>
          %dma_start3A_271 = arith.constant 0 : i32
          %dma_start3A_272 = arith.constant 0 : i32
          %dma_start3A_273 = tpu.memref_slice %arg2[%dma_start3A_271, %dma_start3A_272] : memref<640000x32xf32, #tpu.memory_space<hbm>> -> memref<640000x32xf32, #tpu.memory_space<hbm>>
          tpu.enqueue_indirect_dma source(%dma_start3A_273 : memref<640000x32xf32, #tpu.memory_space<hbm>>) target(%arg10 : memref<256x32xf32, #tpu.memory_space<vmem>>) offsets(%dma_start3A_270 : memref<256xi32, #tpu.memory_space<vmem>>) semaphore(%arg14 : memref<!tpu.dma_semaphore, #tpu.memory_space<semaphore_mem>>)
        } else {
        }
        %dma_wait3A_262 = arith.constant 0 : i32
        %dma_wait3A_263 = tpu.memref_slice %arg9[%add3A_254, %dma_wait3A_262] : memref<20x256xi32, #tpu.memory_space<vmem>> -> memref<1x256xi32, #tpu.memory_space<vmem>>
        %dma_wait3A_264 = tpu.memref_squeeze %dma_wait3A_263 : memref<1x256xi32, #tpu.memory_space<vmem>> -> memref<256xi32, #tpu.memory_space<vmem>>
        %dma_wait3A_265 = arith.constant 0 : i32
        %dma_wait3A_266 = arith.constant 0 : i32
        %dma_wait3A_267 = tpu.memref_slice %arg2[%dma_wait3A_265, %dma_wait3A_266] : memref<640000x32xf32, #tpu.memory_space<hbm>> -> memref<640000x32xf32, #tpu.memory_space<hbm>>
        tpu.wait_indirect_dma semaphore(%arg15 : memref<!tpu.dma_semaphore, #tpu.memory_space<semaphore_mem>>) src(%dma_wait3A_267 : memref<640000x32xf32, #tpu.memory_space<hbm>>) dst(%arg11 : memref<256x32xf32, #tpu.memory_space<vmem>>)
        "tpu.region"() ({
          %run_scoped3A_268 = tpu.sem_alloc : memref<!tpu.dma_semaphore, #tpu.memory_space<semaphore_mem>>
          %dma_start3A_269 = arith.constant 0 : i32
          %dma_start3A_270 = tpu.memref_slice %arg8[%add3A_254, %dma_start3A_269] : memref<20x256xi32, #tpu.memory_space<vmem>> -> memref<1x256xi32, #tpu.memory_space<vmem>>
          %dma_start3A_271 = tpu.memref_squeeze %dma_start3A_270 : memref<1x256xi32, #tpu.memory_space<vmem>> -> memref<256xi32, #tpu.memory_space<vmem>>
          %dma_start3A_272 = arith.constant 0 : i32
          %dma_start3A_273 = arith.constant 0 : i32
          %dma_start3A_274 = tpu.memref_slice %arg13[%dma_start3A_272, %dma_start3A_273] : memref<10240x32xf32, #tpu.memory_space<vmem_shared>> -> memref<10240x32xf32, #tpu.memory_space<vmem_shared>>
          tpu.enqueue_indirect_dma source(%arg11 : memref<256x32xf32, #tpu.memory_space<vmem>>) target(%dma_start3A_274 : memref<10240x32xf32, #tpu.memory_space<vmem_shared>>) offsets(%dma_start3A_271 : memref<256xi32, #tpu.memory_space<vmem>>) semaphore(%run_scoped3A_268 : memref<!tpu.dma_semaphore, #tpu.memory_space<semaphore_mem>>) {add = true}
          %dma_wait3A_275 = arith.constant 0 : i32
          %dma_wait3A_276 = tpu.memref_slice %arg8[%add3A_254, %dma_wait3A_275] : memref<20x256xi32, #tpu.memory_space<vmem>> -> memref<1x256xi32, #tpu.memory_space<vmem>>
          %dma_wait3A_277 = tpu.memref_squeeze %dma_wait3A_276 : memref<1x256xi32, #tpu.memory_space<vmem>> -> memref<256xi32, #tpu.memory_space<vmem>>
          %dma_wait3A_278 = arith.constant 0 : i32
          %dma_wait3A_279 = arith.constant 0 : i32
          %dma_wait3A_280 = tpu.memref_slice %arg13[%dma_wait3A_278, %dma_wait3A_279] : memref<10240x32xf32, #tpu.memory_space<vmem_shared>> -> memref<10240x32xf32, #tpu.memory_space<vmem_shared>>
          tpu.wait_indirect_dma semaphore(%run_scoped3A_268 : memref<!tpu.dma_semaphore, #tpu.memory_space<semaphore_mem>>) src(%arg11 : memref<256x32xf32, #tpu.memory_space<vmem>>) dst(%dma_wait3A_280 : memref<10240x32xf32, #tpu.memory_space<vmem_shared>>)
          tpu.yield
        }) : () -> ()
      }
      %scan3A_226 = arith.constant 9 : i32
      %dma_wait3A = arith.constant 18 : i32
      %dma_wait3A_227 = arith.constant 0 : i32
      %dma_wait3A_228 = tpu.memref_slice %arg9[%dma_wait3A, %dma_wait3A_227] : memref<20x256xi32, #tpu.memory_space<vmem>> -> memref<1x256xi32, #tpu.memory_space<vmem>>
      %dma_wait3A_229 = tpu.memref_squeeze %dma_wait3A_228 : memref<1x256xi32, #tpu.memory_space<vmem>> -> memref<256xi32, #tpu.memory_space<vmem>>
      %dma_wait3A_230 = arith.constant 0 : i32
      %dma_wait3A_231 = arith.constant 0 : i32
      %dma_wait3A_232 = tpu.memref_slice %arg2[%dma_wait3A_230, %dma_wait3A_231] : memref<640000x32xf32, #tpu.memory_space<hbm>> -> memref<640000x32xf32, #tpu.memory_space<hbm>>
      tpu.wait_indirect_dma semaphore(%arg14 : memref<!tpu.dma_semaphore, #tpu.memory_space<semaphore_mem>>) src(%dma_wait3A_232 : memref<640000x32xf32, #tpu.memory_space<hbm>>) dst(%arg10 : memref<256x32xf32, #tpu.memory_space<vmem>>)
      %run_scoped3A = arith.constant 18 : i32
      "tpu.region"() ({
        %run_scoped3A_233 = tpu.sem_alloc : memref<!tpu.dma_semaphore, #tpu.memory_space<semaphore_mem>>
        %dma_start3A_234 = arith.constant 0 : i32
        %dma_start3A_235 = tpu.memref_slice %arg8[%run_scoped3A, %dma_start3A_234] : memref<20x256xi32, #tpu.memory_space<vmem>> -> memref<1x256xi32, #tpu.memory_space<vmem>>
        %dma_start3A_236 = tpu.memref_squeeze %dma_start3A_235 : memref<1x256xi32, #tpu.memory_space<vmem>> -> memref<256xi32, #tpu.memory_space<vmem>>
        %dma_start3A_237 = arith.constant 0 : i32
        %dma_start3A_238 = arith.constant 0 : i32
        %dma_start3A_239 = tpu.memref_slice %arg13[%dma_start3A_237, %dma_start3A_238] : memref<10240x32xf32, #tpu.memory_space<vmem_shared>> -> memref<10240x32xf32, #tpu.memory_space<vmem_shared>>
        tpu.enqueue_indirect_dma source(%arg10 : memref<256x32xf32, #tpu.memory_space<vmem>>) target(%dma_start3A_239 : memref<10240x32xf32, #tpu.memory_space<vmem_shared>>) offsets(%dma_start3A_236 : memref<256xi32, #tpu.memory_space<vmem>>) semaphore(%run_scoped3A_233 : memref<!tpu.dma_semaphore, #tpu.memory_space<semaphore_mem>>) {add = true}
        %dma_wait3A_240 = arith.constant 0 : i32
        %dma_wait3A_241 = tpu.memref_slice %arg8[%run_scoped3A, %dma_wait3A_240] : memref<20x256xi32, #tpu.memory_space<vmem>> -> memref<1x256xi32, #tpu.memory_space<vmem>>
        %dma_wait3A_242 = tpu.memref_squeeze %dma_wait3A_241 : memref<1x256xi32, #tpu.memory_space<vmem>> -> memref<256xi32, #tpu.memory_space<vmem>>
        %dma_wait3A_243 = arith.constant 0 : i32
        %dma_wait3A_244 = arith.constant 0 : i32
        %dma_wait3A_245 = tpu.memref_slice %arg13[%dma_wait3A_243, %dma_wait3A_244] : memref<10240x32xf32, #tpu.memory_space<vmem_shared>> -> memref<10240x32xf32, #tpu.memory_space<vmem_shared>>
        tpu.wait_indirect_dma semaphore(%run_scoped3A_233 : memref<!tpu.dma_semaphore, #tpu.memory_space<semaphore_mem>>) src(%arg10 : memref<256x32xf32, #tpu.memory_space<vmem>>) dst(%dma_wait3A_245 : memref<10240x32xf32, #tpu.memory_space<vmem_shared>>)
        tpu.yield
      }) : () -> ()
    }
    %barrier3A_198 = arith.constant 0 : index
    tpu.barrier barrier_id(%barrier3A_198)
    %mul3A_199 = arith.constant 640 : i32
    %mul3A_200 = arith.muli %arg1, %mul3A_199 : i32
    %mul3A_201 = arith.constant 640 : i32
    %mul3A_202 = arith.muli %arg1, %mul3A_201 : i32
    "tpu.region"() ({
      %run_scoped3A = tpu.sem_alloc : memref<!tpu.dma_semaphore, #tpu.memory_space<semaphore_mem>>
      %dma_start3A = arith.constant 0 : i32
      %dma_start3A_203 = tpu.memref_slice %arg5[%arg0, %mul3A_202, %dma_start3A] : memref<2x10240x32xf32, #tpu.memory_space<hbm>> -> memref<1x640x32xf32, #tpu.memory_space<hbm>>
      %dma_start3A_204 = tpu.memref_squeeze %dma_start3A_203 : memref<1x640x32xf32, #tpu.memory_space<hbm>> -> memref<640x32xf32, #tpu.memory_space<hbm>>
      %dma_start3A_205 = arith.constant 0 : i32
      %dma_start3A_206 = tpu.memref_slice %arg13[%mul3A_200, %dma_start3A_205] : memref<10240x32xf32, #tpu.memory_space<vmem_shared>> -> memref<640x32xf32, #tpu.memory_space<vmem_shared>>
      tpu.enqueue_dma source(%dma_start3A_206 : memref<640x32xf32, #tpu.memory_space<vmem_shared>>) target(%dma_start3A_204 : memref<640x32xf32, #tpu.memory_space<hbm>>) target_semaphore(%run_scoped3A : memref<!tpu.dma_semaphore, #tpu.memory_space<semaphore_mem>>)
      %dma_wait3A = arith.constant 0 : i32
      %dma_wait3A_207 = tpu.memref_slice %arg5[%arg0, %mul3A_202, %dma_wait3A] : memref<2x10240x32xf32, #tpu.memory_space<hbm>> -> memref<1x640x32xf32, #tpu.memory_space<hbm>>
      %dma_wait3A_208 = tpu.memref_squeeze %dma_wait3A_207 : memref<1x640x32xf32, #tpu.memory_space<hbm>> -> memref<640x32xf32, #tpu.memory_space<hbm>>
      %dma_wait3A_209 = arith.constant 0 : i32
      %dma_wait3A_210 = tpu.memref_slice %arg13[%mul3A_200, %dma_wait3A_209] : memref<10240x32xf32, #tpu.memory_space<vmem_shared>> -> memref<640x32xf32, #tpu.memory_space<vmem_shared>>
      tpu.wait_dma2 semaphore(%run_scoped3A : memref<!tpu.dma_semaphore, #tpu.memory_space<semaphore_mem>>) src(%dma_wait3A_210 : memref<640x32xf32, #tpu.memory_space<vmem_shared>>) dst(%dma_wait3A_208 : memref<640x32xf32, #tpu.memory_space<hbm>>)
      tpu.yield
    }) : () -> ()
    return
  }
}

module attributes {stable_mosaic.version = 14 : i64} {
  func.func @_mm_body(%arg0: i32, %arg1: memref<10000x32xf32, #tpu.memory_space<vmem>>, %arg2: memref<4x32x32xf32, #tpu.memory_space<vmem>>, %arg3: memref<1x10000x128xf32, #tpu.memory_space<vmem>>) attributes {dimension_semantics = [#tpu.dimension_semantics<arbitrary>], iteration_bounds = array<i64: 16>, scalar_prefetch = 0 : i64, scratch_operands = 0 : i64, tpu.core_type = #tpu.core_type<tc>, window_params = [{pipeline_mode = #tpu.pipeline_mode<synchronous>, transform_indices = @transform_0, window_bounds = array<i64: 10000, 32>}, {transform_indices = @transform_1, window_bounds = array<i64: 4, 32, 32>}, {transform_indices = @transform_2, window_bounds = array<i64: 1, 10000, 128>}]} {
    %get3A = arith.constant 0 : index
    %get3A_0 = arith.constant 0 : index
    %get3A_1 = arith.constant 0 : index
    %get3A_2 = vector.load %arg2[%get3A, %get3A_0, %get3A_1] : memref<4x32x32xf32, #tpu.memory_space<vmem>>, vector<4x32x32xf32>
    %transpose3A = tpu.transpose %get3A_2, [1, 0, 2] : vector<4x32x32xf32> -> vector<32x4x32xf32>
    %reshape3A = vector.shape_cast %transpose3A : vector<32x4x32xf32> to vector<32x128xf32>
    %get3A_3 = arith.constant 0 : index
    %get3A_4 = arith.constant 0 : index
    %get3A_5 = vector.load %arg1[%get3A_3, %get3A_4] : memref<10000x32xf32, #tpu.memory_space<vmem>>, vector<10000x32xf32>
    %dot_general3A = arith.constant dense<0.000000e+00> : vector<10000x128xf32>
    %dot_general3A_6 = tpu.matmul %get3A_5, %reshape3A, %dot_general3A {dimension_numbers = #tpu.dot_dimension_numbers<[1], [0], [0], [1], [0, 0, 1, 1], [], []>, transpose_lhs_hint = false} : vector<10000x32xf32>, vector<32x128xf32>, vector<10000x128xf32> -> vector<10000x128xf32>
    %broadcast_in_dim3A = vector.shape_cast %dot_general3A_6 : vector<10000x128xf32> to vector<1x10000x128xf32>
    %swap3A = arith.constant 0 : index
    %swap3A_7 = arith.constant 0 : index
    %swap3A_8 = arith.constant 0 : index
    %swap3A_9 = vector.load %arg3[%swap3A, %swap3A_7, %swap3A_8] : memref<1x10000x128xf32, #tpu.memory_space<vmem>>, vector<1x10000x128xf32>
    tpu.vector_store %arg3[%swap3A, %swap3A_7, %swap3A_8], %broadcast_in_dim3A {strides = array<i32>} : memref<1x10000x128xf32, #tpu.memory_space<vmem>>, vector<1x10000x128xf32>,
    return
  }
  func.func @transform_0(%arg0: i32) -> (i32, i32) {
    %c0_i32 = arith.constant 0 : i32
    %c0_i32_0 = arith.constant 0 : i32
    %c0_i32_1 = arith.constant 0 : i32
    return %c0_i32, %c0_i32_0 : i32, i32
  }
  func.func @transform_1(%arg0: i32) -> (i32, i32, i32) {
    %c0_i32 = arith.constant 0 : i32
    %c0_i32_0 = arith.constant 0 : i32
    %c0_i32_1 = arith.constant 0 : i32
    return %arg0, %c0_i32, %c0_i32_0 : i32, i32, i32
  }
  func.func @transform_2(%arg0: i32) -> (i32, i32, i32) {
    %c0_i32 = arith.constant 0 : i32
    %c0_i32_0 = arith.constant 0 : i32
    %c0_i32_1 = arith.constant 0 : i32
    return %arg0, %c0_i32, %c0_i32_0 : i32, i32, i32
  }
}

module attributes {stable_mosaic.version = 14 : i64} {
  func.func @_add_body(%arg0: memref<2x2560x128xf32, #tpu.memory_space<vmem>>, %arg1: memref<2500x128xf32, #tpu.memory_space<vmem>>) attributes {dimension_semantics = [], scalar_prefetch = 0 : i64, scratch_operands = 0 : i64, tpu.core_type = #tpu.core_type<tc>} {
    %get3A = arith.constant 0 : index
    %get3A_0 = arith.constant 0 : index
    %get3A_1 = arith.constant 0 : index
    %get3A_2 = vector.load %arg0[%get3A, %get3A_0, %get3A_1] : memref<2x2560x128xf32, #tpu.memory_space<vmem>>, vector<1x2500x128xf32>
    %get3A_3 = vector.shape_cast %get3A_2 : vector<1x2500x128xf32> to vector<2500x128xf32>
    %get3A_4 = arith.constant 1 : index
    %get3A_5 = arith.constant 0 : index
    %get3A_6 = arith.constant 0 : index
    %get3A_7 = vector.load %arg0[%get3A_4, %get3A_5, %get3A_6] : memref<2x2560x128xf32, #tpu.memory_space<vmem>>, vector<1x2500x128xf32>
    %get3A_8 = vector.shape_cast %get3A_7 : vector<1x2500x128xf32> to vector<2500x128xf32>
    %add3A = arith.addf %get3A_3, %get3A_8 : vector<2500x128xf32>
    %swap3A = arith.constant 0 : index
    %swap3A_9 = arith.constant 0 : index
    %swap3A_10 = vector.load %arg1[%swap3A, %swap3A_9] : memref<2500x128xf32, #tpu.memory_space<vmem>>, vector<2500x128xf32>
    tpu.vector_store %arg1[%swap3A, %swap3A_9], %add3A {strides = array<i32>} : memref<2500x128xf32, #tpu.memory_space<vmem>>, vector<2500x128xf32>,
    return
  }
}

</mosaic_0001>

<sc_bundles>
// kernel: kernel.5.cloned.1.call-start
scs
__scs_entry_jumppad:
0x0: {  	(pc) =	sbr.rel $0x88, $3  }
0x1: {  	(tag) =	ssettag $0x0;
	lr =	simm.s32 $0x1  }
0x2: {  	[smem:$0x3F9D] =	sst lr;
	_ =	strace $0xD0000000  }
0x3: {  	_ = 	snop  }
0x4: {  	_ = 	snop  }
0x5: {  	_ = 	snop  }
0x6: {  	_ = 	snop  }
0x7: {  	_ = 	snop  }
__scs_overlays_trampoline_lowered:
0x8: {  	[smem:$0x3FAC] =	sst s0  }
0x9: {  	[smem:$0x3FAD] =	sst s1  }
0xa: {  	[smem:$0x3FAE] =	sst s2  }
0xb: {  	[smem:$0x3FAF] =	sst s3  }
0xc: {  	[smem:$0x3FB0] =	sst s4  }
0xd: {  	[smem:$0x3FB1] =	sst s5  }
0xe: {  	[smem:$0x3FB2] =	sst s6  }
0xf: {  	[smem:$0x3FB3] =	sst s7  }
0x10: {  	[smem:$0x3FB4] =	sst s8  }
0x11: {  	[smem:$0x3FB5] =	sst s9;
	s0 =	simm.s32 @!p0 $0x0  }
0x12: {  	s1 =	sld [smem:$0x3F9B];
	s0 =	simm.s32 @p0 $0x1  }
0x13: {  	[smem:$0x3FB6] =	sst s0;
	s0 =	simm.s32 @!p1 $0x0  }
0x14: {  	s2 =	sld [smem:$0x3F9A];
	s0 =	simm.s32 @p1 $0x1  }
0x15: {  	[smem:$0x3FB7] =	sst s0;
	s0 =	simm.s32 @!p2 $0x0  }
0x16: {  	s3 =	sld [smem:$0x3FDB];
	s0 =	simm.s32 @p2 $0x1  }
0x17: {  	s4 =	simm.s32 $0x1BF5;
	[smem:$0x3FB9] =	sst s0  }
0x18: {  	s0 =	sld [smem:$0x3F9C];
	_ =	swait.ge [sflag:s4], $0x0  }
0x19: {  	s7 =	sld [smem:$0x3F9D]  }
0x1a: {  	s8 =	sadd.s32 $0xFFFFE003, lr  }
0x1b: {  	s9 =	sadd.s32 $0xFFFFFEF7, lr;
	s5 =	simm.s32 $0xFFFFFFFF;
	p2 =	slt.u32 s8, $0xFFFFF086  }
0x1c: {  	p1 =	slt.u32 s9, $0xF7A;
	s5 =	simm.s32 @!p2 $0x0  }
0x1d: {  	s5 =	simm.s32 @p1 $0x1;
	p0 =	seq.s32 s7, s2  }
0x1e: {  	s7 =	smul.u32 @!p0 $0xF7A, s2;
	p2 =	seq.s32 @!p0 s5, $0x0  }
0x1f: {  	s9 =	smul.u32 $0xF7A, s1;
	s8 =	simm.s32 @!p0 $0x1BF5;
	p2 =	por !p2, p0  }
0x20: {  	[sflag:s8] =	ssyncset.s32 @!p0 $0xFFFFF086;
	s6 =	sadd.s32 @!p0 s3, s7;
	s7 =	simm.s32 @!p0 $0x108  }
0x21: {  	s3 =	sadd.s32 s3, s9;
	s6 =	sadd.s32 @!p0 $0x88, s6;
	s7 =	simm.s32 @p2 $0x1082  }
0x22: {  	[simem:s7], [sflag:s8] =	dma.local @!p0 [hbm:s6], $0xF7A  }
0x23: {  	s9 =	sor.u32 $0xD0000000, s2;
	s6 =	simm.s32 $0x108;
	_ =	swait.ge @!p0 [sflag:s8], $0x0  }
0x24: {  	s3 =	sadd.s32 $0x88, s3;
	s6 =	simm.s32 @!p1 $0x1082;
	[sflag:s4] =	ssyncset.s32 $0xFFFFF086  }
0x25: {  	[simem:s6], [sflag:s4] =	dma.local [hbm:s3], $0xF7A  }
0x26: {  	[smem:$0x3F9D] =	sst s1;
	(tag) =	ssettag s2;
	_ =	strace s9  }
0x27: {  	s1 =	sld [smem:$0x3FAD]  }
0x28: {  	s2 =	sld [smem:$0x3FAE]  }
0x29: {  	s4 =	sld [smem:$0x3FB0]  }
0x2a: {  	p0 =	seq.s32 s5, $0x0;
	s5 =	sld [smem:$0x3FB1]  }
0x2b: {  	s6 =	sld [smem:$0x3FB2]  }
0x2c: {  	s7 =	sld [smem:$0x3FB3]  }
0x2d: {  	s3 =	simm.s32 $0x108;
	s8 =	sld [smem:$0x3FB4]  }
0x2e: {  	s3 =	simm.s32 @!p0 $0x1082;
	s9 =	sld [smem:$0x3FB5]  }
0x2f: {  	lr =	sadd.s32 s0, s3;
	s0 =	sld [smem:$0x3FAC]  }
0x30: {  	s3 =	sld [smem:$0x3FAF]  }
0x31: {  	[smem:$0x3FB8] =	sst s10  }
0x32: {  	s10 =	sld [smem:$0x3FB6];
	_ =	sdelay $0x3  }
0x33: {  	p0 =	seq.s32 s10, $0x1;
	s10 =	sld [smem:$0x3FB8];
	_ =	sdelay $0x3  }
0x34: {  	[smem:$0x3FB8] =	sst s10  }
0x35: {  	s10 =	sld [smem:$0x3FB7];
	_ =	sdelay $0x3  }
0x36: {  	p1 =	seq.s32 s10, $0x1;
	s10 =	sld [smem:$0x3FB8];
	_ =	sdelay $0x3  }
0x37: {  	[smem:$0x3FB8] =	sst s10  }
0x38: {  	s10 =	sld [smem:$0x3FB9]  }
0x39: {  	_ = 	snop;
	(pc) =	sbr.ind lr, $3  }
0x3a: {  	_ = 	snop  }
0x3b: {  	_ = 	snop  }
0x3c: {  	p2 =	seq.s32 s10, $0x1;
	s10 =	sld [smem:$0x3FB8]  }
0x3d: {  	_ =	shalt  }
0x3e: {  	_ =	shalt  }
0x3f: {  	_ =	shalt  }
0x40: {  	_ =	shalt  }
0x41: {  	_ =	shalt  }
0x42: {  	_ =	shalt  }
0x43: {  	_ =	shalt  }
0x44: {  	_ =	shalt  }
0x45: {  	_ =	shalt  }
0x46: {  	_ =	shalt  }
0x47: {  	_ =	shalt  }
0x48: {  	_ =	shalt  }
0x49: {  	_ =	shalt  }
0x4a: {  	_ =	shalt  }
0x4b: {  	_ =	shalt  }
0x4c: {  	_ =	shalt  }
0x4d: {  	_ =	shalt  }
0x4e: {  	_ =	shalt  }
0x4f: {  	_ =	shalt  }
0x50: {  	_ =	shalt  }
0x51: {  	_ =	shalt  }
0x52: {  	_ =	shalt  }
0x53: {  	_ =	shalt  }
0x54: {  	_ =	shalt  }
0x55: {  	_ =	shalt  }
0x56: {  	_ =	shalt  }
0x57: {  	_ =	shalt  }
0x58: {  	_ =	shalt  }
0x59: {  	_ =	shalt  }
0x5a: {  	_ =	shalt  }
0x5b: {  	_ =	shalt  }
0x5c: {  	_ =	shalt  }
0x5d: {  	_ =	shalt  }
0x5e: {  	_ =	shalt  }
0x5f: {  	_ =	shalt  }
0x60: {  	_ =	shalt  }
0x61: {  	_ =	shalt  }
0x62: {  	_ =	shalt  }
0x63: {  	_ =	shalt  }
0x64: {  	_ =	shalt  }
0x65: {  	_ =	shalt  }
0x66: {  	_ =	shalt  }
0x67: {  	_ =	shalt  }
0x68: {  	_ =	shalt  }
0x69: {  	_ =	shalt  }
0x6a: {  	_ =	shalt  }
0x6b: {  	_ =	shalt  }
0x6c: {  	_ =	shalt  }
0x6d: {  	_ =	shalt  }
0x6e: {  	_ =	shalt  }
0x6f: {  	_ =	shalt  }
0x70: {  	_ =	shalt  }
0x71: {  	_ =	shalt  }
0x72: {  	_ =	shalt  }
0x73: {  	_ =	shalt  }
0x74: {  	_ =	shalt  }
0x75: {  	_ =	shalt  }
0x76: {  	_ =	shalt  }
0x77: {  	_ =	shalt  }
0x78: {  	_ =	shalt  }
0x79: {  	_ =	shalt  }
0x7a: {  	_ =	shalt  }
0x7b: {  	_ =	shalt  }
0x7c: {  	_ =	shalt  }
0x7d: {  	_ =	shalt  }
0x7e: {  	_ =	shalt  }
0x7f: {  	_ =	shalt  }
0x80: {  	_ =	shalt  }
0x81: {  	_ =	shalt  }
0x82: {  	_ =	shalt  }
0x83: {  	_ =	shalt  }
0x84: {  	_ =	shalt  }
0x85: {  	_ =	shalt  }
0x86: {  	_ =	shalt  }
0x87: {  	_ =	shalt  }
.Lfunc_end0:
.L_simem_size_0:
called_computation_lowered:
.L_overlay_start_0:
0x88: {  	s2 =	sld [smem:$0x3FD9]  }
0x89: {  	s3 =	sld [smem:$0x3FFE];
	_ =	sdelay $0x1  }
0x8a: {  	s1 =	srdreg.scid  }
0x8b: {  	s0 =	sand.u32 $0x1, s1  }
0x8c: {  	s17 =	sshll.u32 s0, $0xA;
	s2 =	sadd.s32 s3, s2  }
0x8d: {  	s2 =	sadd.s32 s2, s17  }
0x8e: {  	[smem:$0x3FC4] =	sst s2  }
0x8f: {  	_ = 	snop  }
0x90: {  	s2 =	sld [smem:$0x3FC6]  }
0x91: {  	s18 =	sld [smem:$0x3FD0];
	(tm) =	ssettm $0x1  }
0x92: {  	s4 =	sld [smem:$0x3FFB];
	_ =	sdelay $0x3  }
0x93: {  	_ =	strace s4  }
0x94: {  	s4 =	sld [smem:$0x3FFC];
	_ =	sdelay $0x3  }
0x95: {  	_ =	strace s4  }
0x96: {  	s4 =	sld [smem:$0x3FFD];
	_ =	sdelay $0x3  }
0x97: {  	_ =	strace s4  }
0x98: {  	_ =	strace $0x8FFFFFFF  }
0x99: {  	s19 =	sld [smem:$0x3FDB];
	_ =	sdelay $0x1  }
0x9a: {  	s5 =	simm.s32 $_scs_section_size  }
0x9b: {  	s6 =	simm.s32 $_size__tile_overlayer_lowered;
	s7 =	simm.s32 $_tile_overlayer_lowered  }
0x9c: {  	s22 =	simm.s32 $0x1BFF;
	s21 =	sshll.u32 s7, $0x1;
	s4 =	sadd.s32 s5, s19  }
0x9d: {  	s8 =	simm.s32 $0x0;
	s20 =	sshll.u32 s6, $0x1;
	s6 =	sadd.s32 s21, s4  }
0x9e: {  	[timem:s8], [sflag:s22] =	dma.local [hbm:s6], s20  }
0x9f: {  	_ =	swait.ge [sflag:s22], s20  }
0xa0: {  	s5 =	ssub.s32 $0x0, s20;
	[sflag:s22] =	ssyncset.done $0x0  }
0xa1: {  	[sflag:s22] =	ssyncadd.s32 s5;
	_ =	sdelay $0x1  }
0xa2: {  	s23 =	simm.s32 $0x1B8B  }
0xa3: {  	_ =	swait.ge [sflag:s23], $0x1  }
0xa4: {  	[sflag:s23] =	ssyncset.done $0x0  }
0xa5: {  	s25 =	simm.s32 $0x1B8E;
	s24 =	sld [smem:$0x3FFE];
	[sflag:s23] =	ssyncadd.s32 $0xFFFFFFFF  }
0xa6: {  	s26 =	simm.s32 $execute0_lowered;
	[smem:$0x3FD2] =	sst s25  }
0xa7: {  	s6 =	sshll.u32 s26, $0x1;
	_ =	strace $0x80000046;
	[dreg:$0x1] =	wrdreg $0xFFFFFFFF  }
0xa8: {  	s28 =	simm.s32 $_size_execute0_lowered;
	s4 =	sadd.s32 s4, s6;
	[dreg:$0x0] =	wrdreg $0x0  }
0xa9: {  	s6 =	sshll.u32 s28, $0x1;
	[dreg:$0x2] =	wrdreg s4  }
0xaa: {  	[dreg:$0x3] =	wrdreg s6  }
0xab: {  	[dreg:$0x4] =	wrdreg $0xC0  }
0xac: {  	_ =	task [dreg:s8], $0x5FFFF  }
0xad: {  	[dreg:$0x1] =	wrdreg $0xFFFFFFFF  }
0xae: {  	[dreg:$0x0] =	wrdreg $0x60  }
0xaf: {  	[dreg:$0x2] =	wrdreg s24  }
0xb0: {  	[dreg:$0x3] =	wrdreg s18  }
0xb1: {  	[dreg:$0x4] =	wrdreg s2  }
0xb2: {  	[dreg:$0x5] =	wrdreg $0x92000  }
0xb3: {  	[dreg:$0x6] =	wrdreg $0x9  }
0xb4: {  	_ =	task.clear_ibuf [dreg:s8], $0x7FFFF;
	_ =	strace $0x90000046  }
0xb5: {  	s29 =	simm.s32 $0x9;
	_ =	strace $0x80000048  }
0xb6: {  	_ =	swait.ge [sflag:s29], $0x1  }
0xb7: {  	[sflag:s29] =	ssyncadd.s32 $0xFFFFFFFF  }
0xb8: {  	_ =	strace $0x90000048  }
0xb9: {  	_ =	sfence  }
0xba: {  	s30 =	sld [smem:$0x0];
	_ =	sdelay $0x2  }
0xbb: {  	s31 =	sshll.u32 s1, $0xD;
	s1 =	sshrl.u32 s1, $0x2  }
0xbc: {  	s3 =	sand.u32 $0x4000, s31;
	s1 =	sadd.s32 s1, s30  }
0xbd: {  	s0 =	sor.u32 s3, s0;
	s1 =	sshll.u32 s1, $0x11  }
0xbe: {  	s0 =	sor.u32 s1, s0  }
0xbf: {  	s0 =	sadd.s32 $0x8F2B, s0  }
0xc0: {  	[sflag:s0] =	ssyncadd.remote.s32 $0x1  }
0xc1: {  	_ =	sfence.sel $0xFFFF  }
0xc2: {  	[dreg:$0x0] =	wrdreg $0xFFFFFFFF;
	(pc) =	sbr.abs _section_cstart, $3  }
0xc3: {  	[dreg:$0x1] =	wrdreg $0xFFFFFFFF  }
0xc4: {  	_ =	task.clear_ibuf [dreg:s8], $0x2FFFF;
	_ =	strace $0x9FFFFFFF  }
0xc5: {  	(tm) =	ssettm $0x7FFFFFFF  }
tec
execute0_lowered:
.L_overlay_start_1:
0x0: {  	(tag) =	ssettag $0x1  }
0x1: {  	s0 =	rddreg [dreg:$0x0]  }
0x2: {  	s6 =	rddreg [dreg:$0x1]  }
0x3: {  	s7 =	rddreg [dreg:$0x2]  }
0x4: {  	s1 =	rddreg [dreg:$0x3];
	s2 =	srdreg.scid;
	s3 =	simm.s32 $0x0  }
0x5: {  	s16 =	simm.s32 $0x2800;
	s18 =	simm.s32 $0x100;
	s20 =	simm.s32 $0x5000  }
0x6: {  	s19 =	simm.s32 $0x3500;
	s28 =	simm.s32 $0x4C00;
	s29 =	simm.s32 $0x4D00  }
0x7: {  	s30 =	simm.s32 $0x4E00;
	s4 =	sand.u32 $0x1, s2;
	s2 =	stileid.u32  }
0x8: {  	s31 =	simm.s32 $0x3900;
	[smem:$0x7FF] =	sst s3;
	s5 =	smul.u32 $0x50000, s4  }
0x9: {  	s8 =	smul.u32 $0x5000, s2;
	_ =	strace $0x80000047;
	s9 =	sshll.u32 s4, $0x4  }
0xa: {  	s10 =	smul.u32 $0x14000, s2;
	s11 =	ssub.s32 $0x2, s4;
	s9 =	sor.u32 s2, s9  }
0xb: {  	s4 =	sadd.s32 $0xA00, s0;
	s21 =	sshrl.u32 s11, $0x1;
	s12 =	smul.u32 $0x1300, s9  }
0xc: {  	s5 =	sadd.s32 s8, s5;
	s10 =	sshrl.u32 s10, $0x2;
	s13 =	smul.u32 $0x1400, s9  }
0xd: {  	s14 =	ssub.s32 s11, s21;
	s24 =	smul.u32 $0x280, s9;
	s26 =	sadd.s32 s8, s1  }
0xe: {  	p0 =	sgt.u32 s9, $0x10;
	s21 =	simm.s32 $0x4B00;
	s5 =	sshrl.u32 s5, $0x3  }
0xf: {  	s8 =	simm.s32 $0x3A00;
	s0 =	sadd.s32 s5, s0;
	s12 =	sshrl.u32 s12, $0x3  }
0x10: {  	s5 =	sadd.s32 s10, s1;
	s13 =	sshrl.u32 s13, $0x3;
	s22 =	sadd.s32 $0x220, s12  }
0x11: {  	s23 =	sadd.s32 s6, s12;
	s25 =	sadd.s32 s6, s13;
	s12 =	sadd.s32 $0x271A00, s0  }
0x12: {  	s13 =	smax.u32 s14, $0x1;
	s14 =	simm.s32 $0x9000;
	s15 =	sadd.s32 s6, s22  }
0x13: {  	s11 =	sadd.s32 $0x5040, s23;
	s10 =	sadd.s32 s7, s22;
	[dreg:$0x5] =	wrdreg s15  }
.Ltmp0:
0x14: {  	s6 =	sadd.s32 s6, s24;
	[dreg:$0x6] =	wrdreg s11;
	(pc) =	sbr.rel .LBB2_1-.Ltmp0, $4  }
0x15: {  	s22 =	simm.s32 $0x7000;
	s23 =	simm.s32 $0x1;
	[dreg:$0x7] =	wrdreg s10  }
0x16: {  	[dreg:$0x8] =	wrdreg s6;
	s10 =	sadd.s32 $0x4E20, s25;
	s11 =	sadd.s32 s7, s24  }
0x17: {  	s15 =	simm.s32 $0x3;
	s25 =	sshrl.u32 s26, $0x3;
	s26 =	simm.s32 $0x2  }
0x18: {  	v0 =	vimm.f32 $0.0e+00;
	s24 =	simm.s32 $0x3600;
	s6 =	simm.s32 $0x3700;
	s7 =	simm.s32 $0x3800  }
.LBB2_9:
0x19: {  	v22 =	vld [tilespmem:s9+$0x14F0];
	[tilespmem:s0+$0x3C70] =	vst v20;
	v1 =	vor.u32 v1, v21;
	v2 =	vadd.s32 v19, v2  }
0x1a: {  	v20 =	vld [tilespmem:s9+$0x1400];
	[tilespmem:s0+$0x3C80] =	vst v1;
	v1 =	vshll.u32 v14, $0x2;
	v2 =	vor.u32 v3, v2  }
0x1b: {  	v3 =	vld [tilespmem:s9+$0xF0];
	v1 =	vadd.s32 v1, v4;
	[tilespmem:s0+$0x3C90] =	vst v2;
	v2 =	vshll.u32 v15, $0x2  }
0x1c: {  	v1 =	vor.u32 v5, v1;
	v2 =	vadd.s32 v2, v7  }
0x1d: {  	v44 =	vld [tilespmem:s9+$0x1410];
	[tilespmem:s0+$0x3CA0] =	vst v1;
	v1 =	vshll.u32 v16, $0x2;
	v2 =	vor.u32 v8, v2  }
0x1e: {  	v45 =	vld [tilespmem:s9+$0x1420];
	v1 =	vadd.s32 v1, v9;
	[tilespmem:s0+$0x3CB0] =	vst v2;
	v2 =	vshll.u32 v17, $0x2  }
0x1f: {  	v1 =	vor.u32 v10, v1;
	v2 =	vadd.s32 v2, v11  }
0x20: {  	v47 =	vshll.u32 v18, $0x2;
	v46 =	vld [tilespmem:s9+$0x1430];
	[tilespmem:s0+$0x3CC0] =	vst v1;
	v1 =	vor.u32 v13, v2  }
0x21: {  	v8 =	vadd.s32 v47, v12;
	v2 =	vld [tilespmem:s9+$0x1440];
	[tilespmem:s0+$0x3CD0] =	vst v1  }
0x22: {  	v6 =	vor.u32 v6, v8;
	v48 =	vld [tilespmem:s9+$0x1450]  }
0x23: {  	v49 =	vld [tilespmem:s9+$0x1460];
	[tilespmem:s0+$0x3CE0] =	vst v6  }
0x24: {  	v6 =	vld [tilespmem:s9+$0x1470]  }
0x25: {  	v50 =	vld [tilespmem:s9+$0x14A0]  }
0x26: {  	v51 =	vld [tilespmem:s9+$0x14B0]  }
0x27: {  	v52 =	vld [tilespmem:s9+$0x14C0]  }
0x28: {  	v53 =	vshrl.u32 v20, $0x2;
	v54 =	vand.u32 $0x3, v20;
	v55 =	vld [tilespmem:s9+$0x14D0]  }
0x29: {  	v3 =	vshll.u32 v3, $0x2;
	v13 =	vmul.u32 $0x9C40, v53;
	v1 =	vshrl.u32 v22, $0x2;
	v18 =	vld [tilespmem:s9+$0x14E0]  }
0x2a: {  	v56 =	vshrl.u32 v44, $0x2;
	v4 =	vand.u32 $0x3, v44;
	v1 =	vmul.u32 $0x9C40, v1;
	v58 =	vld [tilespmem:s9+$0x0]  }
0x2b: {  	v16 =	vmul.u32 $0x9C40, v56;
	v57 =	vshrl.u32 v45, $0x2;
	v5 =	vand.u32 $0x3, v45;
	v61 =	vld [tilespmem:s9+$0x10]  }
0x2c: {  	v23 =	vld [tilespmem:s9+$0x20];
	v1 =	vadd.s32 v3, v1;
	v3 =	vand.u32 $0x3, v22;
	v17 =	vmul.u32 $0x9C40, v57  }
0x2d: {  	v26 =	vld [tilespmem:s9+$0x30];
	v59 =	vshrl.u32 v46, $0x2;
	v7 =	vand.u32 $0x3, v46;
	v1 =	vor.u32 v3, v1  }
0x2e: {  	v27 =	vld [tilespmem:s9+$0x40];
	v20 =	vmul.u32 $0x9C40, v59;
	v60 =	vshrl.u32 v2, $0x2;
	v2 =	vand.u32 $0x3, v2  }
0x2f: {  	v29 =	vld [tilespmem:s9+$0x50];
	v21 =	vmul.u32 $0x9C40, v60;
	v24 =	vshrl.u32 v48, $0x2;
	v25 =	vshrl.u32 v49, $0x2  }
0x30: {  	v62 =	vld [tilespmem:s9+$0x60];
	v9 =	vand.u32 $0x3, v48;
	v8 =	vand.u32 $0x3, v49;
	v24 =	vmul.u32 $0x9C40, v24  }
0x31: {  	v63 =	vld [tilespmem:s9+$0x70];
	v25 =	vmul.u32 $0x9C40, v25;
	v28 =	vshrl.u32 v6, $0x2;
	v19 =	vshll.u32 v58, $0x2  }
0x32: {  	v47 =	vld [tilespmem:s9+$0xB0];
	v6 =	vand.u32 $0x3, v6;
	v22 =	vshll.u32 v61, $0x2;
	v32 =	vshll.u32 v23, $0x2  }
0x33: {  	v35 =	vshrl.u32 v50, $0x2;
	v36 =	vshll.u32 v26, $0x2;
	v39 =	vshrl.u32 v51, $0x2  }
0x34: {  	v40 =	vand.u32 $0x3, v50;
	v41 =	vshll.u32 v27, $0x2;
	v44 =	vshrl.u32 v52, $0x2  }
0x35: {  	v3 =	vld [tilespmem:s9+$0x1480];
	v45 =	vand.u32 $0x3, v51;
	v46 =	vshll.u32 v29, $0x2;
	v49 =	vshrl.u32 v55, $0x2  }
0x36: {  	v50 =	vshll.u32 v62, $0x2;
	v53 =	vshrl.u32 v18, $0x2;
	v14 =	vshll.u32 v63, $0x2  }
0x37: {  	v33 =	vld [tilespmem:s9+$0x80];
	v60 =	vshll.u32 v47, $0x2;
	v28 =	vmul.u32 $0x9C40, v28;
	v13 =	vadd.s32 v19, v13  }
0x38: {  	[tilespmem:s9+$0x3CF0] =	vst v1;
	v1 =	vld [tilespmem:s9+$0x1490];
	v16 =	vadd.s32 v22, v16;
	v38 =	vmul.u32 $0x9C40, v35;
	v43 =	vmul.u32 $0x9C40, v39  }
0x39: {  	v10 =	vadd.s32 v41, v21;
	v48 =	vmul.u32 $0x9C40, v44;
	v56 =	vmul.u32 $0x9C40, v53  }
0x3a: {  	v30 =	vshrl.u32 v3, $0x2;
	v13 =	vor.u32 v54, v13;
	v3 =	vand.u32 $0x3, v3  }
0x3b: {  	v4 =	vor.u32 v4, v16;
	v2 =	vor.u32 v2, v10;
	v11 =	vadd.s32 v46, v24;
	[tilespmem:s9+$0x3C00] =	vst v13  }
0x3c: {  	v37 =	vld [tilespmem:s9+$0x90];
	v12 =	vadd.s32 v50, v25;
	v54 =	vand.u32 $0x3, v55;
	v16 =	vshll.u32 v33, $0x2;
	[tilespmem:s9+$0x3C10] =	vst v4  }
0x3d: {  	v42 =	vld [tilespmem:s9+$0xA0];
	v30 =	vmul.u32 $0x9C40, v30;
	v31 =	vshrl.u32 v1, $0x2;
	[tilespmem:s9+$0x3C40] =	vst v2;
	v9 =	vor.u32 v9, v11  }
0x3e: {  	v13 =	vadd.s32 v32, v17;
	v1 =	vand.u32 $0x3, v1;
	v8 =	vor.u32 v8, v12;
	[tilespmem:s9+$0x3C50] =	vst v9  }
0x3f: {  	v51 =	vld [tilespmem:s9+$0xC0];
	v4 =	vadd.s32 v36, v20;
	v2 =	vand.u32 $0x3, v52;
	v5 =	vor.u32 v5, v13;
	[tilespmem:s9+$0x3C60] =	vst v8  }
0x40: {  	v55 =	vld [tilespmem:s9+$0xD0];
	v14 =	vadd.s32 v14, v28;
	v34 =	vmul.u32 $0x9C40, v31;
	v4 =	vor.u32 v7, v4;
	[tilespmem:s9+$0x3C20] =	vst v5  }
0x41: {  	v58 =	vld [tilespmem:s9+$0xE0];
	v6 =	vor.u32 v6, v14;
	v13 =	vshll.u32 v37, $0x2;
	[tilespmem:s9+$0x3C30] =	vst v4;
	v57 =	vadd.s32 v16, v30  }
0x42: {  	v7 =	vshll.u32 v42, $0x2;
	[tilespmem:s9+$0x3C70] =	vst v6;
	v3 =	vor.u32 v3, v57;
	v59 =	vadd.s32 v13, v34  }
0x43: {  	v52 =	vmul.u32 $0x9C40, v49;
	[tilespmem:s9+$0x3C80] =	vst v3;
	v1 =	vor.u32 v1, v59;
	v3 =	vadd.s32 v7, v38  }
0x44: {  	v61 =	vshll.u32 v51, $0x2;
	[tilespmem:s9+$0x3C90] =	vst v1;
	v1 =	vor.u32 v40, v3;
	v3 =	vadd.s32 v60, v43  }
0x45: {  	v62 =	vshll.u32 v55, $0x2;
	[tilespmem:s9+$0x3CA0] =	vst v1;
	v1 =	vor.u32 v45, v3;
	v3 =	vadd.s32 v61, v48  }
0x46: {  	[tilespmem:s9+$0x3CB0] =	vst v1;
	v1 =	vor.u32 v2, v3;
	v2 =	vadd.s32 v62, v52;
	v3 =	vshll.u32 v58, $0x2  }
0x47: {  	v63 =	vand.u32 $0x3, v18;
	[tilespmem:s9+$0x3CC0] =	vst v1;
	v1 =	vor.u32 v54, v2;
	v2 =	vadd.s32 v3, v56  }
0x48: {  	[tilespmem:s9+$0x3CD0] =	vst v1;
	v1 =	vor.u32 v63, v2  }
0x49: {  	s17 =	simm.s32 $0x3C00;
	[tilespmem:s9+$0x3CE0] =	vst v1  }
0x4a: {  	[tilespmem:s20], [sflag:$0x1] =	stream.indirect.gather [hbm4b:s4+s18], $0x20, s17, s18, $0xb8;
	[tilespmem:$0xE200] =	vst v63  }
0x4b: {  	s9 =	simm.s32 $0x3D00  }
0x4c: {  	[tilespmem:s22], [sflag:$0x2] =	stream.indirect.gather [hbm4b:s4+s18], $0x20, s9, s18, $0xb8;
	[tilespmem:$0xE200] =	vst v63  }
0x4d: {  	_ =	swait.ge [sflag:s23], $0x2000  }
0x4e: {  	[sflag:s23] =	ssyncset.done $0x0  }
0x4f: {  	[sflag:s23] =	ssyncadd.s32 $0xFFFFE000  }
0x50: {  	[spmem:s1] =	stream.indirect.scatter.add.f32 [tilespmem:s20], [sflag:$0x3], $0x20, s16, s18, $0xb8;
	[tilespmem:$0xE200] =	vst v63  }
0x51: {  	_ =	swait.ge [sflag:s15], $0x2000  }
0x52: {  	[sflag:s15] =	ssyncset.done $0x0  }
0x53: {  	s17 =	simm.s32 $0x3E00;
	[sflag:s15] =	ssyncadd.s32 $0xFFFFE000  }
0x54: {  	[tilespmem:s20], [sflag:$0x1] =	stream.indirect.gather [hbm4b:s4+s18], $0x20, s17, s18, $0xb8;
	[tilespmem:$0xE200] =	vst v63  }
0x55: {  	_ =	swait.ge [sflag:s26], $0x2000  }
0x56: {  	[sflag:s26] =	ssyncset.done $0x0  }
0x57: {  	s9 =	simm.s32 $0x2900;
	[sflag:s26] =	ssyncadd.s32 $0xFFFFE000  }
0x58: {  	[spmem:s1] =	stream.indirect.scatter.add.f32 [tilespmem:s22], [sflag:$0x3], $0x20, s9, s18, $0xb8;
	[tilespmem:$0xE200] =	vst v63  }
0x59: {  	_ =	swait.ge [sflag:s15], $0x2000  }
0x5a: {  	[sflag:s15] =	ssyncset.done $0x0  }
0x5b: {  	s17 =	simm.s32 $0x3F00;
	[sflag:s15] =	ssyncadd.s32 $0xFFFFE000  }
0x5c: {  	[tilespmem:s22], [sflag:$0x2] =	stream.indirect.gather [hbm4b:s4+s18], $0x20, s17, s18, $0xb8;
	[tilespmem:$0xE200] =	vst v63  }
0x5d: {  	_ =	swait.ge [sflag:s23], $0x2000  }
0x5e: {  	[sflag:s23] =	ssyncset.done $0x0  }
0x5f: {  	s9 =	simm.s32 $0x2A00;
	[sflag:s23] =	ssyncadd.s32 $0xFFFFE000  }
0x60: {  	[spmem:s1] =	stream.indirect.scatter.add.f32 [tilespmem:s20], [sflag:$0x3], $0x20, s9, s18, $0xb8;
	[tilespmem:$0xE200] =	vst v63  }
0x61: {  	_ =	swait.ge [sflag:s15], $0x2000  }
0x62: {  	[sflag:s15] =	ssyncset.done $0x0  }
0x63: {  	s17 =	simm.s32 $0x4000;
	[sflag:s15] =	ssyncadd.s32 $0xFFFFE000  }
0x64: {  	[tilespmem:s20], [sflag:$0x1] =	stream.indirect.gather [hbm4b:s4+s18], $0x20, s17, s18, $0xb8;
	[tilespmem:$0xE200] =	vst v63  }
0x65: {  	_ =	swait.ge [sflag:s26], $0x2000  }
0x66: {  	[sflag:s26] =	ssyncset.done $0x0  }
0x67: {  	s9 =	simm.s32 $0x2B00;
	[sflag:s26] =	ssyncadd.s32 $0xFFFFE000  }
0x68: {  	[spmem:s1] =	stream.indirect.scatter.add.f32 [tilespmem:s22], [sflag:$0x3], $0x20, s9, s18, $0xb8;
	[tilespmem:$0xE200] =	vst v63  }
0x69: {  	_ =	swait.ge [sflag:s15], $0x2000  }
0x6a: {  	[sflag:s15] =	ssyncset.done $0x0  }
0x6b: {  	s17 =	simm.s32 $0x4100;
	[sflag:s15] =	ssyncadd.s32 $0xFFFFE000  }
0x6c: {  	[tilespmem:s22], [sflag:$0x2] =	stream.indirect.gather [hbm4b:s4+s18], $0x20, s17, s18, $0xb8;
	[tilespmem:$0xE200] =	vst v63  }
0x6d: {  	_ =	swait.ge [sflag:s23], $0x2000  }
0x6e: {  	[sflag:s23] =	ssyncset.done $0x0  }
0x6f: {  	s9 =	simm.s32 $0x2C00;
	[sflag:s23] =	ssyncadd.s32 $0xFFFFE000  }
0x70: {  	[spmem:s1] =	stream.indirect.scatter.add.f32 [tilespmem:s20], [sflag:$0x3], $0x20, s9, s18, $0xb8;
	[tilespmem:$0xE200] =	vst v63  }
0x71: {  	_ =	swait.ge [sflag:s15], $0x2000  }
0x72: {  	[sflag:s15] =	ssyncset.done $0x0  }
0x73: {  	s17 =	simm.s32 $0x4200;
	[sflag:s15] =	ssyncadd.s32 $0xFFFFE000  }
0x74: {  	[tilespmem:s20], [sflag:$0x1] =	stream.indirect.gather [hbm4b:s4+s18], $0x20, s17, s18, $0xb8;
	[tilespmem:$0xE200] =	vst v63  }
0x75: {  	_ =	swait.ge [sflag:s26], $0x2000  }
0x76: {  	[sflag:s26] =	ssyncset.done $0x0  }
0x77: {  	s9 =	simm.s32 $0x2D00;
	[sflag:s26] =	ssyncadd.s32 $0xFFFFE000  }
0x78: {  	[spmem:s1] =	stream.indirect.scatter.add.f32 [tilespmem:s22], [sflag:$0x3], $0x20, s9, s18, $0xb8;
	[tilespmem:$0xE200] =	vst v63  }
0x79: {  	_ =	swait.ge [sflag:s15], $0x2000  }
0x7a: {  	[sflag:s15] =	ssyncset.done $0x0  }
0x7b: {  	s17 =	simm.s32 $0x4300;
	[sflag:s15] =	ssyncadd.s32 $0xFFFFE000  }
0x7c: {  	[tilespmem:s22], [sflag:$0x2] =	stream.indirect.gather [hbm4b:s4+s18], $0x20, s17, s18, $0xb8;
	[tilespmem:$0xE200] =	vst v63  }
0x7d: {  	_ =	swait.ge [sflag:s23], $0x2000  }
0x7e: {  	[sflag:s23] =	ssyncset.done $0x0  }
0x7f: {  	s9 =	simm.s32 $0x2E00;
	[sflag:s23] =	ssyncadd.s32 $0xFFFFE000  }
0x80: {  	[spmem:s1] =	stream.indirect.scatter.add.f32 [tilespmem:s20], [sflag:$0x3], $0x20, s9, s18, $0xb8;
	[tilespmem:$0xE200] =	vst v63  }
0x81: {  	_ =	swait.ge [sflag:s15], $0x2000  }
0x82: {  	[sflag:s15] =	ssyncset.done $0x0  }
0x83: {  	s17 =	simm.s32 $0x4400;
	[sflag:s15] =	ssyncadd.s32 $0xFFFFE000  }
0x84: {  	[tilespmem:s20], [sflag:$0x1] =	stream.indirect.gather [hbm4b:s4+s18], $0x20, s17, s18, $0xb8;
	[tilespmem:$0xE200] =	vst v63  }
0x85: {  	_ =	swait.ge [sflag:s26], $0x2000  }
0x86: {  	[sflag:s26] =	ssyncset.done $0x0  }
0x87: {  	s9 =	simm.s32 $0x2F00;
	[sflag:s26] =	ssyncadd.s32 $0xFFFFE000  }
0x88: {  	[spmem:s1] =	stream.indirect.scatter.add.f32 [tilespmem:s22], [sflag:$0x3], $0x20, s9, s18, $0xb8;
	[tilespmem:$0xE200] =	vst v63  }
0x89: {  	_ =	swait.ge [sflag:s15], $0x2000  }
0x8a: {  	[sflag:s15] =	ssyncset.done $0x0  }
0x8b: {  	s17 =	simm.s32 $0x4500;
	[sflag:s15] =	ssyncadd.s32 $0xFFFFE000  }
0x8c: {  	[tilespmem:s22], [sflag:$0x2] =	stream.indirect.gather [hbm4b:s4+s18], $0x20, s17, s18, $0xb8;
	[tilespmem:$0xE200] =	vst v63  }
0x8d: {  	_ =	swait.ge [sflag:s23], $0x2000  }
0x8e: {  	[sflag:s23] =	ssyncset.done $0x0  }
0x8f: {  	s9 =	simm.s32 $0x3000;
	[sflag:s23] =	ssyncadd.s32 $0xFFFFE000  }
0x90: {  	[spmem:s1] =	stream.indirect.scatter.add.f32 [tilespmem:s20], [sflag:$0x3], $0x20, s9, s18, $0xb8;
	[tilespmem:$0xE200] =	vst v63  }
0x91: {  	_ =	swait.ge [sflag:s15], $0x2000  }
0x92: {  	[sflag:s15] =	ssyncset.done $0x0  }
0x93: {  	s17 =	simm.s32 $0x4600;
	[sflag:s15] =	ssyncadd.s32 $0xFFFFE000  }
0x94: {  	[tilespmem:s20], [sflag:$0x1] =	stream.indirect.gather [hbm4b:s4+s18], $0x20, s17, s18, $0xb8;
	[tilespmem:$0xE200] =	vst v63  }
0x95: {  	_ =	swait.ge [sflag:s26], $0x2000  }
0x96: {  	[sflag:s26] =	ssyncset.done $0x0  }
0x97: {  	s9 =	simm.s32 $0x3100;
	[sflag:s26] =	ssyncadd.s32 $0xFFFFE000  }
0x98: {  	[spmem:s1] =	stream.indirect.scatter.add.f32 [tilespmem:s22], [sflag:$0x3], $0x20, s9, s18, $0xb8;
	[tilespmem:$0xE200] =	vst v63  }
0x99: {  	_ =	swait.ge [sflag:s15], $0x2000  }
0x9a: {  	[sflag:s15] =	ssyncset.done $0x0  }
0x9b: {  	s17 =	simm.s32 $0x4700;
	[sflag:s15] =	ssyncadd.s32 $0xFFFFE000  }
0x9c: {  	[tilespmem:s22], [sflag:$0x2] =	stream.indirect.gather [hbm4b:s4+s18], $0x20, s17, s18, $0xb8;
	[tilespmem:$0xE200] =	vst v63  }
0x9d: {  	_ =	swait.ge [sflag:s23], $0x2000  }
0x9e: {  	[sflag:s23] =	ssyncset.done $0x0  }
0x9f: {  	s9 =	simm.s32 $0x3200;
	[sflag:s23] =	ssyncadd.s32 $0xFFFFE000  }
0xa0: {  	[spmem:s1] =	stream.indirect.scatter.add.f32 [tilespmem:s20], [sflag:$0x3], $0x20, s9, s18, $0xb8;
	[tilespmem:$0xE200] =	vst v63  }
0xa1: {  	_ =	swait.ge [sflag:s15], $0x2000  }
0xa2: {  	[sflag:s15] =	ssyncset.done $0x0  }
0xa3: {  	s17 =	simm.s32 $0x4800;
	[sflag:s15] =	ssyncadd.s32 $0xFFFFE000  }
0xa4: {  	[tilespmem:s20], [sflag:$0x1] =	stream.indirect.gather [hbm4b:s4+s18], $0x20, s17, s18, $0xb8;
	[tilespmem:$0xE200] =	vst v63  }
0xa5: {  	_ =	swait.ge [sflag:s26], $0x2000  }
0xa6: {  	[sflag:s26] =	ssyncset.done $0x0  }
0xa7: {  	s9 =	simm.s32 $0x3300;
	[sflag:s26] =	ssyncadd.s32 $0xFFFFE000  }
0xa8: {  	[spmem:s1] =	stream.indirect.scatter.add.f32 [tilespmem:s22], [sflag:$0x3], $0x20, s9, s18, $0xb8;
	[tilespmem:$0xE200] =	vst v63  }
0xa9: {  	_ =	swait.ge [sflag:s15], $0x2000  }
0xaa: {  	[sflag:s15] =	ssyncset.done $0x0  }
0xab: {  	s17 =	simm.s32 $0x4900;
	[sflag:s15] =	ssyncadd.s32 $0xFFFFE000  }
0xac: {  	[tilespmem:s22], [sflag:$0x2] =	stream.indirect.gather [hbm4b:s4+s18], $0x20, s17, s18, $0xb8;
	[tilespmem:$0xE200] =	vst v63  }
0xad: {  	_ =	swait.ge [sflag:s23], $0x2000  }
0xae: {  	[sflag:s23] =	ssyncset.done $0x0  }
0xaf: {  	s9 =	simm.s32 $0x3400;
	[sflag:s23] =	ssyncadd.s32 $0xFFFFE000  }
0xb0: {  	[spmem:s1] =	stream.indirect.scatter.add.f32 [tilespmem:s20], [sflag:$0x3], $0x20, s9, s18, $0xb8;
	[tilespmem:$0xE200] =	vst v63  }
0xb1: {  	_ =	swait.ge [sflag:s15], $0x2000  }
0xb2: {  	[sflag:s15] =	ssyncset.done $0x0  }
0xb3: {  	s17 =	simm.s32 $0x4A00;
	[sflag:s15] =	ssyncadd.s32 $0xFFFFE000  }
0xb4: {  	[tilespmem:s20], [sflag:$0x1] =	stream.indirect.gather [hbm4b:s4+s18], $0x20, s17, s18, $0xb8;
	[tilespmem:$0xE200] =	vst v63  }
0xb5: {  	_ =	swait.ge [sflag:s26], $0x2000  }
0xb6: {  	[sflag:s26] =	ssyncset.done $0x0  }
0xb7: {  	[sflag:s26] =	ssyncadd.s32 $0xFFFFE000  }
0xb8: {  	[spmem:s1] =	stream.indirect.scatter.add.f32 [tilespmem:s22], [sflag:$0x3], $0x20, s19, s18, $0xb8;
	[tilespmem:$0xE200] =	vst v63  }
0xb9: {  	_ =	swait.ge [sflag:s15], $0x2000  }
0xba: {  	[sflag:s15] =	ssyncset.done $0x0  }
0xbb: {  	[sflag:s15] =	ssyncadd.s32 $0xFFFFE000  }
0xbc: {  	[tilespmem:s22], [sflag:$0x2] =	stream.indirect.gather [hbm4b:s4+s18], $0x20, s21, s18, $0xb8;
	[tilespmem:$0xE200] =	vst v63  }
0xbd: {  	_ =	swait.ge [sflag:s23], $0x2000  }
0xbe: {  	[sflag:s23] =	ssyncset.done $0x0  }
0xbf: {  	[sflag:s23] =	ssyncadd.s32 $0xFFFFE000  }
0xc0: {  	[spmem:s1] =	stream.indirect.scatter.add.f32 [tilespmem:s20], [sflag:$0x3], $0x20, s24, s18, $0xb8;
	[tilespmem:$0xE200] =	vst v63  }
0xc1: {  	_ =	swait.ge [sflag:s15], $0x2000  }
0xc2: {  	[sflag:s15] =	ssyncset.done $0x0  }
0xc3: {  	[sflag:s15] =	ssyncadd.s32 $0xFFFFE000  }
0xc4: {  	[tilespmem:s20], [sflag:$0x1] =	stream.indirect.gather [hbm4b:s4+s18], $0x20, s28, s18, $0xb8;
	[tilespmem:$0xE200] =	vst v63  }
0xc5: {  	_ =	swait.ge [sflag:s26], $0x2000  }
0xc6: {  	[sflag:s26] =	ssyncset.done $0x0  }
0xc7: {  	[sflag:s26] =	ssyncadd.s32 $0xFFFFE000  }
0xc8: {  	[spmem:s1] =	stream.indirect.scatter.add.f32 [tilespmem:s22], [sflag:$0x3], $0x20, s6, s18, $0xb8;
	[tilespmem:$0xE200] =	vst v63  }
0xc9: {  	_ =	swait.ge [sflag:s15], $0x2000  }
0xca: {  	[sflag:s15] =	ssyncset.done $0x0  }
0xcb: {  	[sflag:s15] =	ssyncadd.s32 $0xFFFFE000  }
0xcc: {  	[tilespmem:s22], [sflag:$0x2] =	stream.indirect.gather [hbm4b:s4+s18], $0x20, s29, s18, $0xb8;
	[tilespmem:$0xE200] =	vst v63  }
0xcd: {  	_ =	swait.ge [sflag:s23], $0x2000  }
0xce: {  	[sflag:s23] =	ssyncset.done $0x0  }
0xcf: {  	[sflag:s23] =	ssyncadd.s32 $0xFFFFE000  }
0xd0: {  	[spmem:s1] =	stream.indirect.scatter.add.f32 [tilespmem:s20], [sflag:$0x3], $0x20, s7, s18, $0xb8;
	[tilespmem:$0xE200] =	vst v63  }
0xd1: {  	_ =	swait.ge [sflag:s15], $0x2000  }
0xd2: {  	[sflag:s15] =	ssyncset.done $0x0  }
0xd3: {  	[sflag:s15] =	ssyncadd.s32 $0xFFFFE000  }
0xd4: {  	[tilespmem:s20], [sflag:$0x1] =	stream.indirect.gather [hbm4b:s4+s18], $0x20, s30, s18, $0xb8;
	[tilespmem:$0xE200] =	vst v63  }
0xd5: {  	_ =	swait.ge [sflag:s26], $0x2000  }
0xd6: {  	[sflag:s26] =	ssyncset.done $0x0  }
0xd7: {  	[sflag:s26] =	ssyncadd.s32 $0xFFFFE000  }
0xd8: {  	[spmem:s1] =	stream.indirect.scatter.add.f32 [tilespmem:s22], [sflag:$0x3], $0x20, s31, s18, $0xb8;
	[tilespmem:$0xE200] =	vst v63  }
0xd9: {  	_ =	swait.ge [sflag:s15], $0x2000  }
0xda: {  	[sflag:s15] =	ssyncset.done $0x0  }
0xdb: {  	[sflag:s15] =	ssyncadd.s32 $0xFFFFE000  }
0xdc: {  	_ =	swait.ge [sflag:s23], $0x2000  }
0xdd: {  	[sflag:s23] =	ssyncset.done $0x0  }
0xde: {  	[sflag:s23] =	ssyncadd.s32 $0xFFFFE000  }
0xdf: {  	[spmem:s1] =	stream.indirect.scatter.add.f32 [tilespmem:s20], [sflag:$0x3], $0x20, s8, s18, $0xb8;
	[tilespmem:$0xE200] =	vst v63  }
.LBB2_10:
0xe0: {  	_ =	swait.ge [sflag:s15], $0x2000  }
0xe1: {  	s3 =	sadd.s32 $0x1, s3;
	[sflag:s15] =	ssyncset.done $0x0  }
0xe2: {  	s0 =	sshll.u32 s2, $0x6;
	p1 =	sne.s32 s3, s13;
	[sflag:s15] =	ssyncadd.s32 $0xFFFFE000  }
.Ltmp1:
0xe3: {  	s0 =	sor.u32 $0x1C03, s0;
	[bflag:$0x0] =	sbarrier.arrive $0xFFFF;
	(pc) =	sbr.rel @!p1 .LBB2_11-.Ltmp1, $4  }
0xe4: {  	[hbm:s12], [sflag:s0] =	dma.local [spmem:s25], $0xA00  }
0xe5: {  	_ =	swait.ge [sflag:s15], $0xA00  }
0xe6: {  	[sflag:s15] =	ssyncset.done $0x0  }
0xe7: {  	[sflag:s15] =	ssyncadd.s32 $0xFFFFF600  }
.LBB2_1:
0xe8: {  	[tilespmem:$0x9000] =	vst v0  }
0xe9: {  	[tilespmem:$0x9010] =	vst v0  }
0xea: {  	[tilespmem:$0x9020] =	vst v0  }
0xeb: {  	[tilespmem:$0x9030] =	vst v0  }
0xec: {  	[tilespmem:$0x9040] =	vst v0  }
0xed: {  	[tilespmem:$0x9050] =	vst v0  }
0xee: {  	[tilespmem:$0x9060] =	vst v0  }
0xef: {  	[tilespmem:$0x9070] =	vst v0  }
0xf0: {  	[tilespmem:$0x9080] =	vst v0  }
0xf1: {  	[tilespmem:$0x9090] =	vst v0  }
0xf2: {  	[tilespmem:$0x90A0] =	vst v0  }
0xf3: {  	[tilespmem:$0x90B0] =	vst v0  }
0xf4: {  	[tilespmem:$0x90C0] =	vst v0  }
0xf5: {  	[tilespmem:$0x90D0] =	vst v0  }
0xf6: {  	[tilespmem:$0x90E0] =	vst v0  }
0xf7: {  	[tilespmem:$0x90F0] =	vst v0  }
0xf8: {  	[tilespmem:$0x9100] =	vst v0  }
0xf9: {  	[tilespmem:$0x9110] =	vst v0  }
0xfa: {  	[tilespmem:$0x9120] =	vst v0  }
0xfb: {  	[tilespmem:$0x9130] =	vst v0  }
0xfc: {  	[tilespmem:$0x9140] =	vst v0  }
0xfd: {  	[tilespmem:$0x9150] =	vst v0  }
0xfe: {  	[tilespmem:$0x9160] =	vst v0  }
0xff: {  	[tilespmem:$0x9170] =	vst v0  }
0x100: {  	[tilespmem:$0x9180] =	vst v0  }
0x101: {  	[tilespmem:$0x9190] =	vst v0  }
0x102: {  	[tilespmem:$0x91A0] =	vst v0  }
0x103: {  	[tilespmem:$0x91B0] =	vst v0  }
0x104: {  	[tilespmem:$0x91C0] =	vst v0  }
0x105: {  	[tilespmem:$0x91D0] =	vst v0  }
0x106: {  	[tilespmem:$0x91E0] =	vst v0  }
0x107: {  	[tilespmem:$0x91F0] =	vst v0;
	s0 =	sadd.s32 $0x0, s5  }
0x108: {  	[spmem:s0] =	stream.linear.scatter [tilespmem:s14], [sflag:$0x3], $0x200, $0x38;
	[tilespmem:$0xE200] =	vst v63  }
0x109: {  	s0 =	simm.s32 $0x800;
	_ =	swait.ge [sflag:s15], $0x200  }
.LBB2_2:
0x10a: {  	s9 =	sshra.s32 s0, $0x2;
	[sflag:s15] =	ssyncset.done $0x0;
	p1 =	sne.s32 s0, $0x13800  }
.Ltmp2:
0x10b: {  	s9 =	sadd.s32 s9, s5;
	[sflag:s15] =	ssyncadd.s32 $0xFFFFFE00;
	(pc) =	sbr.rel @p1 .LBB2_2-.Ltmp2, $3  }
0x10c: {  	[spmem:s9] =	stream.linear.scatter [tilespmem:s14], [sflag:$0x3], $0x200, $0x38;
	[tilespmem:$0xE200] =	vst v63  }
0x10d: {  	s0 =	sadd.s32 $0x800, s0;
	_ =	sdelay $0x1  }
0x10e: {  	_ =	swait.ge [sflag:s15], $0x200  }
.Ltmp3:
0x10f: {  	(pc) =	sbr.rel @p0 .LBB2_7-.Ltmp3, $4  }
0x110: {  	[sflag:s15] =	ssyncset.done $0x0  }
0x111: {  	[sflag:s15] =	ssyncadd.s32 $0xFFFFFE00  }
0x112: {  	[bflag:$0x0] =	sbarrier.arrive $0xFFFF  }
0x113: {  	s0 =	simm.s32 $0x0  }
0x114: {  	s9 =	rddreg [dreg:$0x8]  }
0x115: {  	[tilespmem:s0], [sflag:$0x3] =	stream.linear.gather [hbm4b:s9+s0], $0x1400, $0x38;
	[tilespmem:$0xE200] =	vst v63  }
0x116: {  	_ =	swait.ge [sflag:s15], $0x1400  }
0x117: {  	[sflag:s15] =	ssyncset.done $0x0  }
0x118: {  	[sflag:s15] =	ssyncadd.s32 $0xFFFFEC00  }
0x119: {  	[tilespmem:s16], [sflag:$0x3] =	stream.linear.gather [hbm4b:s10+s0], $0x1400, $0x38;
	[tilespmem:$0xE200] =	vst v63  }
0x11a: {  	_ =	swait.ge [sflag:s15], $0x1400  }
0x11b: {  	[sflag:s15] =	ssyncset.done $0x0  }
0x11c: {  	s17 =	simm.s32 $0x1400;
	[sflag:s15] =	ssyncadd.s32 $0xFFFFEC00  }
0x11d: {  	[tilespmem:s17], [sflag:$0x3] =	stream.linear.gather [hbm4b:s11+s0], $0x1400, $0x38;
	[tilespmem:$0xE200] =	vst v63  }
0x11e: {  	_ =	swait.ge [sflag:s15], $0x1400  }
0x11f: {  	[sflag:s15] =	ssyncset.done $0x0  }
0x120: {  	s0 =	simm.s32 $0x0;
	[sflag:s15] =	ssyncadd.s32 $0xFFFFEC00  }
0x121: {  	v1 =	vld [tilespmem:s0+$0x14F0]  }
0x122: {  	v3 =	vld [tilespmem:s0+$0xF0]  }
0x123: {  	v4 =	vld [tilespmem:s0+$0x1410]  }
0x124: {  	v5 =	vld [tilespmem:s0+$0x1420]  }
0x125: {  	v6 =	vld [tilespmem:s0+$0x1430]  }
0x126: {  	v8 =	vld [tilespmem:s0+$0x1440]  }
0x127: {  	v9 =	vld [tilespmem:s0+$0x1450];
	_ =	sdelay $0x1  }
0x128: {  	v10 =	vld [tilespmem:s0+$0x1460];
	v7 =	vshrl.u32 v1, $0x2;
	v3 =	vshll.u32 v3, $0x2;
	v1 =	vand.u32 $0x3, v1  }
0x129: {  	v2 =	vld [tilespmem:s0+$0x1400];
	v14 =	vshrl.u32 v4, $0x2;
	v15 =	vshrl.u32 v5, $0x2;
	v4 =	vand.u32 $0x3, v4  }
0x12a: {  	v20 =	vld [tilespmem:s0+$0x0];
	v19 =	vshrl.u32 v6, $0x2;
	v5 =	vand.u32 $0x3, v5;
	v7 =	vmul.u32 $0x9C40, v7  }
0x12b: {  	v21 =	vshrl.u32 v8, $0x2;
	v23 =	vshrl.u32 v9, $0x2;
	v27 =	vand.u32 $0x3, v9;
	v9 =	vld [tilespmem:s0+$0x40]  }
0x12c: {  	v6 =	vand.u32 $0x3, v6;
	v25 =	vand.u32 $0x3, v8;
	v3 =	vadd.s32 v3, v7;
	v7 =	vld [tilespmem:s0+$0x1470]  }
0x12d: {  	v8 =	vshrl.u32 v10, $0x2;
	v29 =	vand.u32 $0x3, v10;
	v1 =	vor.u32 v1, v3;
	v3 =	vld [tilespmem:s0+$0x1480]  }
0x12e: {  	v22 =	vld [tilespmem:s0+$0x10];
	v14 =	vmul.u32 $0x9C40, v14;
	v15 =	vmul.u32 $0x9C40, v15;
	v19 =	vmul.u32 $0x9C40, v19  }
0x12f: {  	v11 =	vld [tilespmem:s0+$0x1490];
	v21 =	vmul.u32 $0x9C40, v21;
	v23 =	vmul.u32 $0x9C40, v23;
	v28 =	vmul.u32 $0x9C40, v8  }
0x130: {  	v24 =	vld [tilespmem:s0+$0x20];
	[tilespmem:s0+$0x3CF0] =	vst v1;
	v1 =	vshrl.u32 v2, $0x2;
	v2 =	vand.u32 $0x3, v2;
	v9 =	vshll.u32 v9, $0x2  }
0x131: {  	v12 =	vld [tilespmem:s0+$0x14A0];
	v1 =	vmul.u32 $0x9C40, v1;
	v8 =	vshrl.u32 v7, $0x2;
	v31 =	vand.u32 $0x3, v7  }
0x132: {  	v13 =	vld [tilespmem:s0+$0x14B0];
	v30 =	vmul.u32 $0x9C40, v8;
	v8 =	vshll.u32 v20, $0x2;
	v20 =	vshrl.u32 v3, $0x2  }
0x133: {  	v26 =	vld [tilespmem:s0+$0x30];
	v7 =	vshll.u32 v22, $0x2;
	v1 =	vadd.s32 v8, v1;
	v33 =	vmul.u32 $0x9C40, v20  }
0x134: {  	v16 =	vld [tilespmem:s0+$0x14C0];
	v8 =	vshrl.u32 v11, $0x2;
	v2 =	vor.u32 v2, v1;
	v1 =	vand.u32 $0x3, v3  }
0x135: {  	v18 =	vld [tilespmem:s0+$0x14E0];
	v3 =	vadd.s32 v7, v14;
	v7 =	vshll.u32 v24, $0x2;
	[tilespmem:s0+$0x3C00] =	vst v2;
	v2 =	vmul.u32 $0x9C40, v8  }
0x136: {  	v17 =	vld [tilespmem:s0+$0x14D0];
	v4 =	vor.u32 v4, v3;
	v8 =	vshrl.u32 v12, $0x2;
	v3 =	vand.u32 $0x3, v11  }
0x137: {  	v10 =	vld [tilespmem:s0+$0x50];
	v7 =	vadd.s32 v7, v15;
	v11 =	vshrl.u32 v13, $0x2;
	[tilespmem:s0+$0x3C10] =	vst v4;
	v4 =	vmul.u32 $0x9C40, v8  }
0x138: {  	v32 =	vld [tilespmem:s0+$0x60];
	v8 =	vshll.u32 v26, $0x2;
	v7 =	vor.u32 v5, v7;
	v5 =	vand.u32 $0x3, v12  }
0x139: {  	v12 =	vadd.s32 v9, v21;
	v8 =	vadd.s32 v8, v19;
	[tilespmem:s0+$0x3C20] =	vst v7;
	v7 =	vmul.u32 $0x9C40, v11  }
0x13a: {  	v20 =	vld [tilespmem:s0+$0x70];
	v11 =	vshrl.u32 v16, $0x2;
	v19 =	vshrl.u32 v18, $0x2;
	v6 =	vor.u32 v6, v8  }
0x13b: {  	v22 =	vld [tilespmem:s0+$0x80];
	v8 =	vand.u32 $0x3, v13;
	v9 =	vmul.u32 $0x9C40, v11;
	v11 =	vor.u32 v25, v12  }
0x13c: {  	v63 =	vld [tilespmem:s0+$0x90];
	v12 =	vshrl.u32 v17, $0x2;
	v13 =	vand.u32 $0x3, v17;
	[tilespmem:s0+$0x3C30] =	vst v6;
	v6 =	vshll.u32 v10, $0x2  }
0x13d: {  	v14 =	vld [tilespmem:s0+$0xA0];
	v10 =	vand.u32 $0x3, v16;
	[tilespmem:s0+$0x3C40] =	vst v11;
	v11 =	vmul.u32 $0x9C40, v12;
	v12 =	vshll.u32 v32, $0x2  }
0x13e: {  	v15 =	vld [tilespmem:s0+$0xB0];
	v6 =	vadd.s32 v6, v23;
	v17 =	vadd.s32 v12, v28;
	v12 =	vmul.u32 $0x9C40, v19  }
0x13f: {  	v16 =	vld [tilespmem:s0+$0xC0];
	v19 =	vshll.u32 v20, $0x2;
	v6 =	vor.u32 v27, v6;
	v20 =	vor.u32 v29, v17  }
0x140: {  	v17 =	vld [tilespmem:s0+$0xD0];
	[tilespmem:s0+$0x3C50] =	vst v6;
	v6 =	vand.u32 $0x3, v18;
	v18 =	vadd.s32 v19, v30;
	v19 =	vshll.u32 v22, $0x2  }
0x141: {  	s9 =	simm.s32 $0x100;
	s17 =	simm.s32 $0x800;
	[tilespmem:s0+$0x3C60] =	vst v20;
	v20 =	vor.u32 v31, v18;
	v21 =	vadd.s32 v19, v33;
	v19 =	vshll.u32 v63, $0x2;
	v18 =	vld [tilespmem:s0+$0xE0]  }
.LBB2_5:
0x142: {  	p1 =	sne.s32 s17, $0x4C00;
	v22 =	vld [tilespmem:s9+$0x14F0];
	[tilespmem:s0+$0x3C70] =	vst v20;
	v1 =	vor.u32 v1, v21;
	v2 =	vadd.s32 v19, v2;
	v14 =	vshll.u32 v14, $0x2  }
0x143: {  	v19 =	vld [tilespmem:s9+$0x1400];
	[tilespmem:s0+$0x3C80] =	vst v1;
	v1 =	vor.u32 v3, v2;
	v2 =	vadd.s32 v14, v4;
	v3 =	vshll.u32 v15, $0x2  }
0x144: {  	v4 =	vld [tilespmem:s9+$0xF0];
	[tilespmem:s0+$0x3C90] =	vst v1;
	v1 =	vor.u32 v5, v2;
	v2 =	vadd.s32 v3, v7;
	v3 =	vshll.u32 v16, $0x2  }
0x145: {  	v5 =	vld [tilespmem:s9+$0x1410];
	[tilespmem:s0+$0x3CA0] =	vst v1;
	v1 =	vor.u32 v8, v2;
	v2 =	vadd.s32 v3, v9;
	v3 =	vshll.u32 v17, $0x2  }
0x146: {  	v7 =	vld [tilespmem:s9+$0x1420];
	[tilespmem:s0+$0x3CB0] =	vst v1;
	v1 =	vor.u32 v10, v2;
	v2 =	vadd.s32 v3, v11;
	v3 =	vshll.u32 v18, $0x2  }
0x147: {  	v8 =	vld [tilespmem:s9+$0x1430];
	v9 =	vshrl.u32 v22, $0x2;
	[tilespmem:s0+$0x3CC0] =	vst v1;
	v1 =	vor.u32 v13, v2;
	v2 =	vadd.s32 v3, v12  }
0x148: {  	v3 =	vshrl.u32 v19, $0x2;
	v14 =	vand.u32 $0x3, v19;
	v10 =	vld [tilespmem:s9+$0x1440];
	v9 =	vmul.u32 $0x9C40, v9;
	[tilespmem:s0+$0x3CD0] =	vst v1  }
0x149: {  	v2 =	vor.u32 v6, v2;
	v15 =	vmul.u32 $0x9C40, v3;
	v1 =	vld [tilespmem:s9+$0x1450];
	v3 =	vshll.u32 v4, $0x2  }
0x14a: {  	v4 =	vshrl.u32 v5, $0x2;
	v6 =	vld [tilespmem:s9+$0x1460];
	v3 =	vadd.s32 v3, v9;
	v9 =	vand.u32 $0x3, v22;
	[tilespmem:s0+$0x3CE0] =	vst v2;
	s0 =	smov.u32 s9  }
0x14b: {  	v16 =	vmul.u32 $0x9C40, v4;
	v2 =	vshrl.u32 v7, $0x2;
	v4 =	vld [tilespmem:s0+$0x1470];
	v3 =	vor.u32 v9, v3  }
0x14c: {  	v17 =	vand.u32 $0x3, v5;
	v18 =	vmul.u32 $0x9C40, v2;
	v2 =	vshrl.u32 v8, $0x2;
	v5 =	vld [tilespmem:s0+$0x1480];
	[tilespmem:s0+$0x3CF0] =	vst v3  }
0x14d: {  	v19 =	vand.u32 $0x3, v7;
	v20 =	vmul.u32 $0x9C40, v2;
	v2 =	vshrl.u32 v10, $0x2;
	v3 =	vld [tilespmem:s0+$0x1490]  }
0x14e: {  	v21 =	vand.u32 $0x3, v8;
	v22 =	vmul.u32 $0x9C40, v2;
	v2 =	vshrl.u32 v1, $0x2;
	v7 =	vld [tilespmem:s0+$0x14A0]  }
0x14f: {  	v23 =	vand.u32 $0x3, v10;
	v24 =	vmul.u32 $0x9C40, v2;
	v2 =	vshrl.u32 v6, $0x2;
	v8 =	vld [tilespmem:s0+$0x14B0]  }
0x150: {  	v25 =	vand.u32 $0x3, v1;
	v26 =	vmul.u32 $0x9C40, v2;
	v1 =	vshrl.u32 v4, $0x2;
	v10 =	vld [tilespmem:s0+$0x14C0]  }
0x151: {  	v27 =	vand.u32 $0x3, v6;
	v28 =	vmul.u32 $0x9C40, v1;
	v1 =	vshrl.u32 v5, $0x2;
	v6 =	vld [tilespmem:s0+$0x14D0]  }
0x152: {  	v29 =	vand.u32 $0x3, v4;
	v30 =	vmul.u32 $0x9C40, v1;
	v2 =	vshrl.u32 v3, $0x2;
	v31 =	vld [tilespmem:s0+$0x14E0]  }
0x153: {  	v1 =	vand.u32 $0x3, v5;
	v12 =	vld [tilespmem:s0+$0x0];
	v2 =	vmul.u32 $0x9C40, v2;
	v4 =	vshrl.u32 v7, $0x2  }
0x154: {  	v3 =	vand.u32 $0x3, v3;
	v32 =	vld [tilespmem:s0+$0x10];
	v4 =	vmul.u32 $0x9C40, v4;
	v9 =	vshrl.u32 v8, $0x2  }
0x155: {  	v5 =	vand.u32 $0x3, v7;
	v33 =	vld [tilespmem:s0+$0x20];
	v7 =	vmul.u32 $0x9C40, v9;
	v9 =	vshrl.u32 v10, $0x2  }
0x156: {  	v8 =	vand.u32 $0x3, v8;
	v34 =	vld [tilespmem:s0+$0x30];
	v9 =	vmul.u32 $0x9C40, v9;
	v11 =	vshrl.u32 v6, $0x2  }
0x157: {  	v10 =	vand.u32 $0x3, v10;
	v35 =	vld [tilespmem:s0+$0x40];
	v11 =	vmul.u32 $0x9C40, v11;
	v36 =	vshrl.u32 v31, $0x2  }
0x158: {  	v13 =	vand.u32 $0x3, v6;
	v37 =	vshll.u32 v12, $0x2;
	v38 =	vld [tilespmem:s0+$0x50];
	v12 =	vmul.u32 $0x9C40, v36  }
0x159: {  	v6 =	vand.u32 $0x3, v31;
	v15 =	vadd.s32 v37, v15;
	v32 =	vshll.u32 v32, $0x2;
	v36 =	vld [tilespmem:s0+$0x60]  }
0x15a: {  	v14 =	vor.u32 v14, v15;
	v15 =	vadd.s32 v32, v16;
	v16 =	vshll.u32 v33, $0x2;
	v31 =	vld [tilespmem:s0+$0x70]  }
0x15b: {  	[tilespmem:s0+$0x3C00] =	vst v14;
	v14 =	vor.u32 v17, v15;
	v15 =	vadd.s32 v16, v18;
	v16 =	vshll.u32 v34, $0x2;
	v17 =	vld [tilespmem:s0+$0x80]  }
0x15c: {  	[tilespmem:s0+$0x3C10] =	vst v14;
	v14 =	vor.u32 v19, v15;
	v15 =	vadd.s32 v16, v20;
	v16 =	vshll.u32 v35, $0x2;
	v18 =	vld [tilespmem:s0+$0x90]  }
.Ltmp4:
0x15d: {  	[tilespmem:s0+$0x3C20] =	vst v14;
	v15 =	vor.u32 v21, v15;
	v16 =	vadd.s32 v16, v22;
	v19 =	vshll.u32 v38, $0x2;
	v14 =	vld [tilespmem:s0+$0xA0];
	(pc) =	sbr.rel @p1 .LBB2_5-.Ltmp4, $4  }
0x15e: {  	[tilespmem:s0+$0x3C30] =	vst v15;
	v16 =	vor.u32 v23, v16;
	v19 =	vadd.s32 v19, v24;
	v20 =	vshll.u32 v36, $0x2;
	v15 =	vld [tilespmem:s0+$0xB0]  }
0x15f: {  	[tilespmem:s0+$0x3C40] =	vst v16;
	v19 =	vor.u32 v25, v19;
	v20 =	vadd.s32 v20, v26;
	v21 =	vshll.u32 v31, $0x2;
	v16 =	vld [tilespmem:s0+$0xC0]  }
0x160: {  	[tilespmem:s0+$0x3C50] =	vst v19;
	v19 =	vor.u32 v27, v20;
	v20 =	vadd.s32 v21, v28;
	v21 =	vshll.u32 v17, $0x2;
	v17 =	vld [tilespmem:s0+$0xD0]  }
0x161: {  	s9 =	sshra.s32 s17, $0x2;
	s17 =	sadd.s32 $0x400, s17;
	[tilespmem:s0+$0x3C60] =	vst v19;
	v20 =	vor.u32 v29, v20;
	v21 =	vadd.s32 v21, v30;
	v19 =	vshll.u32 v18, $0x2;
	v18 =	vld [tilespmem:s0+$0xE0]  }
0x162: {  	v22 =	vld [tilespmem:s9+$0x14F0];
	[tilespmem:s0+$0x3C70] =	vst v20;
	v1 =	vor.u32 v1, v21;
	v2 =	vadd.s32 v19, v2  }
0x163: {  	v20 =	vld [tilespmem:s9+$0x1400];
	[tilespmem:s0+$0x3C80] =	vst v1;
	v1 =	vshll.u32 v14, $0x2;
	v2 =	vor.u32 v3, v2  }
0x164: {  	v3 =	vld [tilespmem:s9+$0xF0];
	v1 =	vadd.s32 v1, v4;
	[tilespmem:s0+$0x3C90] =	vst v2;
	v2 =	vshll.u32 v15, $0x2  }
0x165: {  	v1 =	vor.u32 v5, v1;
	v2 =	vadd.s32 v2, v7  }
0x166: {  	v44 =	vld [tilespmem:s9+$0x1410];
	[tilespmem:s0+$0x3CA0] =	vst v1;
	v1 =	vshll.u32 v16, $0x2;
	v2 =	vor.u32 v8, v2  }
0x167: {  	v45 =	vld [tilespmem:s9+$0x1420];
	v1 =	vadd.s32 v1, v9;
	[tilespmem:s0+$0x3CB0] =	vst v2;
	v2 =	vshll.u32 v17, $0x2  }
0x168: {  	v1 =	vor.u32 v10, v1;
	v2 =	vadd.s32 v2, v11  }
0x169: {  	v47 =	vshll.u32 v18, $0x2;
	v46 =	vld [tilespmem:s9+$0x1430];
	[tilespmem:s0+$0x3CC0] =	vst v1;
	v1 =	vor.u32 v13, v2  }
0x16a: {  	v8 =	vadd.s32 v47, v12;
	v2 =	vld [tilespmem:s9+$0x1440];
	[tilespmem:s0+$0x3CD0] =	vst v1  }
0x16b: {  	v6 =	vor.u32 v6, v8;
	v48 =	vld [tilespmem:s9+$0x1450]  }
0x16c: {  	v49 =	vld [tilespmem:s9+$0x1460];
	[tilespmem:s0+$0x3CE0] =	vst v6  }
0x16d: {  	v6 =	vld [tilespmem:s9+$0x1470]  }
0x16e: {  	v50 =	vld [tilespmem:s9+$0x14A0]  }
0x16f: {  	v51 =	vld [tilespmem:s9+$0x14B0]  }
0x170: {  	v52 =	vld [tilespmem:s9+$0x14C0]  }
0x171: {  	v53 =	vshrl.u32 v20, $0x2;
	v54 =	vand.u32 $0x3, v20;
	v55 =	vld [tilespmem:s9+$0x14D0]  }
0x172: {  	v3 =	vshll.u32 v3, $0x2;
	v13 =	vmul.u32 $0x9C40, v53;
	v1 =	vshrl.u32 v22, $0x2;
	v18 =	vld [tilespmem:s9+$0x14E0]  }
0x173: {  	v56 =	vshrl.u32 v44, $0x2;
	v4 =	vand.u32 $0x3, v44;
	v1 =	vmul.u32 $0x9C40, v1;
	v58 =	vld [tilespmem:s9+$0x0]  }
0x174: {  	v16 =	vmul.u32 $0x9C40, v56;
	v57 =	vshrl.u32 v45, $0x2;
	v5 =	vand.u32 $0x3, v45;
	v61 =	vld [tilespmem:s9+$0x10]  }
0x175: {  	v23 =	vld [tilespmem:s9+$0x20];
	v1 =	vadd.s32 v3, v1;
	v3 =	vand.u32 $0x3, v22;
	v17 =	vmul.u32 $0x9C40, v57  }
0x176: {  	v26 =	vld [tilespmem:s9+$0x30];
	v59 =	vshrl.u32 v46, $0x2;
	v7 =	vand.u32 $0x3, v46;
	v1 =	vor.u32 v3, v1  }
0x177: {  	v27 =	vld [tilespmem:s9+$0x40];
	v20 =	vmul.u32 $0x9C40, v59;
	v60 =	vshrl.u32 v2, $0x2;
	v2 =	vand.u32 $0x3, v2  }
0x178: {  	v29 =	vld [tilespmem:s9+$0x50];
	v21 =	vmul.u32 $0x9C40, v60;
	v24 =	vshrl.u32 v48, $0x2;
	v25 =	vshrl.u32 v49, $0x2  }
0x179: {  	v62 =	vld [tilespmem:s9+$0x60];
	v9 =	vand.u32 $0x3, v48;
	v8 =	vand.u32 $0x3, v49;
	v24 =	vmul.u32 $0x9C40, v24  }
0x17a: {  	v63 =	vld [tilespmem:s9+$0x70];
	v25 =	vmul.u32 $0x9C40, v25;
	v28 =	vshrl.u32 v6, $0x2;
	v19 =	vshll.u32 v58, $0x2  }
0x17b: {  	v47 =	vld [tilespmem:s9+$0xB0];
	v6 =	vand.u32 $0x3, v6;
	v22 =	vshll.u32 v61, $0x2;
	v32 =	vshll.u32 v23, $0x2  }
0x17c: {  	v35 =	vshrl.u32 v50, $0x2;
	v36 =	vshll.u32 v26, $0x2;
	v39 =	vshrl.u32 v51, $0x2  }
0x17d: {  	v40 =	vand.u32 $0x3, v50;
	v41 =	vshll.u32 v27, $0x2;
	v44 =	vshrl.u32 v52, $0x2  }
0x17e: {  	v3 =	vld [tilespmem:s9+$0x1480];
	v45 =	vand.u32 $0x3, v51;
	v46 =	vshll.u32 v29, $0x2;
	v49 =	vshrl.u32 v55, $0x2  }
0x17f: {  	v50 =	vshll.u32 v62, $0x2;
	v53 =	vshrl.u32 v18, $0x2;
	v14 =	vshll.u32 v63, $0x2  }
0x180: {  	v33 =	vld [tilespmem:s9+$0x80];
	v60 =	vshll.u32 v47, $0x2;
	v28 =	vmul.u32 $0x9C40, v28;
	v13 =	vadd.s32 v19, v13  }
0x181: {  	[tilespmem:s9+$0x3CF0] =	vst v1;
	v1 =	vld [tilespmem:s9+$0x1490];
	v16 =	vadd.s32 v22, v16;
	v38 =	vmul.u32 $0x9C40, v35;
	v43 =	vmul.u32 $0x9C40, v39  }
0x182: {  	v10 =	vadd.s32 v41, v21;
	v48 =	vmul.u32 $0x9C40, v44;
	v56 =	vmul.u32 $0x9C40, v53  }
0x183: {  	v30 =	vshrl.u32 v3, $0x2;
	v13 =	vor.u32 v54, v13;
	v3 =	vand.u32 $0x3, v3  }
0x184: {  	v4 =	vor.u32 v4, v16;
	v2 =	vor.u32 v2, v10;
	v11 =	vadd.s32 v46, v24;
	[tilespmem:s9+$0x3C00] =	vst v13  }
0x185: {  	v37 =	vld [tilespmem:s9+$0x90];
	v12 =	vadd.s32 v50, v25;
	v54 =	vand.u32 $0x3, v55;
	v16 =	vshll.u32 v33, $0x2;
	[tilespmem:s9+$0x3C10] =	vst v4  }
0x186: {  	v42 =	vld [tilespmem:s9+$0xA0];
	v30 =	vmul.u32 $0x9C40, v30;
	v31 =	vshrl.u32 v1, $0x2;
	[tilespmem:s9+$0x3C40] =	vst v2;
	v9 =	vor.u32 v9, v11  }
0x187: {  	v13 =	vadd.s32 v32, v17;
	v1 =	vand.u32 $0x3, v1;
	v8 =	vor.u32 v8, v12;
	[tilespmem:s9+$0x3C50] =	vst v9  }
0x188: {  	v51 =	vld [tilespmem:s9+$0xC0];
	v4 =	vadd.s32 v36, v20;
	v2 =	vand.u32 $0x3, v52;
	v5 =	vor.u32 v5, v13;
	[tilespmem:s9+$0x3C60] =	vst v8  }
0x189: {  	v55 =	vld [tilespmem:s9+$0xD0];
	v14 =	vadd.s32 v14, v28;
	v34 =	vmul.u32 $0x9C40, v31;
	v4 =	vor.u32 v7, v4;
	[tilespmem:s9+$0x3C20] =	vst v5  }
0x18a: {  	v58 =	vld [tilespmem:s9+$0xE0];
	v6 =	vor.u32 v6, v14;
	v13 =	vshll.u32 v37, $0x2;
	[tilespmem:s9+$0x3C30] =	vst v4;
	v57 =	vadd.s32 v16, v30  }
0x18b: {  	v7 =	vshll.u32 v42, $0x2;
	[tilespmem:s9+$0x3C70] =	vst v6;
	v3 =	vor.u32 v3, v57;
	v59 =	vadd.s32 v13, v34  }
0x18c: {  	v52 =	vmul.u32 $0x9C40, v49;
	[tilespmem:s9+$0x3C80] =	vst v3;
	v1 =	vor.u32 v1, v59;
	v3 =	vadd.s32 v7, v38  }
0x18d: {  	v61 =	vshll.u32 v51, $0x2;
	[tilespmem:s9+$0x3C90] =	vst v1;
	v1 =	vor.u32 v40, v3;
	v3 =	vadd.s32 v60, v43  }
0x18e: {  	v62 =	vshll.u32 v55, $0x2;
	[tilespmem:s9+$0x3CA0] =	vst v1;
	v1 =	vor.u32 v45, v3;
	v3 =	vadd.s32 v61, v48  }
0x18f: {  	[tilespmem:s9+$0x3CB0] =	vst v1;
	v1 =	vor.u32 v2, v3;
	v2 =	vadd.s32 v62, v52;
	v3 =	vshll.u32 v58, $0x2  }
0x190: {  	v63 =	vand.u32 $0x3, v18;
	[tilespmem:s9+$0x3CC0] =	vst v1;
	v1 =	vor.u32 v54, v2;
	v2 =	vadd.s32 v3, v56  }
0x191: {  	[tilespmem:s9+$0x3CD0] =	vst v1;
	v1 =	vor.u32 v63, v2  }
0x192: {  	s17 =	simm.s32 $0x3C00;
	[tilespmem:s9+$0x3CE0] =	vst v1  }
0x193: {  	[tilespmem:s20], [sflag:$0x1] =	stream.indirect.gather [hbm4b:s4+s18], $0x20, s17, s18, $0xb8;
	[tilespmem:$0xE200] =	vst v63  }
0x194: {  	s9 =	simm.s32 $0x3D00  }
0x195: {  	[tilespmem:s22], [sflag:$0x2] =	stream.indirect.gather [hbm4b:s4+s18], $0x20, s9, s18, $0xb8;
	[tilespmem:$0xE200] =	vst v63  }
0x196: {  	_ =	swait.ge [sflag:s23], $0x2000  }
0x197: {  	[sflag:s23] =	ssyncset.done $0x0  }
0x198: {  	[sflag:s23] =	ssyncadd.s32 $0xFFFFE000  }
0x199: {  	[spmem:s1] =	stream.indirect.scatter.add.f32 [tilespmem:s20], [sflag:$0x3], $0x20, s16, s18, $0xb8;
	[tilespmem:$0xE200] =	vst v63  }
0x19a: {  	_ =	swait.ge [sflag:s15], $0x2000  }
0x19b: {  	[sflag:s15] =	ssyncset.done $0x0  }
0x19c: {  	s17 =	simm.s32 $0x3E00;
	[sflag:s15] =	ssyncadd.s32 $0xFFFFE000  }
0x19d: {  	[tilespmem:s20], [sflag:$0x1] =	stream.indirect.gather [hbm4b:s4+s18], $0x20, s17, s18, $0xb8;
	[tilespmem:$0xE200] =	vst v63  }
0x19e: {  	_ =	swait.ge [sflag:s26], $0x2000  }
0x19f: {  	[sflag:s26] =	ssyncset.done $0x0  }
0x1a0: {  	s9 =	simm.s32 $0x2900;
	[sflag:s26] =	ssyncadd.s32 $0xFFFFE000  }
0x1a1: {  	[spmem:s1] =	stream.indirect.scatter.add.f32 [tilespmem:s22], [sflag:$0x3], $0x20, s9, s18, $0xb8;
	[tilespmem:$0xE200] =	vst v63  }
0x1a2: {  	_ =	swait.ge [sflag:s15], $0x2000  }
0x1a3: {  	[sflag:s15] =	ssyncset.done $0x0  }
0x1a4: {  	s17 =	simm.s32 $0x3F00;
	[sflag:s15] =	ssyncadd.s32 $0xFFFFE000  }
0x1a5: {  	[tilespmem:s22], [sflag:$0x2] =	stream.indirect.gather [hbm4b:s4+s18], $0x20, s17, s18, $0xb8;
	[tilespmem:$0xE200] =	vst v63  }
0x1a6: {  	_ =	swait.ge [sflag:s23], $0x2000  }
0x1a7: {  	[sflag:s23] =	ssyncset.done $0x0  }
0x1a8: {  	s9 =	simm.s32 $0x2A00;
	[sflag:s23] =	ssyncadd.s32 $0xFFFFE000  }
0x1a9: {  	[spmem:s1] =	stream.indirect.scatter.add.f32 [tilespmem:s20], [sflag:$0x3], $0x20, s9, s18, $0xb8;
	[tilespmem:$0xE200] =	vst v63  }
0x1aa: {  	_ =	swait.ge [sflag:s15], $0x2000  }
0x1ab: {  	[sflag:s15] =	ssyncset.done $0x0  }
0x1ac: {  	s17 =	simm.s32 $0x4000;
	[sflag:s15] =	ssyncadd.s32 $0xFFFFE000  }
0x1ad: {  	[tilespmem:s20], [sflag:$0x1] =	stream.indirect.gather [hbm4b:s4+s18], $0x20, s17, s18, $0xb8;
	[tilespmem:$0xE200] =	vst v63  }
0x1ae: {  	_ =	swait.ge [sflag:s26], $0x2000  }
0x1af: {  	[sflag:s26] =	ssyncset.done $0x0  }
0x1b0: {  	s9 =	simm.s32 $0x2B00;
	[sflag:s26] =	ssyncadd.s32 $0xFFFFE000  }
0x1b1: {  	[spmem:s1] =	stream.indirect.scatter.add.f32 [tilespmem:s22], [sflag:$0x3], $0x20, s9, s18, $0xb8;
	[tilespmem:$0xE200] =	vst v63  }
0x1b2: {  	_ =	swait.ge [sflag:s15], $0x2000  }
0x1b3: {  	[sflag:s15] =	ssyncset.done $0x0  }
0x1b4: {  	s17 =	simm.s32 $0x4100;
	[sflag:s15] =	ssyncadd.s32 $0xFFFFE000  }
0x1b5: {  	[tilespmem:s22], [sflag:$0x2] =	stream.indirect.gather [hbm4b:s4+s18], $0x20, s17, s18, $0xb8;
	[tilespmem:$0xE200] =	vst v63  }
0x1b6: {  	_ =	swait.ge [sflag:s23], $0x2000  }
0x1b7: {  	[sflag:s23] =	ssyncset.done $0x0  }
0x1b8: {  	s9 =	simm.s32 $0x2C00;
	[sflag:s23] =	ssyncadd.s32 $0xFFFFE000  }
0x1b9: {  	[spmem:s1] =	stream.indirect.scatter.add.f32 [tilespmem:s20], [sflag:$0x3], $0x20, s9, s18, $0xb8;
	[tilespmem:$0xE200] =	vst v63  }
0x1ba: {  	_ =	swait.ge [sflag:s15], $0x2000  }
0x1bb: {  	[sflag:s15] =	ssyncset.done $0x0  }
0x1bc: {  	s17 =	simm.s32 $0x4200;
	[sflag:s15] =	ssyncadd.s32 $0xFFFFE000  }
0x1bd: {  	[tilespmem:s20], [sflag:$0x1] =	stream.indirect.gather [hbm4b:s4+s18], $0x20, s17, s18, $0xb8;
	[tilespmem:$0xE200] =	vst v63  }
0x1be: {  	_ =	swait.ge [sflag:s26], $0x2000  }
0x1bf: {  	[sflag:s26] =	ssyncset.done $0x0  }
0x1c0: {  	s9 =	simm.s32 $0x2D00;
	[sflag:s26] =	ssyncadd.s32 $0xFFFFE000  }
0x1c1: {  	[spmem:s1] =	stream.indirect.scatter.add.f32 [tilespmem:s22], [sflag:$0x3], $0x20, s9, s18, $0xb8;
	[tilespmem:$0xE200] =	vst v63  }
0x1c2: {  	_ =	swait.ge [sflag:s15], $0x2000  }
0x1c3: {  	[sflag:s15] =	ssyncset.done $0x0  }
0x1c4: {  	s17 =	simm.s32 $0x4300;
	[sflag:s15] =	ssyncadd.s32 $0xFFFFE000  }
0x1c5: {  	[tilespmem:s22], [sflag:$0x2] =	stream.indirect.gather [hbm4b:s4+s18], $0x20, s17, s18, $0xb8;
	[tilespmem:$0xE200] =	vst v63  }
0x1c6: {  	_ =	swait.ge [sflag:s23], $0x2000  }
0x1c7: {  	[sflag:s23] =	ssyncset.done $0x0  }
0x1c8: {  	s9 =	simm.s32 $0x2E00;
	[sflag:s23] =	ssyncadd.s32 $0xFFFFE000  }
0x1c9: {  	[spmem:s1] =	stream.indirect.scatter.add.f32 [tilespmem:s20], [sflag:$0x3], $0x20, s9, s18, $0xb8;
	[tilespmem:$0xE200] =	vst v63  }
0x1ca: {  	_ =	swait.ge [sflag:s15], $0x2000  }
0x1cb: {  	[sflag:s15] =	ssyncset.done $0x0  }
0x1cc: {  	s17 =	simm.s32 $0x4400;
	[sflag:s15] =	ssyncadd.s32 $0xFFFFE000  }
0x1cd: {  	[tilespmem:s20], [sflag:$0x1] =	stream.indirect.gather [hbm4b:s4+s18], $0x20, s17, s18, $0xb8;
	[tilespmem:$0xE200] =	vst v63  }
0x1ce: {  	_ =	swait.ge [sflag:s26], $0x2000  }
0x1cf: {  	[sflag:s26] =	ssyncset.done $0x0  }
0x1d0: {  	s9 =	simm.s32 $0x2F00;
	[sflag:s26] =	ssyncadd.s32 $0xFFFFE000  }
0x1d1: {  	[spmem:s1] =	stream.indirect.scatter.add.f32 [tilespmem:s22], [sflag:$0x3], $0x20, s9, s18, $0xb8;
	[tilespmem:$0xE200] =	vst v63  }
0x1d2: {  	_ =	swait.ge [sflag:s15], $0x2000  }
0x1d3: {  	[sflag:s15] =	ssyncset.done $0x0  }
0x1d4: {  	s17 =	simm.s32 $0x4500;
	[sflag:s15] =	ssyncadd.s32 $0xFFFFE000  }
0x1d5: {  	[tilespmem:s22], [sflag:$0x2] =	stream.indirect.gather [hbm4b:s4+s18], $0x20, s17, s18, $0xb8;
	[tilespmem:$0xE200] =	vst v63  }
0x1d6: {  	_ =	swait.ge [sflag:s23], $0x2000  }
0x1d7: {  	[sflag:s23] =	ssyncset.done $0x0  }
0x1d8: {  	s9 =	simm.s32 $0x3000;
	[sflag:s23] =	ssyncadd.s32 $0xFFFFE000  }
0x1d9: {  	[spmem:s1] =	stream.indirect.scatter.add.f32 [tilespmem:s20], [sflag:$0x3], $0x20, s9, s18, $0xb8;
	[tilespmem:$0xE200] =	vst v63  }
0x1da: {  	_ =	swait.ge [sflag:s15], $0x2000  }
0x1db: {  	[sflag:s15] =	ssyncset.done $0x0  }
0x1dc: {  	s17 =	simm.s32 $0x4600;
	[sflag:s15] =	ssyncadd.s32 $0xFFFFE000  }
0x1dd: {  	[tilespmem:s20], [sflag:$0x1] =	stream.indirect.gather [hbm4b:s4+s18], $0x20, s17, s18, $0xb8;
	[tilespmem:$0xE200] =	vst v63  }
0x1de: {  	_ =	swait.ge [sflag:s26], $0x2000  }
0x1df: {  	[sflag:s26] =	ssyncset.done $0x0  }
0x1e0: {  	s9 =	simm.s32 $0x3100;
	[sflag:s26] =	ssyncadd.s32 $0xFFFFE000  }
0x1e1: {  	[spmem:s1] =	stream.indirect.scatter.add.f32 [tilespmem:s22], [sflag:$0x3], $0x20, s9, s18, $0xb8;
	[tilespmem:$0xE200] =	vst v63  }
0x1e2: {  	_ =	swait.ge [sflag:s15], $0x2000  }
0x1e3: {  	[sflag:s15] =	ssyncset.done $0x0  }
0x1e4: {  	s17 =	simm.s32 $0x4700;
	[sflag:s15] =	ssyncadd.s32 $0xFFFFE000  }
0x1e5: {  	[tilespmem:s22], [sflag:$0x2] =	stream.indirect.gather [hbm4b:s4+s18], $0x20, s17, s18, $0xb8;
	[tilespmem:$0xE200] =	vst v63  }
0x1e6: {  	_ =	swait.ge [sflag:s23], $0x2000  }
0x1e7: {  	[sflag:s23] =	ssyncset.done $0x0  }
0x1e8: {  	s9 =	simm.s32 $0x3200;
	[sflag:s23] =	ssyncadd.s32 $0xFFFFE000  }
0x1e9: {  	[spmem:s1] =	stream.indirect.scatter.add.f32 [tilespmem:s20], [sflag:$0x3], $0x20, s9, s18, $0xb8;
	[tilespmem:$0xE200] =	vst v63  }
0x1ea: {  	_ =	swait.ge [sflag:s15], $0x2000  }
0x1eb: {  	[sflag:s15] =	ssyncset.done $0x0  }
0x1ec: {  	s17 =	simm.s32 $0x4800;
	[sflag:s15] =	ssyncadd.s32 $0xFFFFE000  }
0x1ed: {  	[tilespmem:s20], [sflag:$0x1] =	stream.indirect.gather [hbm4b:s4+s18], $0x20, s17, s18, $0xb8;
	[tilespmem:$0xE200] =	vst v63  }
0x1ee: {  	_ =	swait.ge [sflag:s26], $0x2000  }
0x1ef: {  	[sflag:s26] =	ssyncset.done $0x0  }
0x1f0: {  	s9 =	simm.s32 $0x3300;
	[sflag:s26] =	ssyncadd.s32 $0xFFFFE000  }
0x1f1: {  	[spmem:s1] =	stream.indirect.scatter.add.f32 [tilespmem:s22], [sflag:$0x3], $0x20, s9, s18, $0xb8;
	[tilespmem:$0xE200] =	vst v63  }
0x1f2: {  	_ =	swait.ge [sflag:s15], $0x2000  }
0x1f3: {  	[sflag:s15] =	ssyncset.done $0x0  }
0x1f4: {  	s17 =	simm.s32 $0x4900;
	[sflag:s15] =	ssyncadd.s32 $0xFFFFE000  }
0x1f5: {  	[tilespmem:s22], [sflag:$0x2] =	stream.indirect.gather [hbm4b:s4+s18], $0x20, s17, s18, $0xb8;
	[tilespmem:$0xE200] =	vst v63  }
0x1f6: {  	_ =	swait.ge [sflag:s23], $0x2000  }
0x1f7: {  	[sflag:s23] =	ssyncset.done $0x0  }
0x1f8: {  	s9 =	simm.s32 $0x3400;
	[sflag:s23] =	ssyncadd.s32 $0xFFFFE000  }
0x1f9: {  	[spmem:s1] =	stream.indirect.scatter.add.f32 [tilespmem:s20], [sflag:$0x3], $0x20, s9, s18, $0xb8;
	[tilespmem:$0xE200] =	vst v63  }
0x1fa: {  	_ =	swait.ge [sflag:s15], $0x2000  }
0x1fb: {  	[sflag:s15] =	ssyncset.done $0x0  }
0x1fc: {  	s17 =	simm.s32 $0x4A00;
	[sflag:s15] =	ssyncadd.s32 $0xFFFFE000  }
0x1fd: {  	[tilespmem:s20], [sflag:$0x1] =	stream.indirect.gather [hbm4b:s4+s18], $0x20, s17, s18, $0xb8;
	[tilespmem:$0xE200] =	vst v63  }
0x1fe: {  	_ =	swait.ge [sflag:s26], $0x2000  }
0x1ff: {  	[sflag:s26] =	ssyncset.done $0x0  }
0x200: {  	[sflag:s26] =	ssyncadd.s32 $0xFFFFE000  }
0x201: {  	[spmem:s1] =	stream.indirect.scatter.add.f32 [tilespmem:s22], [sflag:$0x3], $0x20, s19, s18, $0xb8;
	[tilespmem:$0xE200] =	vst v63  }
0x202: {  	_ =	swait.ge [sflag:s15], $0x2000  }
0x203: {  	[sflag:s15] =	ssyncset.done $0x0  }
0x204: {  	[sflag:s15] =	ssyncadd.s32 $0xFFFFE000  }
0x205: {  	[tilespmem:s22], [sflag:$0x2] =	stream.indirect.gather [hbm4b:s4+s18], $0x20, s21, s18, $0xb8;
	[tilespmem:$0xE200] =	vst v63  }
0x206: {  	_ =	swait.ge [sflag:s23], $0x2000  }
0x207: {  	[sflag:s23] =	ssyncset.done $0x0  }
0x208: {  	[sflag:s23] =	ssyncadd.s32 $0xFFFFE000  }
0x209: {  	[spmem:s1] =	stream.indirect.scatter.add.f32 [tilespmem:s20], [sflag:$0x3], $0x20, s24, s18, $0xb8;
	[tilespmem:$0xE200] =	vst v63  }
0x20a: {  	_ =	swait.ge [sflag:s15], $0x2000  }
0x20b: {  	[sflag:s15] =	ssyncset.done $0x0  }
0x20c: {  	[sflag:s15] =	ssyncadd.s32 $0xFFFFE000  }
0x20d: {  	[tilespmem:s20], [sflag:$0x1] =	stream.indirect.gather [hbm4b:s4+s18], $0x20, s28, s18, $0xb8;
	[tilespmem:$0xE200] =	vst v63  }
0x20e: {  	_ =	swait.ge [sflag:s26], $0x2000  }
0x20f: {  	[sflag:s26] =	ssyncset.done $0x0  }
0x210: {  	[sflag:s26] =	ssyncadd.s32 $0xFFFFE000  }
0x211: {  	[spmem:s1] =	stream.indirect.scatter.add.f32 [tilespmem:s22], [sflag:$0x3], $0x20, s6, s18, $0xb8;
	[tilespmem:$0xE200] =	vst v63  }
0x212: {  	_ =	swait.ge [sflag:s15], $0x2000  }
0x213: {  	[sflag:s15] =	ssyncset.done $0x0  }
0x214: {  	[sflag:s15] =	ssyncadd.s32 $0xFFFFE000  }
0x215: {  	[tilespmem:s22], [sflag:$0x2] =	stream.indirect.gather [hbm4b:s4+s18], $0x20, s29, s18, $0xb8;
	[tilespmem:$0xE200] =	vst v63  }
0x216: {  	_ =	swait.ge [sflag:s23], $0x2000  }
0x217: {  	[sflag:s23] =	ssyncset.done $0x0  }
0x218: {  	[sflag:s23] =	ssyncadd.s32 $0xFFFFE000  }
0x219: {  	[spmem:s1] =	stream.indirect.scatter.add.f32 [tilespmem:s20], [sflag:$0x3], $0x20, s7, s18, $0xb8;
	[tilespmem:$0xE200] =	vst v63  }
0x21a: {  	_ =	swait.ge [sflag:s15], $0x2000  }
0x21b: {  	[sflag:s15] =	ssyncset.done $0x0  }
0x21c: {  	[sflag:s15] =	ssyncadd.s32 $0xFFFFE000  }
0x21d: {  	[tilespmem:s20], [sflag:$0x1] =	stream.indirect.gather [hbm4b:s4+s18], $0x20, s30, s18, $0xb8;
	[tilespmem:$0xE200] =	vst v63  }
0x21e: {  	_ =	swait.ge [sflag:s26], $0x2000  }
0x21f: {  	[sflag:s26] =	ssyncset.done $0x0  }
0x220: {  	[sflag:s26] =	ssyncadd.s32 $0xFFFFE000  }
0x221: {  	[spmem:s1] =	stream.indirect.scatter.add.f32 [tilespmem:s22], [sflag:$0x3], $0x20, s31, s18, $0xb8;
	[tilespmem:$0xE200] =	vst v63  }
0x222: {  	_ =	swait.ge [sflag:s15], $0x2000  }
0x223: {  	[sflag:s15] =	ssyncset.done $0x0  }
0x224: {  	s9 =	simm.s32 $0x4F00;
	[sflag:s15] =	ssyncadd.s32 $0xFFFFE000  }
0x225: {  	[tilespmem:s22], [sflag:$0x2] =	stream.indirect.gather [hbm4b:s4+s18], $0x20, s9, s18, $0xb8;
	[tilespmem:$0xE200] =	vst v63  }
0x226: {  	_ =	swait.ge [sflag:s23], $0x2000  }
0x227: {  	[sflag:s23] =	ssyncset.done $0x0  }
0x228: {  	[sflag:s23] =	ssyncadd.s32 $0xFFFFE000  }
0x229: {  	[spmem:s1] =	stream.indirect.scatter.add.f32 [tilespmem:s20], [sflag:$0x3], $0x20, s8, s18, $0xb8;
	[tilespmem:$0xE200] =	vst v63  }
0x22a: {  	_ =	swait.ge [sflag:s15], $0x2000  }
0x22b: {  	[sflag:s15] =	ssyncset.done $0x0  }
.Ltmp5:
0x22c: {  	[sflag:s15] =	ssyncadd.s32 $0xFFFFE000;
	(pc) =	sbr.rel .LBB2_10-.Ltmp5, $4  }
0x22d: {  	_ =	swait.ge [sflag:s26], $0x2000  }
0x22e: {  	[sflag:s26] =	ssyncset.done $0x0  }
0x22f: {  	s17 =	simm.s32 $0x3B00;
	[sflag:s26] =	ssyncadd.s32 $0xFFFFE000  }
0x230: {  	[spmem:s1] =	stream.indirect.scatter.add.f32 [tilespmem:s22], [sflag:$0x3], $0x20, s17, s18, $0xb8;
	[tilespmem:$0xE200] =	vst v63  }
.LBB2_7:
0x231: {  	s9 =	rddreg [dreg:$0x5]  }
0x232: {  	[tilespmem:s0], [sflag:$0x3] =	stream.linear.gather [hbm4b:s9+s0], $0x1300, $0x38;
	[tilespmem:$0xE200] =	vst v63  }
0x233: {  	_ =	swait.ge [sflag:s15], $0x1300  }
0x234: {  	[sflag:s15] =	ssyncset.done $0x0  }
0x235: {  	s17 =	rddreg [dreg:$0x6];
	[sflag:s15] =	ssyncadd.s32 $0xFFFFED00  }
0x236: {  	[tilespmem:s16], [sflag:$0x3] =	stream.linear.gather [hbm4b:s17+s0], $0x1300, $0x38;
	[tilespmem:$0xE200] =	vst v63  }
0x237: {  	_ =	swait.ge [sflag:s15], $0x1300  }
0x238: {  	[sflag:s15] =	ssyncset.done $0x0  }
0x239: {  	s17 =	simm.s32 $0x1400;
	s9 =	rddreg [dreg:$0x7];
	[sflag:s15] =	ssyncadd.s32 $0xFFFFED00  }
0x23a: {  	[tilespmem:s17], [sflag:$0x3] =	stream.linear.gather [hbm4b:s9+s0], $0x1300, $0x38;
	[tilespmem:$0xE200] =	vst v63  }
0x23b: {  	_ =	swait.ge [sflag:s15], $0x1300  }
0x23c: {  	[sflag:s15] =	ssyncset.done $0x0  }
0x23d: {  	s0 =	simm.s32 $0x0;
	[sflag:s15] =	ssyncadd.s32 $0xFFFFED00  }
0x23e: {  	v1 =	vld [tilespmem:s0+$0x14F0]  }
0x23f: {  	v3 =	vld [tilespmem:s0+$0xF0]  }
0x240: {  	v4 =	vld [tilespmem:s0+$0x1410]  }
0x241: {  	v5 =	vld [tilespmem:s0+$0x1420]  }
0x242: {  	v6 =	vld [tilespmem:s0+$0x1430]  }
0x243: {  	v8 =	vld [tilespmem:s0+$0x1440]  }
0x244: {  	v9 =	vld [tilespmem:s0+$0x1450];
	_ =	sdelay $0x1  }
0x245: {  	v10 =	vld [tilespmem:s0+$0x1460];
	v7 =	vshrl.u32 v1, $0x2;
	v3 =	vshll.u32 v3, $0x2;
	v1 =	vand.u32 $0x3, v1  }
0x246: {  	v2 =	vld [tilespmem:s0+$0x1400];
	v14 =	vshrl.u32 v4, $0x2;
	v15 =	vshrl.u32 v5, $0x2;
	v4 =	vand.u32 $0x3, v4  }
0x247: {  	v20 =	vld [tilespmem:s0+$0x0];
	v19 =	vshrl.u32 v6, $0x2;
	v5 =	vand.u32 $0x3, v5;
	v7 =	vmul.u32 $0x9C40, v7  }
0x248: {  	v21 =	vshrl.u32 v8, $0x2;
	v23 =	vshrl.u32 v9, $0x2;
	v27 =	vand.u32 $0x3, v9;
	v9 =	vld [tilespmem:s0+$0x40]  }
0x249: {  	v6 =	vand.u32 $0x3, v6;
	v25 =	vand.u32 $0x3, v8;
	v3 =	vadd.s32 v3, v7;
	v7 =	vld [tilespmem:s0+$0x1470]  }
0x24a: {  	v8 =	vshrl.u32 v10, $0x2;
	v29 =	vand.u32 $0x3, v10;
	v1 =	vor.u32 v1, v3;
	v3 =	vld [tilespmem:s0+$0x1480]  }
0x24b: {  	v22 =	vld [tilespmem:s0+$0x10];
	v14 =	vmul.u32 $0x9C40, v14;
	v15 =	vmul.u32 $0x9C40, v15;
	v19 =	vmul.u32 $0x9C40, v19  }
0x24c: {  	v11 =	vld [tilespmem:s0+$0x1490];
	v21 =	vmul.u32 $0x9C40, v21;
	v23 =	vmul.u32 $0x9C40, v23;
	v28 =	vmul.u32 $0x9C40, v8  }
0x24d: {  	v24 =	vld [tilespmem:s0+$0x20];
	[tilespmem:s0+$0x3CF0] =	vst v1;
	v1 =	vshrl.u32 v2, $0x2;
	v2 =	vand.u32 $0x3, v2;
	v9 =	vshll.u32 v9, $0x2  }
0x24e: {  	v12 =	vld [tilespmem:s0+$0x14A0];
	v1 =	vmul.u32 $0x9C40, v1;
	v8 =	vshrl.u32 v7, $0x2;
	v31 =	vand.u32 $0x3, v7  }
0x24f: {  	v13 =	vld [tilespmem:s0+$0x14B0];
	v30 =	vmul.u32 $0x9C40, v8;
	v8 =	vshll.u32 v20, $0x2;
	v20 =	vshrl.u32 v3, $0x2  }
0x250: {  	v26 =	vld [tilespmem:s0+$0x30];
	v7 =	vshll.u32 v22, $0x2;
	v1 =	vadd.s32 v8, v1;
	v33 =	vmul.u32 $0x9C40, v20  }
0x251: {  	v16 =	vld [tilespmem:s0+$0x14C0];
	v8 =	vshrl.u32 v11, $0x2;
	v2 =	vor.u32 v2, v1;
	v1 =	vand.u32 $0x3, v3  }
0x252: {  	v18 =	vld [tilespmem:s0+$0x14E0];
	v3 =	vadd.s32 v7, v14;
	v7 =	vshll.u32 v24, $0x2;
	[tilespmem:s0+$0x3C00] =	vst v2;
	v2 =	vmul.u32 $0x9C40, v8  }
0x253: {  	v17 =	vld [tilespmem:s0+$0x14D0];
	v4 =	vor.u32 v4, v3;
	v8 =	vshrl.u32 v12, $0x2;
	v3 =	vand.u32 $0x3, v11  }
0x254: {  	v10 =	vld [tilespmem:s0+$0x50];
	v7 =	vadd.s32 v7, v15;
	v11 =	vshrl.u32 v13, $0x2;
	[tilespmem:s0+$0x3C10] =	vst v4;
	v4 =	vmul.u32 $0x9C40, v8  }
0x255: {  	v32 =	vld [tilespmem:s0+$0x60];
	v8 =	vshll.u32 v26, $0x2;
	v7 =	vor.u32 v5, v7;
	v5 =	vand.u32 $0x3, v12  }
0x256: {  	v12 =	vadd.s32 v9, v21;
	v8 =	vadd.s32 v8, v19;
	[tilespmem:s0+$0x3C20] =	vst v7;
	v7 =	vmul.u32 $0x9C40, v11  }
0x257: {  	v20 =	vld [tilespmem:s0+$0x70];
	v11 =	vshrl.u32 v16, $0x2;
	v19 =	vshrl.u32 v18, $0x2;
	v6 =	vor.u32 v6, v8  }
0x258: {  	v22 =	vld [tilespmem:s0+$0x80];
	v8 =	vand.u32 $0x3, v13;
	v9 =	vmul.u32 $0x9C40, v11;
	v11 =	vor.u32 v25, v12  }
0x259: {  	v63 =	vld [tilespmem:s0+$0x90];
	v12 =	vshrl.u32 v17, $0x2;
	v13 =	vand.u32 $0x3, v17;
	[tilespmem:s0+$0x3C30] =	vst v6;
	v6 =	vshll.u32 v10, $0x2  }
0x25a: {  	v14 =	vld [tilespmem:s0+$0xA0];
	v10 =	vand.u32 $0x3, v16;
	[tilespmem:s0+$0x3C40] =	vst v11;
	v11 =	vmul.u32 $0x9C40, v12;
	v12 =	vshll.u32 v32, $0x2  }
0x25b: {  	v15 =	vld [tilespmem:s0+$0xB0];
	v6 =	vadd.s32 v6, v23;
	v17 =	vadd.s32 v12, v28;
	v12 =	vmul.u32 $0x9C40, v19  }
0x25c: {  	v16 =	vld [tilespmem:s0+$0xC0];
	v19 =	vshll.u32 v20, $0x2;
	v6 =	vor.u32 v27, v6;
	v20 =	vor.u32 v29, v17  }
0x25d: {  	v17 =	vld [tilespmem:s0+$0xD0];
	[tilespmem:s0+$0x3C50] =	vst v6;
	v6 =	vand.u32 $0x3, v18;
	v18 =	vadd.s32 v19, v30;
	v19 =	vshll.u32 v22, $0x2  }
0x25e: {  	s9 =	simm.s32 $0x100;
	s17 =	simm.s32 $0x800;
	[tilespmem:s0+$0x3C60] =	vst v20;
	v20 =	vor.u32 v31, v18;
	v21 =	vadd.s32 v19, v33;
	v19 =	vshll.u32 v63, $0x2;
	v18 =	vld [tilespmem:s0+$0xE0]  }
.LBB2_8:
0x25f: {  	p1 =	sne.s32 s17, $0x4800;
	v22 =	vld [tilespmem:s9+$0x14F0];
	[tilespmem:s0+$0x3C70] =	vst v20;
	v1 =	vor.u32 v1, v21;
	v2 =	vadd.s32 v19, v2;
	v14 =	vshll.u32 v14, $0x2  }
0x260: {  	v19 =	vld [tilespmem:s9+$0x1400];
	[tilespmem:s0+$0x3C80] =	vst v1;
	v1 =	vor.u32 v3, v2;
	v2 =	vadd.s32 v14, v4;
	v3 =	vshll.u32 v15, $0x2  }
0x261: {  	v4 =	vld [tilespmem:s9+$0xF0];
	[tilespmem:s0+$0x3C90] =	vst v1;
	v1 =	vor.u32 v5, v2;
	v2 =	vadd.s32 v3, v7;
	v3 =	vshll.u32 v16, $0x2  }
0x262: {  	v5 =	vld [tilespmem:s9+$0x1410];
	[tilespmem:s0+$0x3CA0] =	vst v1;
	v1 =	vor.u32 v8, v2;
	v2 =	vadd.s32 v3, v9;
	v3 =	vshll.u32 v17, $0x2  }
0x263: {  	v7 =	vld [tilespmem:s9+$0x1420];
	[tilespmem:s0+$0x3CB0] =	vst v1;
	v1 =	vor.u32 v10, v2;
	v2 =	vadd.s32 v3, v11;
	v3 =	vshll.u32 v18, $0x2  }
0x264: {  	v8 =	vld [tilespmem:s9+$0x1430];
	v9 =	vshrl.u32 v22, $0x2;
	[tilespmem:s0+$0x3CC0] =	vst v1;
	v1 =	vor.u32 v13, v2;
	v2 =	vadd.s32 v3, v12  }
0x265: {  	v3 =	vshrl.u32 v19, $0x2;
	v14 =	vand.u32 $0x3, v19;
	v10 =	vld [tilespmem:s9+$0x1440];
	v9 =	vmul.u32 $0x9C40, v9;
	[tilespmem:s0+$0x3CD0] =	vst v1  }
0x266: {  	v2 =	vor.u32 v6, v2;
	v15 =	vmul.u32 $0x9C40, v3;
	v1 =	vld [tilespmem:s9+$0x1450];
	v3 =	vshll.u32 v4, $0x2  }
0x267: {  	v4 =	vshrl.u32 v5, $0x2;
	v6 =	vld [tilespmem:s9+$0x1460];
	v3 =	vadd.s32 v3, v9;
	v9 =	vand.u32 $0x3, v22;
	[tilespmem:s0+$0x3CE0] =	vst v2;
	s0 =	smov.u32 s9  }
0x268: {  	v16 =	vmul.u32 $0x9C40, v4;
	v2 =	vshrl.u32 v7, $0x2;
	v4 =	vld [tilespmem:s0+$0x1470];
	v3 =	vor.u32 v9, v3  }
0x269: {  	v17 =	vand.u32 $0x3, v5;
	v18 =	vmul.u32 $0x9C40, v2;
	v2 =	vshrl.u32 v8, $0x2;
	v5 =	vld [tilespmem:s0+$0x1480];
	[tilespmem:s0+$0x3CF0] =	vst v3  }
0x26a: {  	v19 =	vand.u32 $0x3, v7;
	v20 =	vmul.u32 $0x9C40, v2;
	v2 =	vshrl.u32 v10, $0x2;
	v3 =	vld [tilespmem:s0+$0x1490]  }
0x26b: {  	v21 =	vand.u32 $0x3, v8;
	v22 =	vmul.u32 $0x9C40, v2;
	v2 =	vshrl.u32 v1, $0x2;
	v7 =	vld [tilespmem:s0+$0x14A0]  }
0x26c: {  	v23 =	vand.u32 $0x3, v10;
	v24 =	vmul.u32 $0x9C40, v2;
	v2 =	vshrl.u32 v6, $0x2;
	v8 =	vld [tilespmem:s0+$0x14B0]  }
0x26d: {  	v25 =	vand.u32 $0x3, v1;
	v26 =	vmul.u32 $0x9C40, v2;
	v1 =	vshrl.u32 v4, $0x2;
	v10 =	vld [tilespmem:s0+$0x14C0]  }
0x26e: {  	v27 =	vand.u32 $0x3, v6;
	v28 =	vmul.u32 $0x9C40, v1;
	v1 =	vshrl.u32 v5, $0x2;
	v6 =	vld [tilespmem:s0+$0x14D0]  }
0x26f: {  	v29 =	vand.u32 $0x3, v4;
	v30 =	vmul.u32 $0x9C40, v1;
	v2 =	vshrl.u32 v3, $0x2;
	v31 =	vld [tilespmem:s0+$0x14E0]  }
0x270: {  	v1 =	vand.u32 $0x3, v5;
	v12 =	vld [tilespmem:s0+$0x0];
	v2 =	vmul.u32 $0x9C40, v2;
	v4 =	vshrl.u32 v7, $0x2  }
0x271: {  	v3 =	vand.u32 $0x3, v3;
	v32 =	vld [tilespmem:s0+$0x10];
	v4 =	vmul.u32 $0x9C40, v4;
	v9 =	vshrl.u32 v8, $0x2  }
0x272: {  	v5 =	vand.u32 $0x3, v7;
	v33 =	vld [tilespmem:s0+$0x20];
	v7 =	vmul.u32 $0x9C40, v9;
	v9 =	vshrl.u32 v10, $0x2  }
0x273: {  	v8 =	vand.u32 $0x3, v8;
	v34 =	vld [tilespmem:s0+$0x30];
	v9 =	vmul.u32 $0x9C40, v9;
	v11 =	vshrl.u32 v6, $0x2  }
0x274: {  	v10 =	vand.u32 $0x3, v10;
	v35 =	vld [tilespmem:s0+$0x40];
	v11 =	vmul.u32 $0x9C40, v11;
	v36 =	vshrl.u32 v31, $0x2  }
0x275: {  	v13 =	vand.u32 $0x3, v6;
	v37 =	vshll.u32 v12, $0x2;
	v38 =	vld [tilespmem:s0+$0x50];
	v12 =	vmul.u32 $0x9C40, v36  }
0x276: {  	v6 =	vand.u32 $0x3, v31;
	v15 =	vadd.s32 v37, v15;
	v32 =	vshll.u32 v32, $0x2;
	v36 =	vld [tilespmem:s0+$0x60]  }
0x277: {  	v14 =	vor.u32 v14, v15;
	v15 =	vadd.s32 v32, v16;
	v16 =	vshll.u32 v33, $0x2;
	v31 =	vld [tilespmem:s0+$0x70]  }
0x278: {  	[tilespmem:s0+$0x3C00] =	vst v14;
	v14 =	vor.u32 v17, v15;
	v15 =	vadd.s32 v16, v18;
	v16 =	vshll.u32 v34, $0x2;
	v17 =	vld [tilespmem:s0+$0x80]  }
0x279: {  	[tilespmem:s0+$0x3C10] =	vst v14;
	v14 =	vor.u32 v19, v15;
	v15 =	vadd.s32 v16, v20;
	v16 =	vshll.u32 v35, $0x2;
	v18 =	vld [tilespmem:s0+$0x90]  }
.Ltmp6:
0x27a: {  	[tilespmem:s0+$0x3C20] =	vst v14;
	v15 =	vor.u32 v21, v15;
	v16 =	vadd.s32 v16, v22;
	v19 =	vshll.u32 v38, $0x2;
	v14 =	vld [tilespmem:s0+$0xA0];
	(pc) =	sbr.rel @p1 .LBB2_8-.Ltmp6, $4  }
0x27b: {  	[tilespmem:s0+$0x3C30] =	vst v15;
	v16 =	vor.u32 v23, v16;
	v19 =	vadd.s32 v19, v24;
	v20 =	vshll.u32 v36, $0x2;
	v15 =	vld [tilespmem:s0+$0xB0]  }
0x27c: {  	[tilespmem:s0+$0x3C40] =	vst v16;
	v19 =	vor.u32 v25, v19;
	v20 =	vadd.s32 v20, v26;
	v21 =	vshll.u32 v31, $0x2;
	v16 =	vld [tilespmem:s0+$0xC0]  }
0x27d: {  	[tilespmem:s0+$0x3C50] =	vst v19;
	v19 =	vor.u32 v27, v20;
	v20 =	vadd.s32 v21, v28;
	v21 =	vshll.u32 v17, $0x2;
	v17 =	vld [tilespmem:s0+$0xD0]  }
0x27e: {  	s9 =	sshra.s32 s17, $0x2;
	s17 =	sadd.s32 $0x400, s17;
	[tilespmem:s0+$0x3C60] =	vst v19;
	v20 =	vor.u32 v29, v20;
	v21 =	vadd.s32 v21, v30;
	v19 =	vshll.u32 v18, $0x2;
	v18 =	vld [tilespmem:s0+$0xE0]  }
.Ltmp7:
0x27f: {  	_ = 	snop;
	(pc) =	sbr.rel .LBB2_9-.Ltmp7, $1  }
0x280: {  	_ =	sdelay $0x3  }
.LBB2_11:
0x281: {  	_ =	sfence.sel $0x180000  }
0x282: {  	[bflag:$0x0] =	sbarrier.arrive $0xFFFF  }
0x283: {  	_ =	strace $0x90000047  }
0x284: {  	[bflag:$0x2] =	sbarrier.arrive $0xFFFF  }
0x285: {  	p0 =	sne.s32 s2, $0x0;
	s0 =	rddreg [dreg:$0x4]  }
0x286: {  	s0 =	sadd.s32 @!p0 $0x100000, s0  }
0x287: {  	[sflag:s0] =	ssyncadd.tile.s32 @!p0 $0x1;
	_ =	shalt  }
.Lfunc_end2:
_tile_overlayer_lowered:
.L_overlay_start_2:
0x288: {  	(tag) =	ssettag $0x2  }
0x289: {  	s0 =	rddreg [dreg:$0x0];
	s2 =	stileid.u32  }
0x28a: {  	s1 =	rddreg [dreg:$0x1];
	p0 =	sne.s32 s2, $0x0  }
0x28b: {  	s3 =	rddreg [dreg:$0x2];
	[bflag:$0x3] =	sbarrier.arrive $0xFFFF;
	s2 =	simm.s32 @!p0 $0x1C03  }
0x28c: {  	[timem:s3], [sflag:s2] =	dma.local @!p0 [hbm:s0], s1  }
0x28d: {  	s0 =	simm.s32 @!p0 $0x3  }
0x28e: {  	_ =	swait.ge @!p0 [sflag:s0], s1  }
0x28f: {  	s1 =	ssub.s32 @!p0 $0x0, s1;
	[sflag:s0] =	ssyncset.done @!p0 $0x0  }
0x290: {  	[sflag:s0] =	ssyncadd.s32 @!p0 s1  }
0x291: {  	[bflag:$0x3] =	sbarrier.arrive $0xFFFF  }
0x292: {  	_ =	shalt  }

</sc_bundles>
